<compile_context>
chip_gen: v7x
topology: tpu7x:2x2x1
jax: 0.10.2.dev20260603
libtpu: 0.0.44.dev20260713+nightly
codegen_flags: <defaults>
</compile_context>

<pallas_src>
import jax
import jax.numpy as jnp
from jax import lax
from jax.experimental import pallas as pl
from jax.experimental.pallas import tpu as pltpu
from jax.experimental.pallas import tpu_sc as plsc

N = 2048
E = 8192
H = 128
K = 64
G = 32

NC = 2
NS = 16
NW = NC * NS
BPW = E // NW
NSEG = N // NS


def _sc_mesh():
    return plsc.VectorSubcoreMesh(core_axis_name="c", subcore_axis_name="s")


L2 = 128
RPW = BPW // L2


def _sc_gather(h, idx2d):

    def body(h_hbm, idx_hbm, out_hbm, idx_v, rows_v, sem, sem2):
        wid = lax.axis_index("s") * NC + lax.axis_index("c")
        row0 = wid * RPW
        pltpu.sync_copy(idx_hbm.at[pl.ds(row0, RPW)], idx_v)
        cps = [pltpu.async_copy(h_hbm.at[idx_v.at[j]], rows_v.at[j], sem)
               for j in range(RPW)]
        for cp in cps:
            cp.wait()
        wps = [pltpu.async_copy(rows_v.at[j],
                                out_hbm.at[pl.ds((row0 + j) * L2, L2)], sem2)
               for j in range(RPW)]
        for wp in wps:
            wp.wait()

    return pl.kernel(
        body,
        out_type=jax.ShapeDtypeStruct((E, H), jnp.float32),
        mesh=_sc_mesh(),
        scratch_types=[
            pltpu.VMEM((RPW, L2), jnp.int32),
            pltpu.VMEM((RPW, L2, H), jnp.float32),
            pltpu.SemaphoreType.DMA,
            pltpu.SemaphoreType.DMA,
        ],
    )(h, idx2d)


def _sc_scatter(msg, idx2d, zeros):
    ne = msg.shape[0]
    bpw = ne // NW
    rpw = bpw // L2

    def body(msg_hbm, idx_hbm, z_hbm, out_hbm, idx_v, rows_v, acc_sh, sem):
        c = lax.axis_index("c")
        s = lax.axis_index("s")
        wid = s * NC + c
        row0 = wid * rpw
        zcp = pltpu.async_copy(z_hbm.at[pl.ds(s * NSEG, NSEG)],
                               acc_sh.at[pl.ds(s * NSEG, NSEG)], sem)
        pltpu.sync_copy(idx_hbm.at[pl.ds(row0, rpw)], idx_v)
        pltpu.sync_copy(msg_hbm.at[pl.ds(row0 * L2, rpw * L2)],
                        rows_v)
        zcp.wait()
        plsc.subcore_barrier()
        for j in range(rpw):
            pltpu.sync_copy(rows_v.at[pl.ds(j * L2, L2)],
                            acc_sh.at[idx_v.at[j]], add=True)
        plsc.subcore_barrier()
        pltpu.sync_copy(acc_sh.at[pl.ds(s * NSEG, NSEG)],
                        out_hbm.at[c, pl.ds(s * NSEG, NSEG)])

    return pl.kernel(
        body,
        out_type=jax.ShapeDtypeStruct((NC, N, H), jnp.float32),
        mesh=_sc_mesh(),
        scratch_types=[
            pltpu.VMEM((rpw, L2), jnp.int32),
            pltpu.VMEM((bpw, H), jnp.float32),
            pltpu.VMEM_SHARED((N, H), jnp.float32),
            pltpu.SemaphoreType.DMA,
        ],
    )(msg, idx2d, zeros)


def _tc_msg(ea2, w1, b1r, hs, w2, b2r):
    TE = 256

    def body(ea_ref, w1_ref, b1_ref, hs_ref, w2_ref, bb_ref, out_ref):
        hm = jnp.maximum(ea_ref[...] * w1_ref[...] + b1_ref[...], 0.0)
        w_tile = (jnp.dot(hm.astype(jnp.bfloat16), w2_ref[...],
                          preferred_element_type=jnp.float32)
                  + bb_ref[...]).astype(jnp.bfloat16).reshape(TE, H, H)
        out_ref[...] = lax.dot_general(
            hs_ref[...].astype(jnp.bfloat16), w_tile,
            (((1,), (1,)), ((0,), (0,))),
            preferred_element_type=jnp.float32)

    ne = hs.shape[0]
    return pl.pallas_call(
        body,
        grid=(ne // TE,),
        in_specs=[
            pl.BlockSpec((TE, 1), lambda i: (i, 0)),
            pl.BlockSpec((1, K), lambda i: (0, 0)),
            pl.BlockSpec((1, K), lambda i: (0, 0)),
            pl.BlockSpec((TE, H), lambda i: (i, 0)),
            pl.BlockSpec((K, H * H), lambda i: (0, 0)),
            pl.BlockSpec((1, H * H), lambda i: (0, 0)),
        ],
        out_specs=pl.BlockSpec((TE, H), lambda i: (i, 0)),
        out_shape=jax.ShapeDtypeStruct((ne, H), jnp.float32),
    )(ea2, w1, b1r, hs, w2, b2r)


def _tc_inv(dst2d):

    def body(d_ref, out_ref):
        nids = lax.broadcasted_iota(jnp.int32, (N, 1), 0)

        def step(r, acc):
            row = d_ref[pl.ds(r, 1), :]
            return acc + jnp.sum((row == nids).astype(jnp.float32),
                                 axis=1, keepdims=True)

        acc = lax.fori_loop(0, E // H, step, jnp.zeros((N, 1), jnp.float32))
        out_ref[...] = 1.0 / jnp.maximum(acc, 1.0)

    return pl.pallas_call(
        body,
        out_shape=jax.ShapeDtypeStruct((N, 1), jnp.float32),
    )(dst2d)


def _tc_update(s2, hprev, root, cbr, inv, resid):
    TN = 256

    def body(s_ref, h_ref, r_ref, cb_ref, inv_ref, out_ref):
        mean = (s_ref[0] + s_ref[1]) * inv_ref[...]
        o = (mean
             + jnp.dot(h_ref[...], r_ref[...],
                       preferred_element_type=jnp.float32)
             + cb_ref[...])
        if resid:
            o = o + h_ref[...]
        out_ref[...] = jnp.maximum(o, 0.0)

    return pl.pallas_call(
        body,
        grid=(N // TN,),
        in_specs=[
            pl.BlockSpec((NC, TN, H), lambda i: (0, i, 0)),
            pl.BlockSpec((TN, H), lambda i: (i, 0)),
            pl.BlockSpec((H, H), lambda i: (0, 0)),
            pl.BlockSpec((1, H), lambda i: (0, 0)),
            pl.BlockSpec((TN, 1), lambda i: (i, 0)),
        ],
        out_specs=pl.BlockSpec((TN, H), lambda i: (i, 0)),
        out_shape=jax.ShapeDtypeStruct((N, H), jnp.float32),
    )(s2, hprev, root, cbr, inv)


def _tc_final(s2, hprev, root, cbr, inv, b2d, gw1, gb1r, gw2t, gb2r,
              l1w, l1br, l2w, l2br, l3w, l3br, lwt, lbr):

    def body(s_ref, h_ref, r_ref, cb_ref, inv_ref, b_ref,
             gw1_ref, gb1_ref, gw2_ref, gb2_ref,
             l1w_ref, l1b_ref, l2w_ref, l2b_ref, l3w_ref, l3b_ref,
             lw_ref, lb_ref, out_ref):
        hp = h_ref[...]
        x3v = jnp.maximum(
            (s_ref[0] + s_ref[1]) * inv_ref[...]
            + jnp.dot(hp, r_ref[...], preferred_element_type=jnp.float32)
            + cb_ref[...] + hp, 0.0)
        gl = jnp.maximum(
            jnp.dot(x3v, gw1_ref[...], preferred_element_type=jnp.float32)
            + gb1_ref[...], 0.0)
        g = (jnp.dot(gl, gw2_ref[...], preferred_element_type=jnp.float32)
             + gb2_ref[...])
        oh = b_ref[...] == lax.broadcasted_iota(jnp.int32, (1, G), 1)
        ohf = oh.astype(jnp.float32)
        neg = jnp.float32(-jnp.inf)
        gmax = jnp.max(jnp.where(oh, g, neg), axis=0, keepdims=True)
        gmax = jnp.where(jnp.isfinite(gmax), gmax, 0.0)
        gmax_n = jnp.sum(ohf * gmax, axis=1, keepdims=True)
        ex = jnp.exp(g - gmax_n)
        den = jnp.sum(ohf * ex, axis=0, keepdims=True)
        den_n = jnp.sum(ohf * den, axis=1, keepdims=True)
        wgt = ex / (den_n + 1e-16)
        wx = wgt * x3v
        bf = jnp.bfloat16
        hi = wx.astype(bf)
        lo = (wx - hi.astype(jnp.float32)).astype(bf)
        lo2 = (wx - hi.astype(jnp.float32) - lo.astype(jnp.float32)).astype(bf)
        cdims = (((0,), (0,)), ((), ()))
        pooled = (lax.dot_general(ohf, hi.astype(jnp.float32), cdims,
                                  preferred_element_type=jnp.float32)
                  + lax.dot_general(ohf, lo.astype(jnp.float32), cdims,
                                    preferred_element_type=jnp.float32)
                  + lax.dot_general(ohf, lo2.astype(jnp.float32), cdims,
                                    preferred_element_type=jnp.float32))
        hh = jnp.maximum(
            jnp.dot(pooled, l1w_ref[...], preferred_element_type=jnp.float32)
            + l1b_ref[...], 0.0)
        hh = jnp.maximum(
            jnp.dot(hh, l2w_ref[...], preferred_element_type=jnp.float32)
            + l2b_ref[...], 0.0)
        hh = jnp.maximum(
            jnp.dot(hh, l3w_ref[...], preferred_element_type=jnp.float32)
            + l3b_ref[...], 0.0)
        out_ref[...] = (jnp.dot(hh, lw_ref[...],
                                preferred_element_type=jnp.float32)
                        + lb_ref[...])

    return pl.pallas_call(
        body,
        out_shape=jax.ShapeDtypeStruct((G, 1), jnp.float32),
    )(s2, hprev, root, cbr, inv, b2d, gw1, gb1r, gw2t, gb2r,
      l1w, l1br, l2w, l2br, l3w, l3br, lwt, lbr)


def kernel(x, edge_index, edge_attr, batch_index,
           m1w1, m1b1, m1w2, m1b2,
           m2w1, m2b1, m2w2, m2b2,
           m3w1, m3b1, m3w2, m3b2,
           root1, cb1, root2, cb2, root3, cb3,
           gw1, gb1, gw2, gb2,
           l1w, l1b, l2w, l2b, l3w, l3b, lw, lb):
    src = edge_index[0].reshape(E // L2, L2)
    dst = edge_index[1].reshape(E // L2, L2)
    ea2 = edge_attr[:, None]
    dst2d = edge_index[1].reshape(E // H, H)
    zeros = jnp.zeros((N, H), jnp.float32)

    inv = _tc_inv(dst2d)

    layers = [
        (m1w1, m1b1, m1w2, m1b2, root1, cb1, False),
        (m2w1, m2b1, m2w2, m2b2, root2, cb2, True),
        (m3w1, m3b1, m3w2, m3b2, root3, cb3, True),
    ]
    h = x
    for w1, b1, w2, b2, root, cb, resid in layers[:2]:
        hs = _sc_gather(h, src)
        msg = _tc_msg(ea2, w1, b1.reshape(1, K), hs,
                      w2.astype(jnp.bfloat16), b2.reshape(1, H * H))
        s2 = _sc_scatter(msg, dst, zeros)
        h = _tc_update(s2, h, root, cb.reshape(1, H), inv, resid)

    w1, b1, w2, b2, root, cb, _ = layers[2]
    hs = _sc_gather(h, src)
    msg = _tc_msg(ea2, w1, b1.reshape(1, K), hs,
                  w2.astype(jnp.bfloat16), b2.reshape(1, H * H))
    s2 = _sc_scatter(msg, dst, zeros)

    return _tc_final(s2, h, root, cb.reshape(1, H), inv,
                     batch_index[:, None], gw1, gb1.reshape(1, K),
                     gw2, gb2.reshape(1, 1),
                     l1w, l1b.reshape(1, H), l2w, l2b.reshape(1, K),
                     l3w, l3b.reshape(1, 16), lw,
                     lb.reshape(1, 1))

# --- scband reference (transcript-rebuilt; emitter-appended) ---
"""Pipeline reference for scband-diffusion-gnn-89721866814193 (READ-ONLY COPY).

The authoritative reference and input builder live on the scoring server;
editing this copy changes nothing except your own understanding.
"""

import jax, jax.numpy as jnp
import numpy as np

N = 2048
E = 8192
F = 128
H = 128
G = 32


def _p(k, shape, fan):
    return jax.random.normal(k, shape, dtype=jnp.float32) / np.sqrt(fan)


def setup_inputs(seed: int = 0):
    key = jax.random.key(seed)
    ks = jax.random.split(key, 40)
    inp = {}
    inp['x'] = jax.random.normal(ks[0], (N, F), dtype=jnp.float32)
    inp['edge_index'] = jax.random.randint(ks[1], (2, E), 0, N, dtype=jnp.int32)
    inp['edge_attr'] = jax.random.uniform(ks[2], (E,), dtype=jnp.float32)
    inp['batch_index'] = jnp.sort(jax.random.randint(ks[3], (N,), 0, G, dtype=jnp.int32))
    names_shapes = [
        ('m1w1', (1, 64), 1), ('m1b1', (64,), 64), ('m1w2', (64, F * H), 64), ('m1b2', (F * H,), F * H),
        ('m2w1', (1, 64), 1), ('m2b1', (64,), 64), ('m2w2', (64, H * H), 64), ('m2b2', (H * H,), H * H),
        ('m3w1', (1, 64), 1), ('m3b1', (64,), 64), ('m3w2', (64, H * H), 64), ('m3b2', (H * H,), H * H),
        ('root1', (F, H), F), ('cb1', (H,), H),
        ('root2', (H, H), H), ('cb2', (H,), H),
        ('root3', (H, H), H), ('cb3', (H,), H),
        ('gw1', (H, 64), H), ('gb1', (64,), 64),
        ('gw2', (64, 1), 64), ('gb2', (1,), 1),
        ('l1w', (H, 128), H), ('l1b', (128,), 128),
        ('l2w', (128, 64), 128), ('l2b', (64,), 64),
        ('l3w', (64, 16), 64), ('l3b', (16,), 16),
        ('lw', (16, 1), 16), ('lb', (1,), 1),
    ]
    for i, (nm, sh, fan) in enumerate(names_shapes):
        inp[nm] = _p(ks[4 + i], sh, fan)
    return inp


def reference(x, edge_index, edge_attr, batch_index,
              m1w1, m1b1, m1w2, m1b2,
              m2w1, m2b1, m2w2, m2b2,
              m3w1, m3b1, m3w2, m3b2,
              root1, cb1, root2, cb2, root3, cb3,
              gw1, gb1, gw2, gb2,
              l1w, l1b, l2w, l2b, l3w, l3b, lw, lb):
    ea = edge_attr[:, None]
    src = edge_index[0]
    dst = edge_index[1]
    n = x.shape[0]

    def nnconv(h_in, w1, b1, w2, b2, root, bias, cin, cout):
        hm = jax.nn.relu(ea @ w1 + b1)
        W = (hm @ w2 + b2).reshape(-1, cin, cout)
        msg = jnp.einsum('ei,eio->eo', h_in[src], W)
        s = jax.ops.segment_sum(msg, dst, num_segments=n)
        cnt = jax.ops.segment_sum(jnp.ones((msg.shape[0],), msg.dtype), dst, num_segments=n)
        mean = s / jnp.maximum(cnt, 1.0)[:, None]
        return mean + h_in @ root + bias

    x1 = jax.nn.relu(nnconv(x, m1w1, m1b1, m1w2, m1b2, root1, cb1, F, H))
    x2 = jax.nn.relu(nnconv(x1, m2w1, m2b1, m2w2, m2b2, root2, cb2, H, H) + x1)
    x3 = jax.nn.relu(nnconv(x2, m3w1, m3b1, m3w2, m3b2, root3, cb3, H, H) + x2)

    g = (jax.nn.relu(x3 @ gw1 + gb1) @ gw2 + gb2)[:, 0]
    gmax = jax.ops.segment_max(g, batch_index, num_segments=G)
    gmax = jnp.where(jnp.isfinite(gmax), gmax, 0.0)
    ex = jnp.exp(g - gmax[batch_index])
    den = jax.ops.segment_sum(ex, batch_index, num_segments=G)
    wgt = ex / (den[batch_index] + 1e-16)
    pooled = jax.ops.segment_sum(wgt[:, None] * x3, batch_index, num_segments=G)

    h = jax.nn.relu(pooled @ l1w + l1b)
    h = jax.nn.relu(h @ l2w + l2b)
    h = jax.nn.relu(h @ l3w + l3b)
    return h @ lw + lb

if __name__ == "__main__":
    import jax
    _d = setup_inputs()
    print(jax.jit(kernel)(*tuple(_d.values())))

</pallas_src>

<mosaic_0001>
#map = affine_map<(d0, d1) -> (0, 0)>
module attributes {stable_mosaic.version = 14 : i64} {
  func.func @body(%arg0: i32, %arg1: i32, %arg2: memref<2048x128xf32, #tpu.memory_space<hbm>>, %arg3: memref<64x128xi32, #tpu.memory_space<hbm>>, %arg4: memref<8192x128xf32, #tpu.memory_space<hbm>>, %arg5: memref<2x128xi32, #tpu.memory_space<vmem>>, %arg6: memref<2x128x128xf32, #tpu.memory_space<vmem>>, %arg7: memref<!tpu.dma_semaphore, #tpu.memory_space<semaphore_mem>>, %arg8: memref<!tpu.dma_semaphore, #tpu.memory_space<semaphore_mem>>) attributes {dimension_semantics = [#tpu.dimension_semantics<core_parallel>, #tpu.dimension_semantics<subcore_parallel>], iteration_bounds = array<i64: 2, 16>, scalar_prefetch = 0 : i64, scratch_operands = 4 : i64, tpu.core_type = #tpu.core_type<sc_vector_subcore>, window_params = [{transform_indices = #map}, {transform_indices = #map}, {transform_indices = #map}]} {
    %mul3A = arith.constant 2 : i32
    %mul3A_0 = arith.muli %arg1, %mul3A : i32
    %add3A = arith.addi %mul3A_0, %arg0 : i32
    %mul3A_1 = arith.constant 2 : i32
    %mul3A_2 = arith.muli %add3A, %mul3A_1 : i32
    "tpu.region"() ({
      %run_scoped3A = tpu.sem_alloc : memref<!tpu.dma_semaphore, #tpu.memory_space<semaphore_mem>>
      %dma_start3A_109 = arith.constant 0 : i32
      %dma_start3A_110 = tpu.memref_slice %arg3[%mul3A_2, %dma_start3A_109] : memref<64x128xi32, #tpu.memory_space<hbm>> -> memref<2x128xi32, #tpu.memory_space<hbm>>
      %dma_start3A_111 = arith.constant 0 : i32
      %dma_start3A_112 = tpu.memref_slice %arg3[%mul3A_2, %dma_start3A_111] : memref<64x128xi32, #tpu.memory_space<hbm>> -> memref<2x128xi32, #tpu.memory_space<hbm>>
      tpu.enqueue_dma source(%dma_start3A_112 : memref<2x128xi32, #tpu.memory_space<hbm>>) target(%arg5 : memref<2x128xi32, #tpu.memory_space<vmem>>) target_semaphore(%run_scoped3A : memref<!tpu.dma_semaphore, #tpu.memory_space<semaphore_mem>>)
      %dma_wait3A_113 = arith.constant 0 : i32
      %dma_wait3A_114 = tpu.memref_slice %arg3[%mul3A_2, %dma_wait3A_113] : memref<64x128xi32, #tpu.memory_space<hbm>> -> memref<2x128xi32, #tpu.memory_space<hbm>>
      %dma_wait3A_115 = arith.constant 0 : i32
      %dma_wait3A_116 = tpu.memref_slice %arg3[%mul3A_2, %dma_wait3A_115] : memref<64x128xi32, #tpu.memory_space<hbm>> -> memref<2x128xi32, #tpu.memory_space<hbm>>
      tpu.wait_dma2 semaphore(%run_scoped3A : memref<!tpu.dma_semaphore, #tpu.memory_space<semaphore_mem>>) src(%dma_wait3A_116 : memref<2x128xi32, #tpu.memory_space<hbm>>) dst(%arg5 : memref<2x128xi32, #tpu.memory_space<vmem>>)
      tpu.yield
    }) : () -> ()
    %dma_start3A = arith.constant 0 : i32
    %dma_start3A_3 = arith.constant 0 : i32
    %dma_start3A_4 = arith.constant 0 : i32
    %dma_start3A_5 = arith.constant 0 : i32
    %dma_start3A_6 = tpu.memref_slice %arg6[%dma_start3A_3, %dma_start3A_4, %dma_start3A_5] : memref<2x128x128xf32, #tpu.memory_space<vmem>> -> memref<1x128x128xf32, #tpu.memory_space<vmem>>
    %dma_start3A_7 = tpu.memref_squeeze %dma_start3A_6 : memref<1x128x128xf32, #tpu.memory_space<vmem>> -> memref<128x128xf32, #tpu.memory_space<vmem>>
    %dma_start3A_8 = arith.constant 0 : i32
    %dma_start3A_9 = tpu.memref_slice %arg5[%dma_start3A, %dma_start3A_8] : memref<2x128xi32, #tpu.memory_space<vmem>> -> memref<1x128xi32, #tpu.memory_space<vmem>>
    %dma_start3A_10 = tpu.memref_squeeze %dma_start3A_9 : memref<1x128xi32, #tpu.memory_space<vmem>> -> memref<128xi32, #tpu.memory_space<vmem>>
    %dma_start3A_11 = arith.constant 0 : i32
    %dma_start3A_12 = arith.constant 0 : i32
    %dma_start3A_13 = tpu.memref_slice %arg2[%dma_start3A_11, %dma_start3A_12] : memref<2048x128xf32, #tpu.memory_space<hbm>> -> memref<2048x128xf32, #tpu.memory_space<hbm>>
    tpu.enqueue_indirect_dma source(%dma_start3A_13 : memref<2048x128xf32, #tpu.memory_space<hbm>>) target(%dma_start3A_7 : memref<128x128xf32, #tpu.memory_space<vmem>>) offsets(%dma_start3A_10 : memref<128xi32, #tpu.memory_space<vmem>>) semaphore(%arg7 : memref<!tpu.dma_semaphore, #tpu.memory_space<semaphore_mem>>)
    %dma_start3A_14 = arith.constant 1 : i32
    %dma_start3A_15 = arith.constant 1 : i32
    %dma_start3A_16 = arith.constant 0 : i32
    %dma_start3A_17 = arith.constant 0 : i32
    %dma_start3A_18 = tpu.memref_slice %arg6[%dma_start3A_15, %dma_start3A_16, %dma_start3A_17] : memref<2x128x128xf32, #tpu.memory_space<vmem>> -> memref<1x128x128xf32, #tpu.memory_space<vmem>>
    %dma_start3A_19 = tpu.memref_squeeze %dma_start3A_18 : memref<1x128x128xf32, #tpu.memory_space<vmem>> -> memref<128x128xf32, #tpu.memory_space<vmem>>
    %dma_start3A_20 = arith.constant 0 : i32
    %dma_start3A_21 = tpu.memref_slice %arg5[%dma_start3A_14, %dma_start3A_20] : memref<2x128xi32, #tpu.memory_space<vmem>> -> memref<1x128xi32, #tpu.memory_space<vmem>>
    %dma_start3A_22 = tpu.memref_squeeze %dma_start3A_21 : memref<1x128xi32, #tpu.memory_space<vmem>> -> memref<128xi32, #tpu.memory_space<vmem>>
    %dma_start3A_23 = arith.constant 0 : i32
    %dma_start3A_24 = arith.constant 0 : i32
    %dma_start3A_25 = tpu.memref_slice %arg2[%dma_start3A_23, %dma_start3A_24] : memref<2048x128xf32, #tpu.memory_space<hbm>> -> memref<2048x128xf32, #tpu.memory_space<hbm>>
    tpu.enqueue_indirect_dma source(%dma_start3A_25 : memref<2048x128xf32, #tpu.memory_space<hbm>>) target(%dma_start3A_19 : memref<128x128xf32, #tpu.memory_space<vmem>>) offsets(%dma_start3A_22 : memref<128xi32, #tpu.memory_space<vmem>>) semaphore(%arg7 : memref<!tpu.dma_semaphore, #tpu.memory_space<semaphore_mem>>)
    %dma_wait3A = arith.constant 0 : i32
    %dma_wait3A_26 = arith.constant 0 : i32
    %dma_wait3A_27 = arith.constant 0 : i32
    %dma_wait3A_28 = arith.constant 0 : i32
    %dma_wait3A_29 = tpu.memref_slice %arg6[%dma_wait3A_26, %dma_wait3A_27, %dma_wait3A_28] : memref<2x128x128xf32, #tpu.memory_space<vmem>> -> memref<1x128x128xf32, #tpu.memory_space<vmem>>
    %dma_wait3A_30 = tpu.memref_squeeze %dma_wait3A_29 : memref<1x128x128xf32, #tpu.memory_space<vmem>> -> memref<128x128xf32, #tpu.memory_space<vmem>>
    %dma_wait3A_31 = arith.constant 0 : i32
    %dma_wait3A_32 = tpu.memref_slice %arg5[%dma_wait3A, %dma_wait3A_31] : memref<2x128xi32, #tpu.memory_space<vmem>> -> memref<1x128xi32, #tpu.memory_space<vmem>>
    %dma_wait3A_33 = tpu.memref_squeeze %dma_wait3A_32 : memref<1x128xi32, #tpu.memory_space<vmem>> -> memref<128xi32, #tpu.memory_space<vmem>>
    %dma_wait3A_34 = arith.constant 0 : i32
    %dma_wait3A_35 = arith.constant 0 : i32
    %dma_wait3A_36 = tpu.memref_slice %arg2[%dma_wait3A_34, %dma_wait3A_35] : memref<2048x128xf32, #tpu.memory_space<hbm>> -> memref<2048x128xf32, #tpu.memory_space<hbm>>
    tpu.wait_indirect_dma semaphore(%arg7 : memref<!tpu.dma_semaphore, #tpu.memory_space<semaphore_mem>>) src(%dma_wait3A_36 : memref<2048x128xf32, #tpu.memory_space<hbm>>) dst(%dma_wait3A_30 : memref<128x128xf32, #tpu.memory_space<vmem>>)
    %dma_wait3A_37 = arith.constant 1 : i32
    %dma_wait3A_38 = arith.constant 1 : i32
    %dma_wait3A_39 = arith.constant 0 : i32
    %dma_wait3A_40 = arith.constant 0 : i32
    %dma_wait3A_41 = tpu.memref_slice %arg6[%dma_wait3A_38, %dma_wait3A_39, %dma_wait3A_40] : memref<2x128x128xf32, #tpu.memory_space<vmem>> -> memref<1x128x128xf32, #tpu.memory_space<vmem>>
    %dma_wait3A_42 = tpu.memref_squeeze %dma_wait3A_41 : memref<1x128x128xf32, #tpu.memory_space<vmem>> -> memref<128x128xf32, #tpu.memory_space<vmem>>
    %dma_wait3A_43 = arith.constant 0 : i32
    %dma_wait3A_44 = tpu.memref_slice %arg5[%dma_wait3A_37, %dma_wait3A_43] : memref<2x128xi32, #tpu.memory_space<vmem>> -> memref<1x128xi32, #tpu.memory_space<vmem>>
    %dma_wait3A_45 = tpu.memref_squeeze %dma_wait3A_44 : memref<1x128xi32, #tpu.memory_space<vmem>> -> memref<128xi32, #tpu.memory_space<vmem>>
    %dma_wait3A_46 = arith.constant 0 : i32
    %dma_wait3A_47 = arith.constant 0 : i32
    %dma_wait3A_48 = tpu.memref_slice %arg2[%dma_wait3A_46, %dma_wait3A_47] : memref<2048x128xf32, #tpu.memory_space<hbm>> -> memref<2048x128xf32, #tpu.memory_space<hbm>>
    tpu.wait_indirect_dma semaphore(%arg7 : memref<!tpu.dma_semaphore, #tpu.memory_space<semaphore_mem>>) src(%dma_wait3A_48 : memref<2048x128xf32, #tpu.memory_space<hbm>>) dst(%dma_wait3A_42 : memref<128x128xf32, #tpu.memory_space<vmem>>)
    %add3A_49 = arith.constant 0 : i32
    %add3A_50 = arith.addi %mul3A_2, %add3A_49 : i32
    %mul3A_51 = arith.constant 128 : i32
    %mul3A_52 = arith.muli %add3A_50, %mul3A_51 : i32
    %dma_start3A_53 = arith.constant 0 : i32
    %dma_start3A_54 = arith.constant 0 : i32
    %dma_start3A_55 = arith.constant 0 : i32
    %dma_start3A_56 = tpu.memref_slice %arg6[%dma_start3A_53, %dma_start3A_54, %dma_start3A_55] : memref<2x128x128xf32, #tpu.memory_space<vmem>> -> memref<1x128x128xf32, #tpu.memory_space<vmem>>
    %dma_start3A_57 = tpu.memref_squeeze %dma_start3A_56 : memref<1x128x128xf32, #tpu.memory_space<vmem>> -> memref<128x128xf32, #tpu.memory_space<vmem>>
    %dma_start3A_58 = arith.constant 0 : i32
    %dma_start3A_59 = tpu.memref_slice %arg4[%mul3A_52, %dma_start3A_58] : memref<8192x128xf32, #tpu.memory_space<hbm>> -> memref<128x128xf32, #tpu.memory_space<hbm>>
    %dma_start3A_60 = arith.constant 0 : i32
    %dma_start3A_61 = tpu.memref_slice %arg4[%mul3A_52, %dma_start3A_60] : memref<8192x128xf32, #tpu.memory_space<hbm>> -> memref<128x128xf32, #tpu.memory_space<hbm>>
    %dma_start3A_62 = arith.constant 0 : i32
    %dma_start3A_63 = arith.constant 0 : i32
    %dma_start3A_64 = tpu.memref_slice %arg6[%dma_start3A_53, %dma_start3A_62, %dma_start3A_63] : memref<2x128x128xf32, #tpu.memory_space<vmem>> -> memref<1x128x128xf32, #tpu.memory_space<vmem>>
    %dma_start3A_65 = tpu.memref_squeeze %dma_start3A_64 : memref<1x128x128xf32, #tpu.memory_space<vmem>> -> memref<128x128xf32, #tpu.memory_space<vmem>>
    tpu.enqueue_dma source(%dma_start3A_65 : memref<128x128xf32, #tpu.memory_space<vmem>>) target(%dma_start3A_61 : memref<128x128xf32, #tpu.memory_space<hbm>>) target_semaphore(%arg8 : memref<!tpu.dma_semaphore, #tpu.memory_space<semaphore_mem>>)
    %add3A_66 = arith.constant 1 : i32
    %add3A_67 = arith.addi %mul3A_2, %add3A_66 : i32
    %mul3A_68 = arith.constant 128 : i32
    %mul3A_69 = arith.muli %add3A_67, %mul3A_68 : i32
    %dma_start3A_70 = arith.constant 1 : i32
    %dma_start3A_71 = arith.constant 0 : i32
    %dma_start3A_72 = arith.constant 0 : i32
    %dma_start3A_73 = tpu.memref_slice %arg6[%dma_start3A_70, %dma_start3A_71, %dma_start3A_72] : memref<2x128x128xf32, #tpu.memory_space<vmem>> -> memref<1x128x128xf32, #tpu.memory_space<vmem>>
    %dma_start3A_74 = tpu.memref_squeeze %dma_start3A_73 : memref<1x128x128xf32, #tpu.memory_space<vmem>> -> memref<128x128xf32, #tpu.memory_space<vmem>>
    %dma_start3A_75 = arith.constant 0 : i32
    %dma_start3A_76 = tpu.memref_slice %arg4[%mul3A_69, %dma_start3A_75] : memref<8192x128xf32, #tpu.memory_space<hbm>> -> memref<128x128xf32, #tpu.memory_space<hbm>>
    %dma_start3A_77 = arith.constant 0 : i32
    %dma_start3A_78 = tpu.memref_slice %arg4[%mul3A_69, %dma_start3A_77] : memref<8192x128xf32, #tpu.memory_space<hbm>> -> memref<128x128xf32, #tpu.memory_space<hbm>>
    %dma_start3A_79 = arith.constant 0 : i32
    %dma_start3A_80 = arith.constant 0 : i32
    %dma_start3A_81 = tpu.memref_slice %arg6[%dma_start3A_70, %dma_start3A_79, %dma_start3A_80] : memref<2x128x128xf32, #tpu.memory_space<vmem>> -> memref<1x128x128xf32, #tpu.memory_space<vmem>>
    %dma_start3A_82 = tpu.memref_squeeze %dma_start3A_81 : memref<1x128x128xf32, #tpu.memory_space<vmem>> -> memref<128x128xf32, #tpu.memory_space<vmem>>
    tpu.enqueue_dma source(%dma_start3A_82 : memref<128x128xf32, #tpu.memory_space<vmem>>) target(%dma_start3A_78 : memref<128x128xf32, #tpu.memory_space<hbm>>) target_semaphore(%arg8 : memref<!tpu.dma_semaphore, #tpu.memory_space<semaphore_mem>>)
    %dma_wait3A_83 = arith.constant 0 : i32
    %dma_wait3A_84 = arith.constant 0 : i32
    %dma_wait3A_85 = arith.constant 0 : i32
    %dma_wait3A_86 = tpu.memref_slice %arg6[%dma_wait3A_83, %dma_wait3A_84, %dma_wait3A_85] : memref<2x128x128xf32, #tpu.memory_space<vmem>> -> memref<1x128x128xf32, #tpu.memory_space<vmem>>
    %dma_wait3A_87 = tpu.memref_squeeze %dma_wait3A_86 : memref<1x128x128xf32, #tpu.memory_space<vmem>> -> memref<128x128xf32, #tpu.memory_space<vmem>>
    %dma_wait3A_88 = arith.constant 0 : i32
    %dma_wait3A_89 = tpu.memref_slice %arg4[%mul3A_52, %dma_wait3A_88] : memref<8192x128xf32, #tpu.memory_space<hbm>> -> memref<128x128xf32, #tpu.memory_space<hbm>>
    %dma_wait3A_90 = arith.constant 0 : i32
    %dma_wait3A_91 = tpu.memref_slice %arg4[%mul3A_52, %dma_wait3A_90] : memref<8192x128xf32, #tpu.memory_space<hbm>> -> memref<128x128xf32, #tpu.memory_space<hbm>>
    %dma_wait3A_92 = arith.constant 0 : i32
    %dma_wait3A_93 = arith.constant 0 : i32
    %dma_wait3A_94 = tpu.memref_slice %arg6[%dma_wait3A_83, %dma_wait3A_92, %dma_wait3A_93] : memref<2x128x128xf32, #tpu.memory_space<vmem>> -> memref<1x128x128xf32, #tpu.memory_space<vmem>>
    %dma_wait3A_95 = tpu.memref_squeeze %dma_wait3A_94 : memref<1x128x128xf32, #tpu.memory_space<vmem>> -> memref<128x128xf32, #tpu.memory_space<vmem>>
    tpu.wait_dma2 semaphore(%arg8 : memref<!tpu.dma_semaphore, #tpu.memory_space<semaphore_mem>>) src(%dma_wait3A_95 : memref<128x128xf32, #tpu.memory_space<vmem>>) dst(%dma_wait3A_91 : memref<128x128xf32, #tpu.memory_space<hbm>>)
    %dma_wait3A_96 = arith.constant 1 : i32
    %dma_wait3A_97 = arith.constant 0 : i32
    %dma_wait3A_98 = arith.constant 0 : i32
    %dma_wait3A_99 = tpu.memref_slice %arg6[%dma_wait3A_96, %dma_wait3A_97, %dma_wait3A_98] : memref<2x128x128xf32, #tpu.memory_space<vmem>> -> memref<1x128x128xf32, #tpu.memory_space<vmem>>
    %dma_wait3A_100 = tpu.memref_squeeze %dma_wait3A_99 : memref<1x128x128xf32, #tpu.memory_space<vmem>> -> memref<128x128xf32, #tpu.memory_space<vmem>>
    %dma_wait3A_101 = arith.constant 0 : i32
    %dma_wait3A_102 = tpu.memref_slice %arg4[%mul3A_69, %dma_wait3A_101] : memref<8192x128xf32, #tpu.memory_space<hbm>> -> memref<128x128xf32, #tpu.memory_space<hbm>>
    %dma_wait3A_103 = arith.constant 0 : i32
    %dma_wait3A_104 = tpu.memref_slice %arg4[%mul3A_69, %dma_wait3A_103] : memref<8192x128xf32, #tpu.memory_space<hbm>> -> memref<128x128xf32, #tpu.memory_space<hbm>>
    %dma_wait3A_105 = arith.constant 0 : i32
    %dma_wait3A_106 = arith.constant 0 : i32
    %dma_wait3A_107 = tpu.memref_slice %arg6[%dma_wait3A_96, %dma_wait3A_105, %dma_wait3A_106] : memref<2x128x128xf32, #tpu.memory_space<vmem>> -> memref<1x128x128xf32, #tpu.memory_space<vmem>>
    %dma_wait3A_108 = tpu.memref_squeeze %dma_wait3A_107 : memref<1x128x128xf32, #tpu.memory_space<vmem>> -> memref<128x128xf32, #tpu.memory_space<vmem>>
    tpu.wait_dma2 semaphore(%arg8 : memref<!tpu.dma_semaphore, #tpu.memory_space<semaphore_mem>>) src(%dma_wait3A_108 : memref<128x128xf32, #tpu.memory_space<vmem>>) dst(%dma_wait3A_104 : memref<128x128xf32, #tpu.memory_space<hbm>>)
    return
  }
}

#map = affine_map<(d0, d1) -> (0, 0)>
module attributes {stable_mosaic.version = 14 : i64} {
  func.func @body(%arg0: i32, %arg1: i32, %arg2: memref<2048x128xf32, #tpu.memory_space<hbm>>, %arg3: memref<64x128xi32, #tpu.memory_space<hbm>>, %arg4: memref<8192x128xf32, #tpu.memory_space<hbm>>, %arg5: memref<2x128xi32, #tpu.memory_space<vmem>>, %arg6: memref<2x128x128xf32, #tpu.memory_space<vmem>>, %arg7: memref<!tpu.dma_semaphore, #tpu.memory_space<semaphore_mem>>, %arg8: memref<!tpu.dma_semaphore, #tpu.memory_space<semaphore_mem>>) attributes {dimension_semantics = [#tpu.dimension_semantics<core_parallel>, #tpu.dimension_semantics<subcore_parallel>], iteration_bounds = array<i64: 2, 16>, scalar_prefetch = 0 : i64, scratch_operands = 4 : i64, tpu.core_type = #tpu.core_type<sc_vector_subcore>, window_params = [{transform_indices = #map}, {transform_indices = #map}, {transform_indices = #map}]} {
    %mul3A = arith.constant 2 : i32
    %mul3A_0 = arith.muli %arg1, %mul3A : i32
    %add3A = arith.addi %mul3A_0, %arg0 : i32
    %mul3A_1 = arith.constant 2 : i32
    %mul3A_2 = arith.muli %add3A, %mul3A_1 : i32
    "tpu.region"() ({
      %run_scoped3A = tpu.sem_alloc : memref<!tpu.dma_semaphore, #tpu.memory_space<semaphore_mem>>
      %dma_start3A_109 = arith.constant 0 : i32
      %dma_start3A_110 = tpu.memref_slice %arg3[%mul3A_2, %dma_start3A_109] : memref<64x128xi32, #tpu.memory_space<hbm>> -> memref<2x128xi32, #tpu.memory_space<hbm>>
      %dma_start3A_111 = arith.constant 0 : i32
      %dma_start3A_112 = tpu.memref_slice %arg3[%mul3A_2, %dma_start3A_111] : memref<64x128xi32, #tpu.memory_space<hbm>> -> memref<2x128xi32, #tpu.memory_space<hbm>>
      tpu.enqueue_dma source(%dma_start3A_112 : memref<2x128xi32, #tpu.memory_space<hbm>>) target(%arg5 : memref<2x128xi32, #tpu.memory_space<vmem>>) target_semaphore(%run_scoped3A : memref<!tpu.dma_semaphore, #tpu.memory_space<semaphore_mem>>)
      %dma_wait3A_113 = arith.constant 0 : i32
      %dma_wait3A_114 = tpu.memref_slice %arg3[%mul3A_2, %dma_wait3A_113] : memref<64x128xi32, #tpu.memory_space<hbm>> -> memref<2x128xi32, #tpu.memory_space<hbm>>
      %dma_wait3A_115 = arith.constant 0 : i32
      %dma_wait3A_116 = tpu.memref_slice %arg3[%mul3A_2, %dma_wait3A_115] : memref<64x128xi32, #tpu.memory_space<hbm>> -> memref<2x128xi32, #tpu.memory_space<hbm>>
      tpu.wait_dma2 semaphore(%run_scoped3A : memref<!tpu.dma_semaphore, #tpu.memory_space<semaphore_mem>>) src(%dma_wait3A_116 : memref<2x128xi32, #tpu.memory_space<hbm>>) dst(%arg5 : memref<2x128xi32, #tpu.memory_space<vmem>>)
      tpu.yield
    }) : () -> ()
    %dma_start3A = arith.constant 0 : i32
    %dma_start3A_3 = arith.constant 0 : i32
    %dma_start3A_4 = arith.constant 0 : i32
    %dma_start3A_5 = arith.constant 0 : i32
    %dma_start3A_6 = tpu.memref_slice %arg6[%dma_start3A_3, %dma_start3A_4, %dma_start3A_5] : memref<2x128x128xf32, #tpu.memory_space<vmem>> -> memref<1x128x128xf32, #tpu.memory_space<vmem>>
    %dma_start3A_7 = tpu.memref_squeeze %dma_start3A_6 : memref<1x128x128xf32, #tpu.memory_space<vmem>> -> memref<128x128xf32, #tpu.memory_space<vmem>>
    %dma_start3A_8 = arith.constant 0 : i32
    %dma_start3A_9 = tpu.memref_slice %arg5[%dma_start3A, %dma_start3A_8] : memref<2x128xi32, #tpu.memory_space<vmem>> -> memref<1x128xi32, #tpu.memory_space<vmem>>
    %dma_start3A_10 = tpu.memref_squeeze %dma_start3A_9 : memref<1x128xi32, #tpu.memory_space<vmem>> -> memref<128xi32, #tpu.memory_space<vmem>>
    %dma_start3A_11 = arith.constant 0 : i32
    %dma_start3A_12 = arith.constant 0 : i32
    %dma_start3A_13 = tpu.memref_slice %arg2[%dma_start3A_11, %dma_start3A_12] : memref<2048x128xf32, #tpu.memory_space<hbm>> -> memref<2048x128xf32, #tpu.memory_space<hbm>>
    tpu.enqueue_indirect_dma source(%dma_start3A_13 : memref<2048x128xf32, #tpu.memory_space<hbm>>) target(%dma_start3A_7 : memref<128x128xf32, #tpu.memory_space<vmem>>) offsets(%dma_start3A_10 : memref<128xi32, #tpu.memory_space<vmem>>) semaphore(%arg7 : memref<!tpu.dma_semaphore, #tpu.memory_space<semaphore_mem>>)
    %dma_start3A_14 = arith.constant 1 : i32
    %dma_start3A_15 = arith.constant 1 : i32
    %dma_start3A_16 = arith.constant 0 : i32
    %dma_start3A_17 = arith.constant 0 : i32
    %dma_start3A_18 = tpu.memref_slice %arg6[%dma_start3A_15, %dma_start3A_16, %dma_start3A_17] : memref<2x128x128xf32, #tpu.memory_space<vmem>> -> memref<1x128x128xf32, #tpu.memory_space<vmem>>
    %dma_start3A_19 = tpu.memref_squeeze %dma_start3A_18 : memref<1x128x128xf32, #tpu.memory_space<vmem>> -> memref<128x128xf32, #tpu.memory_space<vmem>>
    %dma_start3A_20 = arith.constant 0 : i32
    %dma_start3A_21 = tpu.memref_slice %arg5[%dma_start3A_14, %dma_start3A_20] : memref<2x128xi32, #tpu.memory_space<vmem>> -> memref<1x128xi32, #tpu.memory_space<vmem>>
    %dma_start3A_22 = tpu.memref_squeeze %dma_start3A_21 : memref<1x128xi32, #tpu.memory_space<vmem>> -> memref<128xi32, #tpu.memory_space<vmem>>
    %dma_start3A_23 = arith.constant 0 : i32
    %dma_start3A_24 = arith.constant 0 : i32
    %dma_start3A_25 = tpu.memref_slice %arg2[%dma_start3A_23, %dma_start3A_24] : memref<2048x128xf32, #tpu.memory_space<hbm>> -> memref<2048x128xf32, #tpu.memory_space<hbm>>
    tpu.enqueue_indirect_dma source(%dma_start3A_25 : memref<2048x128xf32, #tpu.memory_space<hbm>>) target(%dma_start3A_19 : memref<128x128xf32, #tpu.memory_space<vmem>>) offsets(%dma_start3A_22 : memref<128xi32, #tpu.memory_space<vmem>>) semaphore(%arg7 : memref<!tpu.dma_semaphore, #tpu.memory_space<semaphore_mem>>)
    %dma_wait3A = arith.constant 0 : i32
    %dma_wait3A_26 = arith.constant 0 : i32
    %dma_wait3A_27 = arith.constant 0 : i32
    %dma_wait3A_28 = arith.constant 0 : i32
    %dma_wait3A_29 = tpu.memref_slice %arg6[%dma_wait3A_26, %dma_wait3A_27, %dma_wait3A_28] : memref<2x128x128xf32, #tpu.memory_space<vmem>> -> memref<1x128x128xf32, #tpu.memory_space<vmem>>
    %dma_wait3A_30 = tpu.memref_squeeze %dma_wait3A_29 : memref<1x128x128xf32, #tpu.memory_space<vmem>> -> memref<128x128xf32, #tpu.memory_space<vmem>>
    %dma_wait3A_31 = arith.constant 0 : i32
    %dma_wait3A_32 = tpu.memref_slice %arg5[%dma_wait3A, %dma_wait3A_31] : memref<2x128xi32, #tpu.memory_space<vmem>> -> memref<1x128xi32, #tpu.memory_space<vmem>>
    %dma_wait3A_33 = tpu.memref_squeeze %dma_wait3A_32 : memref<1x128xi32, #tpu.memory_space<vmem>> -> memref<128xi32, #tpu.memory_space<vmem>>
    %dma_wait3A_34 = arith.constant 0 : i32
    %dma_wait3A_35 = arith.constant 0 : i32
    %dma_wait3A_36 = tpu.memref_slice %arg2[%dma_wait3A_34, %dma_wait3A_35] : memref<2048x128xf32, #tpu.memory_space<hbm>> -> memref<2048x128xf32, #tpu.memory_space<hbm>>
    tpu.wait_indirect_dma semaphore(%arg7 : memref<!tpu.dma_semaphore, #tpu.memory_space<semaphore_mem>>) src(%dma_wait3A_36 : memref<2048x128xf32, #tpu.memory_space<hbm>>) dst(%dma_wait3A_30 : memref<128x128xf32, #tpu.memory_space<vmem>>)
    %dma_wait3A_37 = arith.constant 1 : i32
    %dma_wait3A_38 = arith.constant 1 : i32
    %dma_wait3A_39 = arith.constant 0 : i32
    %dma_wait3A_40 = arith.constant 0 : i32
    %dma_wait3A_41 = tpu.memref_slice %arg6[%dma_wait3A_38, %dma_wait3A_39, %dma_wait3A_40] : memref<2x128x128xf32, #tpu.memory_space<vmem>> -> memref<1x128x128xf32, #tpu.memory_space<vmem>>
    %dma_wait3A_42 = tpu.memref_squeeze %dma_wait3A_41 : memref<1x128x128xf32, #tpu.memory_space<vmem>> -> memref<128x128xf32, #tpu.memory_space<vmem>>
    %dma_wait3A_43 = arith.constant 0 : i32
    %dma_wait3A_44 = tpu.memref_slice %arg5[%dma_wait3A_37, %dma_wait3A_43] : memref<2x128xi32, #tpu.memory_space<vmem>> -> memref<1x128xi32, #tpu.memory_space<vmem>>
    %dma_wait3A_45 = tpu.memref_squeeze %dma_wait3A_44 : memref<1x128xi32, #tpu.memory_space<vmem>> -> memref<128xi32, #tpu.memory_space<vmem>>
    %dma_wait3A_46 = arith.constant 0 : i32
    %dma_wait3A_47 = arith.constant 0 : i32
    %dma_wait3A_48 = tpu.memref_slice %arg2[%dma_wait3A_46, %dma_wait3A_47] : memref<2048x128xf32, #tpu.memory_space<hbm>> -> memref<2048x128xf32, #tpu.memory_space<hbm>>
    tpu.wait_indirect_dma semaphore(%arg7 : memref<!tpu.dma_semaphore, #tpu.memory_space<semaphore_mem>>) src(%dma_wait3A_48 : memref<2048x128xf32, #tpu.memory_space<hbm>>) dst(%dma_wait3A_42 : memref<128x128xf32, #tpu.memory_space<vmem>>)
    %add3A_49 = arith.constant 0 : i32
    %add3A_50 = arith.addi %mul3A_2, %add3A_49 : i32
    %mul3A_51 = arith.constant 128 : i32
    %mul3A_52 = arith.muli %add3A_50, %mul3A_51 : i32
    %dma_start3A_53 = arith.constant 0 : i32
    %dma_start3A_54 = arith.constant 0 : i32
    %dma_start3A_55 = arith.constant 0 : i32
    %dma_start3A_56 = tpu.memref_slice %arg6[%dma_start3A_53, %dma_start3A_54, %dma_start3A_55] : memref<2x128x128xf32, #tpu.memory_space<vmem>> -> memref<1x128x128xf32, #tpu.memory_space<vmem>>
    %dma_start3A_57 = tpu.memref_squeeze %dma_start3A_56 : memref<1x128x128xf32, #tpu.memory_space<vmem>> -> memref<128x128xf32, #tpu.memory_space<vmem>>
    %dma_start3A_58 = arith.constant 0 : i32
    %dma_start3A_59 = tpu.memref_slice %arg4[%mul3A_52, %dma_start3A_58] : memref<8192x128xf32, #tpu.memory_space<hbm>> -> memref<128x128xf32, #tpu.memory_space<hbm>>
    %dma_start3A_60 = arith.constant 0 : i32
    %dma_start3A_61 = tpu.memref_slice %arg4[%mul3A_52, %dma_start3A_60] : memref<8192x128xf32, #tpu.memory_space<hbm>> -> memref<128x128xf32, #tpu.memory_space<hbm>>
    %dma_start3A_62 = arith.constant 0 : i32
    %dma_start3A_63 = arith.constant 0 : i32
    %dma_start3A_64 = tpu.memref_slice %arg6[%dma_start3A_53, %dma_start3A_62, %dma_start3A_63] : memref<2x128x128xf32, #tpu.memory_space<vmem>> -> memref<1x128x128xf32, #tpu.memory_space<vmem>>
    %dma_start3A_65 = tpu.memref_squeeze %dma_start3A_64 : memref<1x128x128xf32, #tpu.memory_space<vmem>> -> memref<128x128xf32, #tpu.memory_space<vmem>>
    tpu.enqueue_dma source(%dma_start3A_65 : memref<128x128xf32, #tpu.memory_space<vmem>>) target(%dma_start3A_61 : memref<128x128xf32, #tpu.memory_space<hbm>>) target_semaphore(%arg8 : memref<!tpu.dma_semaphore, #tpu.memory_space<semaphore_mem>>)
    %add3A_66 = arith.constant 1 : i32
    %add3A_67 = arith.addi %mul3A_2, %add3A_66 : i32
    %mul3A_68 = arith.constant 128 : i32
    %mul3A_69 = arith.muli %add3A_67, %mul3A_68 : i32
    %dma_start3A_70 = arith.constant 1 : i32
    %dma_start3A_71 = arith.constant 0 : i32
    %dma_start3A_72 = arith.constant 0 : i32
    %dma_start3A_73 = tpu.memref_slice %arg6[%dma_start3A_70, %dma_start3A_71, %dma_start3A_72] : memref<2x128x128xf32, #tpu.memory_space<vmem>> -> memref<1x128x128xf32, #tpu.memory_space<vmem>>
    %dma_start3A_74 = tpu.memref_squeeze %dma_start3A_73 : memref<1x128x128xf32, #tpu.memory_space<vmem>> -> memref<128x128xf32, #tpu.memory_space<vmem>>
    %dma_start3A_75 = arith.constant 0 : i32
    %dma_start3A_76 = tpu.memref_slice %arg4[%mul3A_69, %dma_start3A_75] : memref<8192x128xf32, #tpu.memory_space<hbm>> -> memref<128x128xf32, #tpu.memory_space<hbm>>
    %dma_start3A_77 = arith.constant 0 : i32
    %dma_start3A_78 = tpu.memref_slice %arg4[%mul3A_69, %dma_start3A_77] : memref<8192x128xf32, #tpu.memory_space<hbm>> -> memref<128x128xf32, #tpu.memory_space<hbm>>
    %dma_start3A_79 = arith.constant 0 : i32
    %dma_start3A_80 = arith.constant 0 : i32
    %dma_start3A_81 = tpu.memref_slice %arg6[%dma_start3A_70, %dma_start3A_79, %dma_start3A_80] : memref<2x128x128xf32, #tpu.memory_space<vmem>> -> memref<1x128x128xf32, #tpu.memory_space<vmem>>
    %dma_start3A_82 = tpu.memref_squeeze %dma_start3A_81 : memref<1x128x128xf32, #tpu.memory_space<vmem>> -> memref<128x128xf32, #tpu.memory_space<vmem>>
    tpu.enqueue_dma source(%dma_start3A_82 : memref<128x128xf32, #tpu.memory_space<vmem>>) target(%dma_start3A_78 : memref<128x128xf32, #tpu.memory_space<hbm>>) target_semaphore(%arg8 : memref<!tpu.dma_semaphore, #tpu.memory_space<semaphore_mem>>)
    %dma_wait3A_83 = arith.constant 0 : i32
    %dma_wait3A_84 = arith.constant 0 : i32
    %dma_wait3A_85 = arith.constant 0 : i32
    %dma_wait3A_86 = tpu.memref_slice %arg6[%dma_wait3A_83, %dma_wait3A_84, %dma_wait3A_85] : memref<2x128x128xf32, #tpu.memory_space<vmem>> -> memref<1x128x128xf32, #tpu.memory_space<vmem>>
    %dma_wait3A_87 = tpu.memref_squeeze %dma_wait3A_86 : memref<1x128x128xf32, #tpu.memory_space<vmem>> -> memref<128x128xf32, #tpu.memory_space<vmem>>
    %dma_wait3A_88 = arith.constant 0 : i32
    %dma_wait3A_89 = tpu.memref_slice %arg4[%mul3A_52, %dma_wait3A_88] : memref<8192x128xf32, #tpu.memory_space<hbm>> -> memref<128x128xf32, #tpu.memory_space<hbm>>
    %dma_wait3A_90 = arith.constant 0 : i32
    %dma_wait3A_91 = tpu.memref_slice %arg4[%mul3A_52, %dma_wait3A_90] : memref<8192x128xf32, #tpu.memory_space<hbm>> -> memref<128x128xf32, #tpu.memory_space<hbm>>
    %dma_wait3A_92 = arith.constant 0 : i32
    %dma_wait3A_93 = arith.constant 0 : i32
    %dma_wait3A_94 = tpu.memref_slice %arg6[%dma_wait3A_83, %dma_wait3A_92, %dma_wait3A_93] : memref<2x128x128xf32, #tpu.memory_space<vmem>> -> memref<1x128x128xf32, #tpu.memory_space<vmem>>
    %dma_wait3A_95 = tpu.memref_squeeze %dma_wait3A_94 : memref<1x128x128xf32, #tpu.memory_space<vmem>> -> memref<128x128xf32, #tpu.memory_space<vmem>>
    tpu.wait_dma2 semaphore(%arg8 : memref<!tpu.dma_semaphore, #tpu.memory_space<semaphore_mem>>) src(%dma_wait3A_95 : memref<128x128xf32, #tpu.memory_space<vmem>>) dst(%dma_wait3A_91 : memref<128x128xf32, #tpu.memory_space<hbm>>)
    %dma_wait3A_96 = arith.constant 1 : i32
    %dma_wait3A_97 = arith.constant 0 : i32
    %dma_wait3A_98 = arith.constant 0 : i32
    %dma_wait3A_99 = tpu.memref_slice %arg6[%dma_wait3A_96, %dma_wait3A_97, %dma_wait3A_98] : memref<2x128x128xf32, #tpu.memory_space<vmem>> -> memref<1x128x128xf32, #tpu.memory_space<vmem>>
    %dma_wait3A_100 = tpu.memref_squeeze %dma_wait3A_99 : memref<1x128x128xf32, #tpu.memory_space<vmem>> -> memref<128x128xf32, #tpu.memory_space<vmem>>
    %dma_wait3A_101 = arith.constant 0 : i32
    %dma_wait3A_102 = tpu.memref_slice %arg4[%mul3A_69, %dma_wait3A_101] : memref<8192x128xf32, #tpu.memory_space<hbm>> -> memref<128x128xf32, #tpu.memory_space<hbm>>
    %dma_wait3A_103 = arith.constant 0 : i32
    %dma_wait3A_104 = tpu.memref_slice %arg4[%mul3A_69, %dma_wait3A_103] : memref<8192x128xf32, #tpu.memory_space<hbm>> -> memref<128x128xf32, #tpu.memory_space<hbm>>
    %dma_wait3A_105 = arith.constant 0 : i32
    %dma_wait3A_106 = arith.constant 0 : i32
    %dma_wait3A_107 = tpu.memref_slice %arg6[%dma_wait3A_96, %dma_wait3A_105, %dma_wait3A_106] : memref<2x128x128xf32, #tpu.memory_space<vmem>> -> memref<1x128x128xf32, #tpu.memory_space<vmem>>
    %dma_wait3A_108 = tpu.memref_squeeze %dma_wait3A_107 : memref<1x128x128xf32, #tpu.memory_space<vmem>> -> memref<128x128xf32, #tpu.memory_space<vmem>>
    tpu.wait_dma2 semaphore(%arg8 : memref<!tpu.dma_semaphore, #tpu.memory_space<semaphore_mem>>) src(%dma_wait3A_108 : memref<128x128xf32, #tpu.memory_space<vmem>>) dst(%dma_wait3A_104 : memref<128x128xf32, #tpu.memory_space<hbm>>)
    return
  }
}

#map = affine_map<(d0, d1) -> (0, 0)>
#map1 = affine_map<(d0, d1) -> (0, 0, 0)>
module attributes {stable_mosaic.version = 14 : i64} {
  func.func @body(%arg0: i32, %arg1: i32, %arg2: memref<8192x128xf32, #tpu.memory_space<hbm>>, %arg3: memref<64x128xi32, #tpu.memory_space<hbm>>, %arg4: memref<2048x128xf32, #tpu.memory_space<hbm>>, %arg5: memref<2x2048x128xf32, #tpu.memory_space<hbm>>, %arg6: memref<2x128xi32, #tpu.memory_space<vmem>>, %arg7: memref<256x128xf32, #tpu.memory_space<vmem>>, %arg8: memref<2048x128xf32, #tpu.memory_space<vmem_shared>>, %arg9: memref<!tpu.dma_semaphore, #tpu.memory_space<semaphore_mem>>) attributes {dimension_semantics = [#tpu.dimension_semantics<core_parallel>, #tpu.dimension_semantics<subcore_parallel>], iteration_bounds = array<i64: 2, 16>, scalar_prefetch = 0 : i64, scratch_operands = 4 : i64, tpu.core_type = #tpu.core_type<sc_vector_subcore>, window_params = [{transform_indices = #map}, {transform_indices = #map}, {transform_indices = #map}, {transform_indices = #map1}]} {
    %mul3A = arith.constant 2 : i32
    %mul3A_0 = arith.muli %arg1, %mul3A : i32
    %add3A = arith.addi %mul3A_0, %arg0 : i32
    %mul3A_1 = arith.constant 2 : i32
    %mul3A_2 = arith.muli %add3A, %mul3A_1 : i32
    %mul3A_3 = arith.constant 128 : i32
    %mul3A_4 = arith.muli %arg1, %mul3A_3 : i32
    %mul3A_5 = arith.constant 128 : i32
    %mul3A_6 = arith.muli %arg1, %mul3A_5 : i32
    %dma_start3A = arith.constant 0 : i32
    %dma_start3A_7 = tpu.memref_slice %arg8[%mul3A_6, %dma_start3A] : memref<2048x128xf32, #tpu.memory_space<vmem_shared>> -> memref<128x128xf32, #tpu.memory_space<vmem_shared>>
    %dma_start3A_8 = arith.constant 0 : i32
    %dma_start3A_9 = tpu.memref_slice %arg4[%mul3A_4, %dma_start3A_8] : memref<2048x128xf32, #tpu.memory_space<hbm>> -> memref<128x128xf32, #tpu.memory_space<hbm>>
    tpu.enqueue_dma source(%dma_start3A_9 : memref<128x128xf32, #tpu.memory_space<hbm>>) target(%dma_start3A_7 : memref<128x128xf32, #tpu.memory_space<vmem_shared>>) target_semaphore(%arg9 : memref<!tpu.dma_semaphore, #tpu.memory_space<semaphore_mem>>)
    "tpu.region"() ({
      %run_scoped3A_21 = tpu.sem_alloc : memref<!tpu.dma_semaphore, #tpu.memory_space<semaphore_mem>>
      %dma_start3A_22 = arith.constant 0 : i32
      %dma_start3A_23 = tpu.memref_slice %arg3[%mul3A_2, %dma_start3A_22] : memref<64x128xi32, #tpu.memory_space<hbm>> -> memref<2x128xi32, #tpu.memory_space<hbm>>
      %dma_start3A_24 = arith.constant 0 : i32
      %dma_start3A_25 = tpu.memref_slice %arg3[%mul3A_2, %dma_start3A_24] : memref<64x128xi32, #tpu.memory_space<hbm>> -> memref<2x128xi32, #tpu.memory_space<hbm>>
      tpu.enqueue_dma source(%dma_start3A_25 : memref<2x128xi32, #tpu.memory_space<hbm>>) target(%arg6 : memref<2x128xi32, #tpu.memory_space<vmem>>) target_semaphore(%run_scoped3A_21 : memref<!tpu.dma_semaphore, #tpu.memory_space<semaphore_mem>>)
      %dma_wait3A_26 = arith.constant 0 : i32
      %dma_wait3A_27 = tpu.memref_slice %arg3[%mul3A_2, %dma_wait3A_26] : memref<64x128xi32, #tpu.memory_space<hbm>> -> memref<2x128xi32, #tpu.memory_space<hbm>>
      %dma_wait3A_28 = arith.constant 0 : i32
      %dma_wait3A_29 = tpu.memref_slice %arg3[%mul3A_2, %dma_wait3A_28] : memref<64x128xi32, #tpu.memory_space<hbm>> -> memref<2x128xi32, #tpu.memory_space<hbm>>
      tpu.wait_dma2 semaphore(%run_scoped3A_21 : memref<!tpu.dma_semaphore, #tpu.memory_space<semaphore_mem>>) src(%dma_wait3A_29 : memref<2x128xi32, #tpu.memory_space<hbm>>) dst(%arg6 : memref<2x128xi32, #tpu.memory_space<vmem>>)
      tpu.yield
    }) : () -> ()
    %mul3A_10 = arith.constant 128 : i32
    %mul3A_11 = arith.muli %mul3A_2, %mul3A_10 : i32
    "tpu.region"() ({
      %run_scoped3A_21 = tpu.sem_alloc : memref<!tpu.dma_semaphore, #tpu.memory_space<semaphore_mem>>
      %dma_start3A_22 = arith.constant 0 : i32
      %dma_start3A_23 = tpu.memref_slice %arg2[%mul3A_11, %dma_start3A_22] : memref<8192x128xf32, #tpu.memory_space<hbm>> -> memref<256x128xf32, #tpu.memory_space<hbm>>
      %dma_start3A_24 = arith.constant 0 : i32
      %dma_start3A_25 = tpu.memref_slice %arg2[%mul3A_11, %dma_start3A_24] : memref<8192x128xf32, #tpu.memory_space<hbm>> -> memref<256x128xf32, #tpu.memory_space<hbm>>
      tpu.enqueue_dma source(%dma_start3A_25 : memref<256x128xf32, #tpu.memory_space<hbm>>) target(%arg7 : memref<256x128xf32, #tpu.memory_space<vmem>>) target_semaphore(%run_scoped3A_21 : memref<!tpu.dma_semaphore, #tpu.memory_space<semaphore_mem>>)
      %dma_wait3A_26 = arith.constant 0 : i32
      %dma_wait3A_27 = tpu.memref_slice %arg2[%mul3A_11, %dma_wait3A_26] : memref<8192x128xf32, #tpu.memory_space<hbm>> -> memref<256x128xf32, #tpu.memory_space<hbm>>
      %dma_wait3A_28 = arith.constant 0 : i32
      %dma_wait3A_29 = tpu.memref_slice %arg2[%mul3A_11, %dma_wait3A_28] : memref<8192x128xf32, #tpu.memory_space<hbm>> -> memref<256x128xf32, #tpu.memory_space<hbm>>
      tpu.wait_dma2 semaphore(%run_scoped3A_21 : memref<!tpu.dma_semaphore, #tpu.memory_space<semaphore_mem>>) src(%dma_wait3A_29 : memref<256x128xf32, #tpu.memory_space<hbm>>) dst(%arg7 : memref<256x128xf32, #tpu.memory_space<vmem>>)
      tpu.yield
    }) : () -> ()
    %dma_wait3A = arith.constant 0 : i32
    %dma_wait3A_12 = tpu.memref_slice %arg8[%mul3A_6, %dma_wait3A] : memref<2048x128xf32, #tpu.memory_space<vmem_shared>> -> memref<128x128xf32, #tpu.memory_space<vmem_shared>>
    %dma_wait3A_13 = arith.constant 0 : i32
    %dma_wait3A_14 = tpu.memref_slice %arg4[%mul3A_4, %dma_wait3A_13] : memref<2048x128xf32, #tpu.memory_space<hbm>> -> memref<128x128xf32, #tpu.memory_space<hbm>>
    tpu.wait_dma2 semaphore(%arg9 : memref<!tpu.dma_semaphore, #tpu.memory_space<semaphore_mem>>) src(%dma_wait3A_14 : memref<128x128xf32, #tpu.memory_space<hbm>>) dst(%dma_wait3A_12 : memref<128x128xf32, #tpu.memory_space<vmem_shared>>)
    %barrier3A = arith.constant 0 : index
    tpu.barrier barrier_id(%barrier3A)
    %run_scoped3A = arith.constant 0 : i32
    "tpu.region"() ({
      %run_scoped3A_21 = tpu.sem_alloc : memref<!tpu.dma_semaphore, #tpu.memory_space<semaphore_mem>>
      %dma_start3A_22 = arith.constant 0 : i32
      %dma_start3A_23 = arith.constant 0 : i32
      %dma_start3A_24 = tpu.memref_slice %arg7[%dma_start3A_22, %dma_start3A_23] : memref<256x128xf32, #tpu.memory_space<vmem>> -> memref<128x128xf32, #tpu.memory_space<vmem>>
      %dma_start3A_25 = arith.constant 0 : i32
      %dma_start3A_26 = tpu.memref_slice %arg6[%run_scoped3A, %dma_start3A_25] : memref<2x128xi32, #tpu.memory_space<vmem>> -> memref<1x128xi32, #tpu.memory_space<vmem>>
      %dma_start3A_27 = tpu.memref_squeeze %dma_start3A_26 : memref<1x128xi32, #tpu.memory_space<vmem>> -> memref<128xi32, #tpu.memory_space<vmem>>
      %dma_start3A_28 = arith.constant 0 : i32
      %dma_start3A_29 = arith.constant 0 : i32
      %dma_start3A_30 = tpu.memref_slice %arg8[%dma_start3A_28, %dma_start3A_29] : memref<2048x128xf32, #tpu.memory_space<vmem_shared>> -> memref<2048x128xf32, #tpu.memory_space<vmem_shared>>
      tpu.enqueue_indirect_dma source(%dma_start3A_24 : memref<128x128xf32, #tpu.memory_space<vmem>>) target(%dma_start3A_30 : memref<2048x128xf32, #tpu.memory_space<vmem_shared>>) offsets(%dma_start3A_27 : memref<128xi32, #tpu.memory_space<vmem>>) semaphore(%run_scoped3A_21 : memref<!tpu.dma_semaphore, #tpu.memory_space<semaphore_mem>>) {add = true}
      %dma_wait3A_31 = arith.constant 0 : i32
      %dma_wait3A_32 = arith.constant 0 : i32
      %dma_wait3A_33 = tpu.memref_slice %arg7[%dma_wait3A_31, %dma_wait3A_32] : memref<256x128xf32, #tpu.memory_space<vmem>> -> memref<128x128xf32, #tpu.memory_space<vmem>>
      %dma_wait3A_34 = arith.constant 0 : i32
      %dma_wait3A_35 = tpu.memref_slice %arg6[%run_scoped3A, %dma_wait3A_34] : memref<2x128xi32, #tpu.memory_space<vmem>> -> memref<1x128xi32, #tpu.memory_space<vmem>>
      %dma_wait3A_36 = tpu.memref_squeeze %dma_wait3A_35 : memref<1x128xi32, #tpu.memory_space<vmem>> -> memref<128xi32, #tpu.memory_space<vmem>>
      %dma_wait3A_37 = arith.constant 0 : i32
      %dma_wait3A_38 = arith.constant 0 : i32
      %dma_wait3A_39 = tpu.memref_slice %arg8[%dma_wait3A_37, %dma_wait3A_38] : memref<2048x128xf32, #tpu.memory_space<vmem_shared>> -> memref<2048x128xf32, #tpu.memory_space<vmem_shared>>
      tpu.wait_indirect_dma semaphore(%run_scoped3A_21 : memref<!tpu.dma_semaphore, #tpu.memory_space<semaphore_mem>>) src(%dma_wait3A_33 : memref<128x128xf32, #tpu.memory_space<vmem>>) dst(%dma_wait3A_39 : memref<2048x128xf32, #tpu.memory_space<vmem_shared>>)
      tpu.yield
    }) : () -> ()
    %run_scoped3A_15 = arith.constant 1 : i32
    "tpu.region"() ({
      %run_scoped3A_21 = tpu.sem_alloc : memref<!tpu.dma_semaphore, #tpu.memory_space<semaphore_mem>>
      %dma_start3A_22 = arith.constant 128 : i32
      %dma_start3A_23 = arith.constant 0 : i32
      %dma_start3A_24 = tpu.memref_slice %arg7[%dma_start3A_22, %dma_start3A_23] : memref<256x128xf32, #tpu.memory_space<vmem>> -> memref<128x128xf32, #tpu.memory_space<vmem>>
      %dma_start3A_25 = arith.constant 0 : i32
      %dma_start3A_26 = tpu.memref_slice %arg6[%run_scoped3A_15, %dma_start3A_25] : memref<2x128xi32, #tpu.memory_space<vmem>> -> memref<1x128xi32, #tpu.memory_space<vmem>>
      %dma_start3A_27 = tpu.memref_squeeze %dma_start3A_26 : memref<1x128xi32, #tpu.memory_space<vmem>> -> memref<128xi32, #tpu.memory_space<vmem>>
      %dma_start3A_28 = arith.constant 0 : i32
      %dma_start3A_29 = arith.constant 0 : i32
      %dma_start3A_30 = tpu.memref_slice %arg8[%dma_start3A_28, %dma_start3A_29] : memref<2048x128xf32, #tpu.memory_space<vmem_shared>> -> memref<2048x128xf32, #tpu.memory_space<vmem_shared>>
      tpu.enqueue_indirect_dma source(%dma_start3A_24 : memref<128x128xf32, #tpu.memory_space<vmem>>) target(%dma_start3A_30 : memref<2048x128xf32, #tpu.memory_space<vmem_shared>>) offsets(%dma_start3A_27 : memref<128xi32, #tpu.memory_space<vmem>>) semaphore(%run_scoped3A_21 : memref<!tpu.dma_semaphore, #tpu.memory_space<semaphore_mem>>) {add = true}
      %dma_wait3A_31 = arith.constant 128 : i32
      %dma_wait3A_32 = arith.constant 0 : i32
      %dma_wait3A_33 = tpu.memref_slice %arg7[%dma_wait3A_31, %dma_wait3A_32] : memref<256x128xf32, #tpu.memory_space<vmem>> -> memref<128x128xf32, #tpu.memory_space<vmem>>
      %dma_wait3A_34 = arith.constant 0 : i32
      %dma_wait3A_35 = tpu.memref_slice %arg6[%run_scoped3A_15, %dma_wait3A_34] : memref<2x128xi32, #tpu.memory_space<vmem>> -> memref<1x128xi32, #tpu.memory_space<vmem>>
      %dma_wait3A_36 = tpu.memref_squeeze %dma_wait3A_35 : memref<1x128xi32, #tpu.memory_space<vmem>> -> memref<128xi32, #tpu.memory_space<vmem>>
      %dma_wait3A_37 = arith.constant 0 : i32
      %dma_wait3A_38 = arith.constant 0 : i32
      %dma_wait3A_39 = tpu.memref_slice %arg8[%dma_wait3A_37, %dma_wait3A_38] : memref<2048x128xf32, #tpu.memory_space<vmem_shared>> -> memref<2048x128xf32, #tpu.memory_space<vmem_shared>>
      tpu.wait_indirect_dma semaphore(%run_scoped3A_21 : memref<!tpu.dma_semaphore, #tpu.memory_space<semaphore_mem>>) src(%dma_wait3A_33 : memref<128x128xf32, #tpu.memory_space<vmem>>) dst(%dma_wait3A_39 : memref<2048x128xf32, #tpu.memory_space<vmem_shared>>)
      tpu.yield
    }) : () -> ()
    %barrier3A_16 = arith.constant 0 : index
    tpu.barrier barrier_id(%barrier3A_16)
    %mul3A_17 = arith.constant 128 : i32
    %mul3A_18 = arith.muli %arg1, %mul3A_17 : i32
    %mul3A_19 = arith.constant 128 : i32
    %mul3A_20 = arith.muli %arg1, %mul3A_19 : i32
    "tpu.region"() ({
      %run_scoped3A_21 = tpu.sem_alloc : memref<!tpu.dma_semaphore, #tpu.memory_space<semaphore_mem>>
      %dma_start3A_22 = arith.constant 0 : i32
      %dma_start3A_23 = tpu.memref_slice %arg5[%arg0, %mul3A_20, %dma_start3A_22] : memref<2x2048x128xf32, #tpu.memory_space<hbm>> -> memref<1x128x128xf32, #tpu.memory_space<hbm>>
      %dma_start3A_24 = tpu.memref_squeeze %dma_start3A_23 : memref<1x128x128xf32, #tpu.memory_space<hbm>> -> memref<128x128xf32, #tpu.memory_space<hbm>>
      %dma_start3A_25 = arith.constant 0 : i32
      %dma_start3A_26 = tpu.memref_slice %arg8[%mul3A_18, %dma_start3A_25] : memref<2048x128xf32, #tpu.memory_space<vmem_shared>> -> memref<128x128xf32, #tpu.memory_space<vmem_shared>>
      tpu.enqueue_dma source(%dma_start3A_26 : memref<128x128xf32, #tpu.memory_space<vmem_shared>>) target(%dma_start3A_24 : memref<128x128xf32, #tpu.memory_space<hbm>>) target_semaphore(%run_scoped3A_21 : memref<!tpu.dma_semaphore, #tpu.memory_space<semaphore_mem>>)
      %dma_wait3A_27 = arith.constant 0 : i32
      %dma_wait3A_28 = tpu.memref_slice %arg5[%arg0, %mul3A_20, %dma_wait3A_27] : memref<2x2048x128xf32, #tpu.memory_space<hbm>> -> memref<1x128x128xf32, #tpu.memory_space<hbm>>
      %dma_wait3A_29 = tpu.memref_squeeze %dma_wait3A_28 : memref<1x128x128xf32, #tpu.memory_space<hbm>> -> memref<128x128xf32, #tpu.memory_space<hbm>>
      %dma_wait3A_30 = arith.constant 0 : i32
      %dma_wait3A_31 = tpu.memref_slice %arg8[%mul3A_18, %dma_wait3A_30] : memref<2048x128xf32, #tpu.memory_space<vmem_shared>> -> memref<128x128xf32, #tpu.memory_space<vmem_shared>>
      tpu.wait_dma2 semaphore(%run_scoped3A_21 : memref<!tpu.dma_semaphore, #tpu.memory_space<semaphore_mem>>) src(%dma_wait3A_31 : memref<128x128xf32, #tpu.memory_space<vmem_shared>>) dst(%dma_wait3A_29 : memref<128x128xf32, #tpu.memory_space<hbm>>)
      tpu.yield
    }) : () -> ()
    return
  }
}

#map = affine_map<(d0, d1) -> (0, 0)>
#map1 = affine_map<(d0, d1) -> (0, 0, 0)>
module attributes {stable_mosaic.version = 14 : i64} {
  func.func @body(%arg0: i32, %arg1: i32, %arg2: memref<8192x128xf32, #tpu.memory_space<hbm>>, %arg3: memref<64x128xi32, #tpu.memory_space<hbm>>, %arg4: memref<2048x128xf32, #tpu.memory_space<hbm>>, %arg5: memref<2x2048x128xf32, #tpu.memory_space<hbm>>, %arg6: memref<2x128xi32, #tpu.memory_space<vmem>>, %arg7: memref<256x128xf32, #tpu.memory_space<vmem>>, %arg8: memref<2048x128xf32, #tpu.memory_space<vmem_shared>>, %arg9: memref<!tpu.dma_semaphore, #tpu.memory_space<semaphore_mem>>) attributes {dimension_semantics = [#tpu.dimension_semantics<core_parallel>, #tpu.dimension_semantics<subcore_parallel>], iteration_bounds = array<i64: 2, 16>, scalar_prefetch = 0 : i64, scratch_operands = 4 : i64, tpu.core_type = #tpu.core_type<sc_vector_subcore>, window_params = [{transform_indices = #map}, {transform_indices = #map}, {transform_indices = #map}, {transform_indices = #map1}]} {
    %mul3A = arith.constant 2 : i32
    %mul3A_0 = arith.muli %arg1, %mul3A : i32
    %add3A = arith.addi %mul3A_0, %arg0 : i32
    %mul3A_1 = arith.constant 2 : i32
    %mul3A_2 = arith.muli %add3A, %mul3A_1 : i32
    %mul3A_3 = arith.constant 128 : i32
    %mul3A_4 = arith.muli %arg1, %mul3A_3 : i32
    %mul3A_5 = arith.constant 128 : i32
    %mul3A_6 = arith.muli %arg1, %mul3A_5 : i32
    %dma_start3A = arith.constant 0 : i32
    %dma_start3A_7 = tpu.memref_slice %arg8[%mul3A_6, %dma_start3A] : memref<2048x128xf32, #tpu.memory_space<vmem_shared>> -> memref<128x128xf32, #tpu.memory_space<vmem_shared>>
    %dma_start3A_8 = arith.constant 0 : i32
    %dma_start3A_9 = tpu.memref_slice %arg4[%mul3A_4, %dma_start3A_8] : memref<2048x128xf32, #tpu.memory_space<hbm>> -> memref<128x128xf32, #tpu.memory_space<hbm>>
    tpu.enqueue_dma source(%dma_start3A_9 : memref<128x128xf32, #tpu.memory_space<hbm>>) target(%dma_start3A_7 : memref<128x128xf32, #tpu.memory_space<vmem_shared>>) target_semaphore(%arg9 : memref<!tpu.dma_semaphore, #tpu.memory_space<semaphore_mem>>)
    "tpu.region"() ({
      %run_scoped3A_21 = tpu.sem_alloc : memref<!tpu.dma_semaphore, #tpu.memory_space<semaphore_mem>>
      %dma_start3A_22 = arith.constant 0 : i32
      %dma_start3A_23 = tpu.memref_slice %arg3[%mul3A_2, %dma_start3A_22] : memref<64x128xi32, #tpu.memory_space<hbm>> -> memref<2x128xi32, #tpu.memory_space<hbm>>
      %dma_start3A_24 = arith.constant 0 : i32
      %dma_start3A_25 = tpu.memref_slice %arg3[%mul3A_2, %dma_start3A_24] : memref<64x128xi32, #tpu.memory_space<hbm>> -> memref<2x128xi32, #tpu.memory_space<hbm>>
      tpu.enqueue_dma source(%dma_start3A_25 : memref<2x128xi32, #tpu.memory_space<hbm>>) target(%arg6 : memref<2x128xi32, #tpu.memory_space<vmem>>) target_semaphore(%run_scoped3A_21 : memref<!tpu.dma_semaphore, #tpu.memory_space<semaphore_mem>>)
      %dma_wait3A_26 = arith.constant 0 : i32
      %dma_wait3A_27 = tpu.memref_slice %arg3[%mul3A_2, %dma_wait3A_26] : memref<64x128xi32, #tpu.memory_space<hbm>> -> memref<2x128xi32, #tpu.memory_space<hbm>>
      %dma_wait3A_28 = arith.constant 0 : i32
      %dma_wait3A_29 = tpu.memref_slice %arg3[%mul3A_2, %dma_wait3A_28] : memref<64x128xi32, #tpu.memory_space<hbm>> -> memref<2x128xi32, #tpu.memory_space<hbm>>
      tpu.wait_dma2 semaphore(%run_scoped3A_21 : memref<!tpu.dma_semaphore, #tpu.memory_space<semaphore_mem>>) src(%dma_wait3A_29 : memref<2x128xi32, #tpu.memory_space<hbm>>) dst(%arg6 : memref<2x128xi32, #tpu.memory_space<vmem>>)
      tpu.yield
    }) : () -> ()
    %mul3A_10 = arith.constant 128 : i32
    %mul3A_11 = arith.muli %mul3A_2, %mul3A_10 : i32
    "tpu.region"() ({
      %run_scoped3A_21 = tpu.sem_alloc : memref<!tpu.dma_semaphore, #tpu.memory_space<semaphore_mem>>
      %dma_start3A_22 = arith.constant 0 : i32
      %dma_start3A_23 = tpu.memref_slice %arg2[%mul3A_11, %dma_start3A_22] : memref<8192x128xf32, #tpu.memory_space<hbm>> -> memref<256x128xf32, #tpu.memory_space<hbm>>
      %dma_start3A_24 = arith.constant 0 : i32
      %dma_start3A_25 = tpu.memref_slice %arg2[%mul3A_11, %dma_start3A_24] : memref<8192x128xf32, #tpu.memory_space<hbm>> -> memref<256x128xf32, #tpu.memory_space<hbm>>
      tpu.enqueue_dma source(%dma_start3A_25 : memref<256x128xf32, #tpu.memory_space<hbm>>) target(%arg7 : memref<256x128xf32, #tpu.memory_space<vmem>>) target_semaphore(%run_scoped3A_21 : memref<!tpu.dma_semaphore, #tpu.memory_space<semaphore_mem>>)
      %dma_wait3A_26 = arith.constant 0 : i32
      %dma_wait3A_27 = tpu.memref_slice %arg2[%mul3A_11, %dma_wait3A_26] : memref<8192x128xf32, #tpu.memory_space<hbm>> -> memref<256x128xf32, #tpu.memory_space<hbm>>
      %dma_wait3A_28 = arith.constant 0 : i32
      %dma_wait3A_29 = tpu.memref_slice %arg2[%mul3A_11, %dma_wait3A_28] : memref<8192x128xf32, #tpu.memory_space<hbm>> -> memref<256x128xf32, #tpu.memory_space<hbm>>
      tpu.wait_dma2 semaphore(%run_scoped3A_21 : memref<!tpu.dma_semaphore, #tpu.memory_space<semaphore_mem>>) src(%dma_wait3A_29 : memref<256x128xf32, #tpu.memory_space<hbm>>) dst(%arg7 : memref<256x128xf32, #tpu.memory_space<vmem>>)
      tpu.yield
    }) : () -> ()
    %dma_wait3A = arith.constant 0 : i32
    %dma_wait3A_12 = tpu.memref_slice %arg8[%mul3A_6, %dma_wait3A] : memref<2048x128xf32, #tpu.memory_space<vmem_shared>> -> memref<128x128xf32, #tpu.memory_space<vmem_shared>>
    %dma_wait3A_13 = arith.constant 0 : i32
    %dma_wait3A_14 = tpu.memref_slice %arg4[%mul3A_4, %dma_wait3A_13] : memref<2048x128xf32, #tpu.memory_space<hbm>> -> memref<128x128xf32, #tpu.memory_space<hbm>>
    tpu.wait_dma2 semaphore(%arg9 : memref<!tpu.dma_semaphore, #tpu.memory_space<semaphore_mem>>) src(%dma_wait3A_14 : memref<128x128xf32, #tpu.memory_space<hbm>>) dst(%dma_wait3A_12 : memref<128x128xf32, #tpu.memory_space<vmem_shared>>)
    %barrier3A = arith.constant 0 : index
    tpu.barrier barrier_id(%barrier3A)
    %run_scoped3A = arith.constant 0 : i32
    "tpu.region"() ({
      %run_scoped3A_21 = tpu.sem_alloc : memref<!tpu.dma_semaphore, #tpu.memory_space<semaphore_mem>>
      %dma_start3A_22 = arith.constant 0 : i32
      %dma_start3A_23 = arith.constant 0 : i32
      %dma_start3A_24 = tpu.memref_slice %arg7[%dma_start3A_22, %dma_start3A_23] : memref<256x128xf32, #tpu.memory_space<vmem>> -> memref<128x128xf32, #tpu.memory_space<vmem>>
      %dma_start3A_25 = arith.constant 0 : i32
      %dma_start3A_26 = tpu.memref_slice %arg6[%run_scoped3A, %dma_start3A_25] : memref<2x128xi32, #tpu.memory_space<vmem>> -> memref<1x128xi32, #tpu.memory_space<vmem>>
      %dma_start3A_27 = tpu.memref_squeeze %dma_start3A_26 : memref<1x128xi32, #tpu.memory_space<vmem>> -> memref<128xi32, #tpu.memory_space<vmem>>
      %dma_start3A_28 = arith.constant 0 : i32
      %dma_start3A_29 = arith.constant 0 : i32
      %dma_start3A_30 = tpu.memref_slice %arg8[%dma_start3A_28, %dma_start3A_29] : memref<2048x128xf32, #tpu.memory_space<vmem_shared>> -> memref<2048x128xf32, #tpu.memory_space<vmem_shared>>
      tpu.enqueue_indirect_dma source(%dma_start3A_24 : memref<128x128xf32, #tpu.memory_space<vmem>>) target(%dma_start3A_30 : memref<2048x128xf32, #tpu.memory_space<vmem_shared>>) offsets(%dma_start3A_27 : memref<128xi32, #tpu.memory_space<vmem>>) semaphore(%run_scoped3A_21 : memref<!tpu.dma_semaphore, #tpu.memory_space<semaphore_mem>>) {add = true}
      %dma_wait3A_31 = arith.constant 0 : i32
      %dma_wait3A_32 = arith.constant 0 : i32
      %dma_wait3A_33 = tpu.memref_slice %arg7[%dma_wait3A_31, %dma_wait3A_32] : memref<256x128xf32, #tpu.memory_space<vmem>> -> memref<128x128xf32, #tpu.memory_space<vmem>>
      %dma_wait3A_34 = arith.constant 0 : i32
      %dma_wait3A_35 = tpu.memref_slice %arg6[%run_scoped3A, %dma_wait3A_34] : memref<2x128xi32, #tpu.memory_space<vmem>> -> memref<1x128xi32, #tpu.memory_space<vmem>>
      %dma_wait3A_36 = tpu.memref_squeeze %dma_wait3A_35 : memref<1x128xi32, #tpu.memory_space<vmem>> -> memref<128xi32, #tpu.memory_space<vmem>>
      %dma_wait3A_37 = arith.constant 0 : i32
      %dma_wait3A_38 = arith.constant 0 : i32
      %dma_wait3A_39 = tpu.memref_slice %arg8[%dma_wait3A_37, %dma_wait3A_38] : memref<2048x128xf32, #tpu.memory_space<vmem_shared>> -> memref<2048x128xf32, #tpu.memory_space<vmem_shared>>
      tpu.wait_indirect_dma semaphore(%run_scoped3A_21 : memref<!tpu.dma_semaphore, #tpu.memory_space<semaphore_mem>>) src(%dma_wait3A_33 : memref<128x128xf32, #tpu.memory_space<vmem>>) dst(%dma_wait3A_39 : memref<2048x128xf32, #tpu.memory_space<vmem_shared>>)
      tpu.yield
    }) : () -> ()
    %run_scoped3A_15 = arith.constant 1 : i32
    "tpu.region"() ({
      %run_scoped3A_21 = tpu.sem_alloc : memref<!tpu.dma_semaphore, #tpu.memory_space<semaphore_mem>>
      %dma_start3A_22 = arith.constant 128 : i32
      %dma_start3A_23 = arith.constant 0 : i32
      %dma_start3A_24 = tpu.memref_slice %arg7[%dma_start3A_22, %dma_start3A_23] : memref<256x128xf32, #tpu.memory_space<vmem>> -> memref<128x128xf32, #tpu.memory_space<vmem>>
      %dma_start3A_25 = arith.constant 0 : i32
      %dma_start3A_26 = tpu.memref_slice %arg6[%run_scoped3A_15, %dma_start3A_25] : memref<2x128xi32, #tpu.memory_space<vmem>> -> memref<1x128xi32, #tpu.memory_space<vmem>>
      %dma_start3A_27 = tpu.memref_squeeze %dma_start3A_26 : memref<1x128xi32, #tpu.memory_space<vmem>> -> memref<128xi32, #tpu.memory_space<vmem>>
      %dma_start3A_28 = arith.constant 0 : i32
      %dma_start3A_29 = arith.constant 0 : i32
      %dma_start3A_30 = tpu.memref_slice %arg8[%dma_start3A_28, %dma_start3A_29] : memref<2048x128xf32, #tpu.memory_space<vmem_shared>> -> memref<2048x128xf32, #tpu.memory_space<vmem_shared>>
      tpu.enqueue_indirect_dma source(%dma_start3A_24 : memref<128x128xf32, #tpu.memory_space<vmem>>) target(%dma_start3A_30 : memref<2048x128xf32, #tpu.memory_space<vmem_shared>>) offsets(%dma_start3A_27 : memref<128xi32, #tpu.memory_space<vmem>>) semaphore(%run_scoped3A_21 : memref<!tpu.dma_semaphore, #tpu.memory_space<semaphore_mem>>) {add = true}
      %dma_wait3A_31 = arith.constant 128 : i32
      %dma_wait3A_32 = arith.constant 0 : i32
      %dma_wait3A_33 = tpu.memref_slice %arg7[%dma_wait3A_31, %dma_wait3A_32] : memref<256x128xf32, #tpu.memory_space<vmem>> -> memref<128x128xf32, #tpu.memory_space<vmem>>
      %dma_wait3A_34 = arith.constant 0 : i32
      %dma_wait3A_35 = tpu.memref_slice %arg6[%run_scoped3A_15, %dma_wait3A_34] : memref<2x128xi32, #tpu.memory_space<vmem>> -> memref<1x128xi32, #tpu.memory_space<vmem>>
      %dma_wait3A_36 = tpu.memref_squeeze %dma_wait3A_35 : memref<1x128xi32, #tpu.memory_space<vmem>> -> memref<128xi32, #tpu.memory_space<vmem>>
      %dma_wait3A_37 = arith.constant 0 : i32
      %dma_wait3A_38 = arith.constant 0 : i32
      %dma_wait3A_39 = tpu.memref_slice %arg8[%dma_wait3A_37, %dma_wait3A_38] : memref<2048x128xf32, #tpu.memory_space<vmem_shared>> -> memref<2048x128xf32, #tpu.memory_space<vmem_shared>>
      tpu.wait_indirect_dma semaphore(%run_scoped3A_21 : memref<!tpu.dma_semaphore, #tpu.memory_space<semaphore_mem>>) src(%dma_wait3A_33 : memref<128x128xf32, #tpu.memory_space<vmem>>) dst(%dma_wait3A_39 : memref<2048x128xf32, #tpu.memory_space<vmem_shared>>)
      tpu.yield
    }) : () -> ()
    %barrier3A_16 = arith.constant 0 : index
    tpu.barrier barrier_id(%barrier3A_16)
    %mul3A_17 = arith.constant 128 : i32
    %mul3A_18 = arith.muli %arg1, %mul3A_17 : i32
    %mul3A_19 = arith.constant 128 : i32
    %mul3A_20 = arith.muli %arg1, %mul3A_19 : i32
    "tpu.region"() ({
      %run_scoped3A_21 = tpu.sem_alloc : memref<!tpu.dma_semaphore, #tpu.memory_space<semaphore_mem>>
      %dma_start3A_22 = arith.constant 0 : i32
      %dma_start3A_23 = tpu.memref_slice %arg5[%arg0, %mul3A_20, %dma_start3A_22] : memref<2x2048x128xf32, #tpu.memory_space<hbm>> -> memref<1x128x128xf32, #tpu.memory_space<hbm>>
      %dma_start3A_24 = tpu.memref_squeeze %dma_start3A_23 : memref<1x128x128xf32, #tpu.memory_space<hbm>> -> memref<128x128xf32, #tpu.memory_space<hbm>>
      %dma_start3A_25 = arith.constant 0 : i32
      %dma_start3A_26 = tpu.memref_slice %arg8[%mul3A_18, %dma_start3A_25] : memref<2048x128xf32, #tpu.memory_space<vmem_shared>> -> memref<128x128xf32, #tpu.memory_space<vmem_shared>>
      tpu.enqueue_dma source(%dma_start3A_26 : memref<128x128xf32, #tpu.memory_space<vmem_shared>>) target(%dma_start3A_24 : memref<128x128xf32, #tpu.memory_space<hbm>>) target_semaphore(%run_scoped3A_21 : memref<!tpu.dma_semaphore, #tpu.memory_space<semaphore_mem>>)
      %dma_wait3A_27 = arith.constant 0 : i32
      %dma_wait3A_28 = tpu.memref_slice %arg5[%arg0, %mul3A_20, %dma_wait3A_27] : memref<2x2048x128xf32, #tpu.memory_space<hbm>> -> memref<1x128x128xf32, #tpu.memory_space<hbm>>
      %dma_wait3A_29 = tpu.memref_squeeze %dma_wait3A_28 : memref<1x128x128xf32, #tpu.memory_space<hbm>> -> memref<128x128xf32, #tpu.memory_space<hbm>>
      %dma_wait3A_30 = arith.constant 0 : i32
      %dma_wait3A_31 = tpu.memref_slice %arg8[%mul3A_18, %dma_wait3A_30] : memref<2048x128xf32, #tpu.memory_space<vmem_shared>> -> memref<128x128xf32, #tpu.memory_space<vmem_shared>>
      tpu.wait_dma2 semaphore(%run_scoped3A_21 : memref<!tpu.dma_semaphore, #tpu.memory_space<semaphore_mem>>) src(%dma_wait3A_31 : memref<128x128xf32, #tpu.memory_space<vmem_shared>>) dst(%dma_wait3A_29 : memref<128x128xf32, #tpu.memory_space<hbm>>)
      tpu.yield
    }) : () -> ()
    return
  }
}

#map = affine_map<(d0, d1) -> (0, 0)>
module attributes {stable_mosaic.version = 14 : i64} {
  func.func @body(%arg0: i32, %arg1: i32, %arg2: memref<2048x128xf32, #tpu.memory_space<hbm>>, %arg3: memref<64x128xi32, #tpu.memory_space<hbm>>, %arg4: memref<8192x128xf32, #tpu.memory_space<hbm>>, %arg5: memref<2x128xi32, #tpu.memory_space<vmem>>, %arg6: memref<2x128x128xf32, #tpu.memory_space<vmem>>, %arg7: memref<!tpu.dma_semaphore, #tpu.memory_space<semaphore_mem>>, %arg8: memref<!tpu.dma_semaphore, #tpu.memory_space<semaphore_mem>>) attributes {dimension_semantics = [#tpu.dimension_semantics<core_parallel>, #tpu.dimension_semantics<subcore_parallel>], iteration_bounds = array<i64: 2, 16>, scalar_prefetch = 0 : i64, scratch_operands = 4 : i64, tpu.core_type = #tpu.core_type<sc_vector_subcore>, window_params = [{transform_indices = #map}, {transform_indices = #map}, {transform_indices = #map}]} {
    %mul3A = arith.constant 2 : i32
    %mul3A_0 = arith.muli %arg1, %mul3A : i32
    %add3A = arith.addi %mul3A_0, %arg0 : i32
    %mul3A_1 = arith.constant 2 : i32
    %mul3A_2 = arith.muli %add3A, %mul3A_1 : i32
    "tpu.region"() ({
      %run_scoped3A = tpu.sem_alloc : memref<!tpu.dma_semaphore, #tpu.memory_space<semaphore_mem>>
      %dma_start3A_109 = arith.constant 0 : i32
      %dma_start3A_110 = tpu.memref_slice %arg3[%mul3A_2, %dma_start3A_109] : memref<64x128xi32, #tpu.memory_space<hbm>> -> memref<2x128xi32, #tpu.memory_space<hbm>>
      %dma_start3A_111 = arith.constant 0 : i32
      %dma_start3A_112 = tpu.memref_slice %arg3[%mul3A_2, %dma_start3A_111] : memref<64x128xi32, #tpu.memory_space<hbm>> -> memref<2x128xi32, #tpu.memory_space<hbm>>
      tpu.enqueue_dma source(%dma_start3A_112 : memref<2x128xi32, #tpu.memory_space<hbm>>) target(%arg5 : memref<2x128xi32, #tpu.memory_space<vmem>>) target_semaphore(%run_scoped3A : memref<!tpu.dma_semaphore, #tpu.memory_space<semaphore_mem>>)
      %dma_wait3A_113 = arith.constant 0 : i32
      %dma_wait3A_114 = tpu.memref_slice %arg3[%mul3A_2, %dma_wait3A_113] : memref<64x128xi32, #tpu.memory_space<hbm>> -> memref<2x128xi32, #tpu.memory_space<hbm>>
      %dma_wait3A_115 = arith.constant 0 : i32
      %dma_wait3A_116 = tpu.memref_slice %arg3[%mul3A_2, %dma_wait3A_115] : memref<64x128xi32, #tpu.memory_space<hbm>> -> memref<2x128xi32, #tpu.memory_space<hbm>>
      tpu.wait_dma2 semaphore(%run_scoped3A : memref<!tpu.dma_semaphore, #tpu.memory_space<semaphore_mem>>) src(%dma_wait3A_116 : memref<2x128xi32, #tpu.memory_space<hbm>>) dst(%arg5 : memref<2x128xi32, #tpu.memory_space<vmem>>)
      tpu.yield
    }) : () -> ()
    %dma_start3A = arith.constant 0 : i32
    %dma_start3A_3 = arith.constant 0 : i32
    %dma_start3A_4 = arith.constant 0 : i32
    %dma_start3A_5 = arith.constant 0 : i32
    %dma_start3A_6 = tpu.memref_slice %arg6[%dma_start3A_3, %dma_start3A_4, %dma_start3A_5] : memref<2x128x128xf32, #tpu.memory_space<vmem>> -> memref<1x128x128xf32, #tpu.memory_space<vmem>>
    %dma_start3A_7 = tpu.memref_squeeze %dma_start3A_6 : memref<1x128x128xf32, #tpu.memory_space<vmem>> -> memref<128x128xf32, #tpu.memory_space<vmem>>
    %dma_start3A_8 = arith.constant 0 : i32
    %dma_start3A_9 = tpu.memref_slice %arg5[%dma_start3A, %dma_start3A_8] : memref<2x128xi32, #tpu.memory_space<vmem>> -> memref<1x128xi32, #tpu.memory_space<vmem>>
    %dma_start3A_10 = tpu.memref_squeeze %dma_start3A_9 : memref<1x128xi32, #tpu.memory_space<vmem>> -> memref<128xi32, #tpu.memory_space<vmem>>
    %dma_start3A_11 = arith.constant 0 : i32
    %dma_start3A_12 = arith.constant 0 : i32
    %dma_start3A_13 = tpu.memref_slice %arg2[%dma_start3A_11, %dma_start3A_12] : memref<2048x128xf32, #tpu.memory_space<hbm>> -> memref<2048x128xf32, #tpu.memory_space<hbm>>
    tpu.enqueue_indirect_dma source(%dma_start3A_13 : memref<2048x128xf32, #tpu.memory_space<hbm>>) target(%dma_start3A_7 : memref<128x128xf32, #tpu.memory_space<vmem>>) offsets(%dma_start3A_10 : memref<128xi32, #tpu.memory_space<vmem>>) semaphore(%arg7 : memref<!tpu.dma_semaphore, #tpu.memory_space<semaphore_mem>>)
    %dma_start3A_14 = arith.constant 1 : i32
    %dma_start3A_15 = arith.constant 1 : i32
    %dma_start3A_16 = arith.constant 0 : i32
    %dma_start3A_17 = arith.constant 0 : i32
    %dma_start3A_18 = tpu.memref_slice %arg6[%dma_start3A_15, %dma_start3A_16, %dma_start3A_17] : memref<2x128x128xf32, #tpu.memory_space<vmem>> -> memref<1x128x128xf32, #tpu.memory_space<vmem>>
    %dma_start3A_19 = tpu.memref_squeeze %dma_start3A_18 : memref<1x128x128xf32, #tpu.memory_space<vmem>> -> memref<128x128xf32, #tpu.memory_space<vmem>>
    %dma_start3A_20 = arith.constant 0 : i32
    %dma_start3A_21 = tpu.memref_slice %arg5[%dma_start3A_14, %dma_start3A_20] : memref<2x128xi32, #tpu.memory_space<vmem>> -> memref<1x128xi32, #tpu.memory_space<vmem>>
    %dma_start3A_22 = tpu.memref_squeeze %dma_start3A_21 : memref<1x128xi32, #tpu.memory_space<vmem>> -> memref<128xi32, #tpu.memory_space<vmem>>
    %dma_start3A_23 = arith.constant 0 : i32
    %dma_start3A_24 = arith.constant 0 : i32
    %dma_start3A_25 = tpu.memref_slice %arg2[%dma_start3A_23, %dma_start3A_24] : memref<2048x128xf32, #tpu.memory_space<hbm>> -> memref<2048x128xf32, #tpu.memory_space<hbm>>
    tpu.enqueue_indirect_dma source(%dma_start3A_25 : memref<2048x128xf32, #tpu.memory_space<hbm>>) target(%dma_start3A_19 : memref<128x128xf32, #tpu.memory_space<vmem>>) offsets(%dma_start3A_22 : memref<128xi32, #tpu.memory_space<vmem>>) semaphore(%arg7 : memref<!tpu.dma_semaphore, #tpu.memory_space<semaphore_mem>>)
    %dma_wait3A = arith.constant 0 : i32
    %dma_wait3A_26 = arith.constant 0 : i32
    %dma_wait3A_27 = arith.constant 0 : i32
    %dma_wait3A_28 = arith.constant 0 : i32
    %dma_wait3A_29 = tpu.memref_slice %arg6[%dma_wait3A_26, %dma_wait3A_27, %dma_wait3A_28] : memref<2x128x128xf32, #tpu.memory_space<vmem>> -> memref<1x128x128xf32, #tpu.memory_space<vmem>>
    %dma_wait3A_30 = tpu.memref_squeeze %dma_wait3A_29 : memref<1x128x128xf32, #tpu.memory_space<vmem>> -> memref<128x128xf32, #tpu.memory_space<vmem>>
    %dma_wait3A_31 = arith.constant 0 : i32
    %dma_wait3A_32 = tpu.memref_slice %arg5[%dma_wait3A, %dma_wait3A_31] : memref<2x128xi32, #tpu.memory_space<vmem>> -> memref<1x128xi32, #tpu.memory_space<vmem>>
    %dma_wait3A_33 = tpu.memref_squeeze %dma_wait3A_32 : memref<1x128xi32, #tpu.memory_space<vmem>> -> memref<128xi32, #tpu.memory_space<vmem>>
    %dma_wait3A_34 = arith.constant 0 : i32
    %dma_wait3A_35 = arith.constant 0 : i32
    %dma_wait3A_36 = tpu.memref_slice %arg2[%dma_wait3A_34, %dma_wait3A_35] : memref<2048x128xf32, #tpu.memory_space<hbm>> -> memref<2048x128xf32, #tpu.memory_space<hbm>>
    tpu.wait_indirect_dma semaphore(%arg7 : memref<!tpu.dma_semaphore, #tpu.memory_space<semaphore_mem>>) src(%dma_wait3A_36 : memref<2048x128xf32, #tpu.memory_space<hbm>>) dst(%dma_wait3A_30 : memref<128x128xf32, #tpu.memory_space<vmem>>)
    %dma_wait3A_37 = arith.constant 1 : i32
    %dma_wait3A_38 = arith.constant 1 : i32
    %dma_wait3A_39 = arith.constant 0 : i32
    %dma_wait3A_40 = arith.constant 0 : i32
    %dma_wait3A_41 = tpu.memref_slice %arg6[%dma_wait3A_38, %dma_wait3A_39, %dma_wait3A_40] : memref<2x128x128xf32, #tpu.memory_space<vmem>> -> memref<1x128x128xf32, #tpu.memory_space<vmem>>
    %dma_wait3A_42 = tpu.memref_squeeze %dma_wait3A_41 : memref<1x128x128xf32, #tpu.memory_space<vmem>> -> memref<128x128xf32, #tpu.memory_space<vmem>>
    %dma_wait3A_43 = arith.constant 0 : i32
    %dma_wait3A_44 = tpu.memref_slice %arg5[%dma_wait3A_37, %dma_wait3A_43] : memref<2x128xi32, #tpu.memory_space<vmem>> -> memref<1x128xi32, #tpu.memory_space<vmem>>
    %dma_wait3A_45 = tpu.memref_squeeze %dma_wait3A_44 : memref<1x128xi32, #tpu.memory_space<vmem>> -> memref<128xi32, #tpu.memory_space<vmem>>
    %dma_wait3A_46 = arith.constant 0 : i32
    %dma_wait3A_47 = arith.constant 0 : i32
    %dma_wait3A_48 = tpu.memref_slice %arg2[%dma_wait3A_46, %dma_wait3A_47] : memref<2048x128xf32, #tpu.memory_space<hbm>> -> memref<2048x128xf32, #tpu.memory_space<hbm>>
    tpu.wait_indirect_dma semaphore(%arg7 : memref<!tpu.dma_semaphore, #tpu.memory_space<semaphore_mem>>) src(%dma_wait3A_48 : memref<2048x128xf32, #tpu.memory_space<hbm>>) dst(%dma_wait3A_42 : memref<128x128xf32, #tpu.memory_space<vmem>>)
    %add3A_49 = arith.constant 0 : i32
    %add3A_50 = arith.addi %mul3A_2, %add3A_49 : i32
    %mul3A_51 = arith.constant 128 : i32
    %mul3A_52 = arith.muli %add3A_50, %mul3A_51 : i32
    %dma_start3A_53 = arith.constant 0 : i32
    %dma_start3A_54 = arith.constant 0 : i32
    %dma_start3A_55 = arith.constant 0 : i32
    %dma_start3A_56 = tpu.memref_slice %arg6[%dma_start3A_53, %dma_start3A_54, %dma_start3A_55] : memref<2x128x128xf32, #tpu.memory_space<vmem>> -> memref<1x128x128xf32, #tpu.memory_space<vmem>>
    %dma_start3A_57 = tpu.memref_squeeze %dma_start3A_56 : memref<1x128x128xf32, #tpu.memory_space<vmem>> -> memref<128x128xf32, #tpu.memory_space<vmem>>
    %dma_start3A_58 = arith.constant 0 : i32
    %dma_start3A_59 = tpu.memref_slice %arg4[%mul3A_52, %dma_start3A_58] : memref<8192x128xf32, #tpu.memory_space<hbm>> -> memref<128x128xf32, #tpu.memory_space<hbm>>
    %dma_start3A_60 = arith.constant 0 : i32
    %dma_start3A_61 = tpu.memref_slice %arg4[%mul3A_52, %dma_start3A_60] : memref<8192x128xf32, #tpu.memory_space<hbm>> -> memref<128x128xf32, #tpu.memory_space<hbm>>
    %dma_start3A_62 = arith.constant 0 : i32
    %dma_start3A_63 = arith.constant 0 : i32
    %dma_start3A_64 = tpu.memref_slice %arg6[%dma_start3A_53, %dma_start3A_62, %dma_start3A_63] : memref<2x128x128xf32, #tpu.memory_space<vmem>> -> memref<1x128x128xf32, #tpu.memory_space<vmem>>
    %dma_start3A_65 = tpu.memref_squeeze %dma_start3A_64 : memref<1x128x128xf32, #tpu.memory_space<vmem>> -> memref<128x128xf32, #tpu.memory_space<vmem>>
    tpu.enqueue_dma source(%dma_start3A_65 : memref<128x128xf32, #tpu.memory_space<vmem>>) target(%dma_start3A_61 : memref<128x128xf32, #tpu.memory_space<hbm>>) target_semaphore(%arg8 : memref<!tpu.dma_semaphore, #tpu.memory_space<semaphore_mem>>)
    %add3A_66 = arith.constant 1 : i32
    %add3A_67 = arith.addi %mul3A_2, %add3A_66 : i32
    %mul3A_68 = arith.constant 128 : i32
    %mul3A_69 = arith.muli %add3A_67, %mul3A_68 : i32
    %dma_start3A_70 = arith.constant 1 : i32
    %dma_start3A_71 = arith.constant 0 : i32
    %dma_start3A_72 = arith.constant 0 : i32
    %dma_start3A_73 = tpu.memref_slice %arg6[%dma_start3A_70, %dma_start3A_71, %dma_start3A_72] : memref<2x128x128xf32, #tpu.memory_space<vmem>> -> memref<1x128x128xf32, #tpu.memory_space<vmem>>
    %dma_start3A_74 = tpu.memref_squeeze %dma_start3A_73 : memref<1x128x128xf32, #tpu.memory_space<vmem>> -> memref<128x128xf32, #tpu.memory_space<vmem>>
    %dma_start3A_75 = arith.constant 0 : i32
    %dma_start3A_76 = tpu.memref_slice %arg4[%mul3A_69, %dma_start3A_75] : memref<8192x128xf32, #tpu.memory_space<hbm>> -> memref<128x128xf32, #tpu.memory_space<hbm>>
    %dma_start3A_77 = arith.constant 0 : i32
    %dma_start3A_78 = tpu.memref_slice %arg4[%mul3A_69, %dma_start3A_77] : memref<8192x128xf32, #tpu.memory_space<hbm>> -> memref<128x128xf32, #tpu.memory_space<hbm>>
    %dma_start3A_79 = arith.constant 0 : i32
    %dma_start3A_80 = arith.constant 0 : i32
    %dma_start3A_81 = tpu.memref_slice %arg6[%dma_start3A_70, %dma_start3A_79, %dma_start3A_80] : memref<2x128x128xf32, #tpu.memory_space<vmem>> -> memref<1x128x128xf32, #tpu.memory_space<vmem>>
    %dma_start3A_82 = tpu.memref_squeeze %dma_start3A_81 : memref<1x128x128xf32, #tpu.memory_space<vmem>> -> memref<128x128xf32, #tpu.memory_space<vmem>>
    tpu.enqueue_dma source(%dma_start3A_82 : memref<128x128xf32, #tpu.memory_space<vmem>>) target(%dma_start3A_78 : memref<128x128xf32, #tpu.memory_space<hbm>>) target_semaphore(%arg8 : memref<!tpu.dma_semaphore, #tpu.memory_space<semaphore_mem>>)
    %dma_wait3A_83 = arith.constant 0 : i32
    %dma_wait3A_84 = arith.constant 0 : i32
    %dma_wait3A_85 = arith.constant 0 : i32
    %dma_wait3A_86 = tpu.memref_slice %arg6[%dma_wait3A_83, %dma_wait3A_84, %dma_wait3A_85] : memref<2x128x128xf32, #tpu.memory_space<vmem>> -> memref<1x128x128xf32, #tpu.memory_space<vmem>>
    %dma_wait3A_87 = tpu.memref_squeeze %dma_wait3A_86 : memref<1x128x128xf32, #tpu.memory_space<vmem>> -> memref<128x128xf32, #tpu.memory_space<vmem>>
    %dma_wait3A_88 = arith.constant 0 : i32
    %dma_wait3A_89 = tpu.memref_slice %arg4[%mul3A_52, %dma_wait3A_88] : memref<8192x128xf32, #tpu.memory_space<hbm>> -> memref<128x128xf32, #tpu.memory_space<hbm>>
    %dma_wait3A_90 = arith.constant 0 : i32
    %dma_wait3A_91 = tpu.memref_slice %arg4[%mul3A_52, %dma_wait3A_90] : memref<8192x128xf32, #tpu.memory_space<hbm>> -> memref<128x128xf32, #tpu.memory_space<hbm>>
    %dma_wait3A_92 = arith.constant 0 : i32
    %dma_wait3A_93 = arith.constant 0 : i32
    %dma_wait3A_94 = tpu.memref_slice %arg6[%dma_wait3A_83, %dma_wait3A_92, %dma_wait3A_93] : memref<2x128x128xf32, #tpu.memory_space<vmem>> -> memref<1x128x128xf32, #tpu.memory_space<vmem>>
    %dma_wait3A_95 = tpu.memref_squeeze %dma_wait3A_94 : memref<1x128x128xf32, #tpu.memory_space<vmem>> -> memref<128x128xf32, #tpu.memory_space<vmem>>
    tpu.wait_dma2 semaphore(%arg8 : memref<!tpu.dma_semaphore, #tpu.memory_space<semaphore_mem>>) src(%dma_wait3A_95 : memref<128x128xf32, #tpu.memory_space<vmem>>) dst(%dma_wait3A_91 : memref<128x128xf32, #tpu.memory_space<hbm>>)
    %dma_wait3A_96 = arith.constant 1 : i32
    %dma_wait3A_97 = arith.constant 0 : i32
    %dma_wait3A_98 = arith.constant 0 : i32
    %dma_wait3A_99 = tpu.memref_slice %arg6[%dma_wait3A_96, %dma_wait3A_97, %dma_wait3A_98] : memref<2x128x128xf32, #tpu.memory_space<vmem>> -> memref<1x128x128xf32, #tpu.memory_space<vmem>>
    %dma_wait3A_100 = tpu.memref_squeeze %dma_wait3A_99 : memref<1x128x128xf32, #tpu.memory_space<vmem>> -> memref<128x128xf32, #tpu.memory_space<vmem>>
    %dma_wait3A_101 = arith.constant 0 : i32
    %dma_wait3A_102 = tpu.memref_slice %arg4[%mul3A_69, %dma_wait3A_101] : memref<8192x128xf32, #tpu.memory_space<hbm>> -> memref<128x128xf32, #tpu.memory_space<hbm>>
    %dma_wait3A_103 = arith.constant 0 : i32
    %dma_wait3A_104 = tpu.memref_slice %arg4[%mul3A_69, %dma_wait3A_103] : memref<8192x128xf32, #tpu.memory_space<hbm>> -> memref<128x128xf32, #tpu.memory_space<hbm>>
    %dma_wait3A_105 = arith.constant 0 : i32
    %dma_wait3A_106 = arith.constant 0 : i32
    %dma_wait3A_107 = tpu.memref_slice %arg6[%dma_wait3A_96, %dma_wait3A_105, %dma_wait3A_106] : memref<2x128x128xf32, #tpu.memory_space<vmem>> -> memref<1x128x128xf32, #tpu.memory_space<vmem>>
    %dma_wait3A_108 = tpu.memref_squeeze %dma_wait3A_107 : memref<1x128x128xf32, #tpu.memory_space<vmem>> -> memref<128x128xf32, #tpu.memory_space<vmem>>
    tpu.wait_dma2 semaphore(%arg8 : memref<!tpu.dma_semaphore, #tpu.memory_space<semaphore_mem>>) src(%dma_wait3A_108 : memref<128x128xf32, #tpu.memory_space<vmem>>) dst(%dma_wait3A_104 : memref<128x128xf32, #tpu.memory_space<hbm>>)
    return
  }
}

#map = affine_map<(d0, d1) -> (0, 0)>
#map1 = affine_map<(d0, d1) -> (0, 0, 0)>
module attributes {stable_mosaic.version = 14 : i64} {
  func.func @body(%arg0: i32, %arg1: i32, %arg2: memref<8192x128xf32, #tpu.memory_space<hbm>>, %arg3: memref<64x128xi32, #tpu.memory_space<hbm>>, %arg4: memref<2048x128xf32, #tpu.memory_space<hbm>>, %arg5: memref<2x2048x128xf32, #tpu.memory_space<hbm>>, %arg6: memref<2x128xi32, #tpu.memory_space<vmem>>, %arg7: memref<256x128xf32, #tpu.memory_space<vmem>>, %arg8: memref<2048x128xf32, #tpu.memory_space<vmem_shared>>, %arg9: memref<!tpu.dma_semaphore, #tpu.memory_space<semaphore_mem>>) attributes {dimension_semantics = [#tpu.dimension_semantics<core_parallel>, #tpu.dimension_semantics<subcore_parallel>], iteration_bounds = array<i64: 2, 16>, scalar_prefetch = 0 : i64, scratch_operands = 4 : i64, tpu.core_type = #tpu.core_type<sc_vector_subcore>, window_params = [{transform_indices = #map}, {transform_indices = #map}, {transform_indices = #map}, {transform_indices = #map1}]} {
    %mul3A = arith.constant 2 : i32
    %mul3A_0 = arith.muli %arg1, %mul3A : i32
    %add3A = arith.addi %mul3A_0, %arg0 : i32
    %mul3A_1 = arith.constant 2 : i32
    %mul3A_2 = arith.muli %add3A, %mul3A_1 : i32
    %mul3A_3 = arith.constant 128 : i32
    %mul3A_4 = arith.muli %arg1, %mul3A_3 : i32
    %mul3A_5 = arith.constant 128 : i32
    %mul3A_6 = arith.muli %arg1, %mul3A_5 : i32
    %dma_start3A = arith.constant 0 : i32
    %dma_start3A_7 = tpu.memref_slice %arg8[%mul3A_6, %dma_start3A] : memref<2048x128xf32, #tpu.memory_space<vmem_shared>> -> memref<128x128xf32, #tpu.memory_space<vmem_shared>>
    %dma_start3A_8 = arith.constant 0 : i32
    %dma_start3A_9 = tpu.memref_slice %arg4[%mul3A_4, %dma_start3A_8] : memref<2048x128xf32, #tpu.memory_space<hbm>> -> memref<128x128xf32, #tpu.memory_space<hbm>>
    tpu.enqueue_dma source(%dma_start3A_9 : memref<128x128xf32, #tpu.memory_space<hbm>>) target(%dma_start3A_7 : memref<128x128xf32, #tpu.memory_space<vmem_shared>>) target_semaphore(%arg9 : memref<!tpu.dma_semaphore, #tpu.memory_space<semaphore_mem>>)
    "tpu.region"() ({
      %run_scoped3A_21 = tpu.sem_alloc : memref<!tpu.dma_semaphore, #tpu.memory_space<semaphore_mem>>
      %dma_start3A_22 = arith.constant 0 : i32
      %dma_start3A_23 = tpu.memref_slice %arg3[%mul3A_2, %dma_start3A_22] : memref<64x128xi32, #tpu.memory_space<hbm>> -> memref<2x128xi32, #tpu.memory_space<hbm>>
      %dma_start3A_24 = arith.constant 0 : i32
      %dma_start3A_25 = tpu.memref_slice %arg3[%mul3A_2, %dma_start3A_24] : memref<64x128xi32, #tpu.memory_space<hbm>> -> memref<2x128xi32, #tpu.memory_space<hbm>>
      tpu.enqueue_dma source(%dma_start3A_25 : memref<2x128xi32, #tpu.memory_space<hbm>>) target(%arg6 : memref<2x128xi32, #tpu.memory_space<vmem>>) target_semaphore(%run_scoped3A_21 : memref<!tpu.dma_semaphore, #tpu.memory_space<semaphore_mem>>)
      %dma_wait3A_26 = arith.constant 0 : i32
      %dma_wait3A_27 = tpu.memref_slice %arg3[%mul3A_2, %dma_wait3A_26] : memref<64x128xi32, #tpu.memory_space<hbm>> -> memref<2x128xi32, #tpu.memory_space<hbm>>
      %dma_wait3A_28 = arith.constant 0 : i32
      %dma_wait3A_29 = tpu.memref_slice %arg3[%mul3A_2, %dma_wait3A_28] : memref<64x128xi32, #tpu.memory_space<hbm>> -> memref<2x128xi32, #tpu.memory_space<hbm>>
      tpu.wait_dma2 semaphore(%run_scoped3A_21 : memref<!tpu.dma_semaphore, #tpu.memory_space<semaphore_mem>>) src(%dma_wait3A_29 : memref<2x128xi32, #tpu.memory_space<hbm>>) dst(%arg6 : memref<2x128xi32, #tpu.memory_space<vmem>>)
      tpu.yield
    }) : () -> ()
    %mul3A_10 = arith.constant 128 : i32
    %mul3A_11 = arith.muli %mul3A_2, %mul3A_10 : i32
    "tpu.region"() ({
      %run_scoped3A_21 = tpu.sem_alloc : memref<!tpu.dma_semaphore, #tpu.memory_space<semaphore_mem>>
      %dma_start3A_22 = arith.constant 0 : i32
      %dma_start3A_23 = tpu.memref_slice %arg2[%mul3A_11, %dma_start3A_22] : memref<8192x128xf32, #tpu.memory_space<hbm>> -> memref<256x128xf32, #tpu.memory_space<hbm>>
      %dma_start3A_24 = arith.constant 0 : i32
      %dma_start3A_25 = tpu.memref_slice %arg2[%mul3A_11, %dma_start3A_24] : memref<8192x128xf32, #tpu.memory_space<hbm>> -> memref<256x128xf32, #tpu.memory_space<hbm>>
      tpu.enqueue_dma source(%dma_start3A_25 : memref<256x128xf32, #tpu.memory_space<hbm>>) target(%arg7 : memref<256x128xf32, #tpu.memory_space<vmem>>) target_semaphore(%run_scoped3A_21 : memref<!tpu.dma_semaphore, #tpu.memory_space<semaphore_mem>>)
      %dma_wait3A_26 = arith.constant 0 : i32
      %dma_wait3A_27 = tpu.memref_slice %arg2[%mul3A_11, %dma_wait3A_26] : memref<8192x128xf32, #tpu.memory_space<hbm>> -> memref<256x128xf32, #tpu.memory_space<hbm>>
      %dma_wait3A_28 = arith.constant 0 : i32
      %dma_wait3A_29 = tpu.memref_slice %arg2[%mul3A_11, %dma_wait3A_28] : memref<8192x128xf32, #tpu.memory_space<hbm>> -> memref<256x128xf32, #tpu.memory_space<hbm>>
      tpu.wait_dma2 semaphore(%run_scoped3A_21 : memref<!tpu.dma_semaphore, #tpu.memory_space<semaphore_mem>>) src(%dma_wait3A_29 : memref<256x128xf32, #tpu.memory_space<hbm>>) dst(%arg7 : memref<256x128xf32, #tpu.memory_space<vmem>>)
      tpu.yield
    }) : () -> ()
    %dma_wait3A = arith.constant 0 : i32
    %dma_wait3A_12 = tpu.memref_slice %arg8[%mul3A_6, %dma_wait3A] : memref<2048x128xf32, #tpu.memory_space<vmem_shared>> -> memref<128x128xf32, #tpu.memory_space<vmem_shared>>
    %dma_wait3A_13 = arith.constant 0 : i32
    %dma_wait3A_14 = tpu.memref_slice %arg4[%mul3A_4, %dma_wait3A_13] : memref<2048x128xf32, #tpu.memory_space<hbm>> -> memref<128x128xf32, #tpu.memory_space<hbm>>
    tpu.wait_dma2 semaphore(%arg9 : memref<!tpu.dma_semaphore, #tpu.memory_space<semaphore_mem>>) src(%dma_wait3A_14 : memref<128x128xf32, #tpu.memory_space<hbm>>) dst(%dma_wait3A_12 : memref<128x128xf32, #tpu.memory_space<vmem_shared>>)
    %barrier3A = arith.constant 0 : index
    tpu.barrier barrier_id(%barrier3A)
    %run_scoped3A = arith.constant 0 : i32
    "tpu.region"() ({
      %run_scoped3A_21 = tpu.sem_alloc : memref<!tpu.dma_semaphore, #tpu.memory_space<semaphore_mem>>
      %dma_start3A_22 = arith.constant 0 : i32
      %dma_start3A_23 = arith.constant 0 : i32
      %dma_start3A_24 = tpu.memref_slice %arg7[%dma_start3A_22, %dma_start3A_23] : memref<256x128xf32, #tpu.memory_space<vmem>> -> memref<128x128xf32, #tpu.memory_space<vmem>>
      %dma_start3A_25 = arith.constant 0 : i32
      %dma_start3A_26 = tpu.memref_slice %arg6[%run_scoped3A, %dma_start3A_25] : memref<2x128xi32, #tpu.memory_space<vmem>> -> memref<1x128xi32, #tpu.memory_space<vmem>>
      %dma_start3A_27 = tpu.memref_squeeze %dma_start3A_26 : memref<1x128xi32, #tpu.memory_space<vmem>> -> memref<128xi32, #tpu.memory_space<vmem>>
      %dma_start3A_28 = arith.constant 0 : i32
      %dma_start3A_29 = arith.constant 0 : i32
      %dma_start3A_30 = tpu.memref_slice %arg8[%dma_start3A_28, %dma_start3A_29] : memref<2048x128xf32, #tpu.memory_space<vmem_shared>> -> memref<2048x128xf32, #tpu.memory_space<vmem_shared>>
      tpu.enqueue_indirect_dma source(%dma_start3A_24 : memref<128x128xf32, #tpu.memory_space<vmem>>) target(%dma_start3A_30 : memref<2048x128xf32, #tpu.memory_space<vmem_shared>>) offsets(%dma_start3A_27 : memref<128xi32, #tpu.memory_space<vmem>>) semaphore(%run_scoped3A_21 : memref<!tpu.dma_semaphore, #tpu.memory_space<semaphore_mem>>) {add = true}
      %dma_wait3A_31 = arith.constant 0 : i32
      %dma_wait3A_32 = arith.constant 0 : i32
      %dma_wait3A_33 = tpu.memref_slice %arg7[%dma_wait3A_31, %dma_wait3A_32] : memref<256x128xf32, #tpu.memory_space<vmem>> -> memref<128x128xf32, #tpu.memory_space<vmem>>
      %dma_wait3A_34 = arith.constant 0 : i32
      %dma_wait3A_35 = tpu.memref_slice %arg6[%run_scoped3A, %dma_wait3A_34] : memref<2x128xi32, #tpu.memory_space<vmem>> -> memref<1x128xi32, #tpu.memory_space<vmem>>
      %dma_wait3A_36 = tpu.memref_squeeze %dma_wait3A_35 : memref<1x128xi32, #tpu.memory_space<vmem>> -> memref<128xi32, #tpu.memory_space<vmem>>
      %dma_wait3A_37 = arith.constant 0 : i32
      %dma_wait3A_38 = arith.constant 0 : i32
      %dma_wait3A_39 = tpu.memref_slice %arg8[%dma_wait3A_37, %dma_wait3A_38] : memref<2048x128xf32, #tpu.memory_space<vmem_shared>> -> memref<2048x128xf32, #tpu.memory_space<vmem_shared>>
      tpu.wait_indirect_dma semaphore(%run_scoped3A_21 : memref<!tpu.dma_semaphore, #tpu.memory_space<semaphore_mem>>) src(%dma_wait3A_33 : memref<128x128xf32, #tpu.memory_space<vmem>>) dst(%dma_wait3A_39 : memref<2048x128xf32, #tpu.memory_space<vmem_shared>>)
      tpu.yield
    }) : () -> ()
    %run_scoped3A_15 = arith.constant 1 : i32
    "tpu.region"() ({
      %run_scoped3A_21 = tpu.sem_alloc : memref<!tpu.dma_semaphore, #tpu.memory_space<semaphore_mem>>
      %dma_start3A_22 = arith.constant 128 : i32
      %dma_start3A_23 = arith.constant 0 : i32
      %dma_start3A_24 = tpu.memref_slice %arg7[%dma_start3A_22, %dma_start3A_23] : memref<256x128xf32, #tpu.memory_space<vmem>> -> memref<128x128xf32, #tpu.memory_space<vmem>>
      %dma_start3A_25 = arith.constant 0 : i32
      %dma_start3A_26 = tpu.memref_slice %arg6[%run_scoped3A_15, %dma_start3A_25] : memref<2x128xi32, #tpu.memory_space<vmem>> -> memref<1x128xi32, #tpu.memory_space<vmem>>
      %dma_start3A_27 = tpu.memref_squeeze %dma_start3A_26 : memref<1x128xi32, #tpu.memory_space<vmem>> -> memref<128xi32, #tpu.memory_space<vmem>>
      %dma_start3A_28 = arith.constant 0 : i32
      %dma_start3A_29 = arith.constant 0 : i32
      %dma_start3A_30 = tpu.memref_slice %arg8[%dma_start3A_28, %dma_start3A_29] : memref<2048x128xf32, #tpu.memory_space<vmem_shared>> -> memref<2048x128xf32, #tpu.memory_space<vmem_shared>>
      tpu.enqueue_indirect_dma source(%dma_start3A_24 : memref<128x128xf32, #tpu.memory_space<vmem>>) target(%dma_start3A_30 : memref<2048x128xf32, #tpu.memory_space<vmem_shared>>) offsets(%dma_start3A_27 : memref<128xi32, #tpu.memory_space<vmem>>) semaphore(%run_scoped3A_21 : memref<!tpu.dma_semaphore, #tpu.memory_space<semaphore_mem>>) {add = true}
      %dma_wait3A_31 = arith.constant 128 : i32
      %dma_wait3A_32 = arith.constant 0 : i32
      %dma_wait3A_33 = tpu.memref_slice %arg7[%dma_wait3A_31, %dma_wait3A_32] : memref<256x128xf32, #tpu.memory_space<vmem>> -> memref<128x128xf32, #tpu.memory_space<vmem>>
      %dma_wait3A_34 = arith.constant 0 : i32
      %dma_wait3A_35 = tpu.memref_slice %arg6[%run_scoped3A_15, %dma_wait3A_34] : memref<2x128xi32, #tpu.memory_space<vmem>> -> memref<1x128xi32, #tpu.memory_space<vmem>>
      %dma_wait3A_36 = tpu.memref_squeeze %dma_wait3A_35 : memref<1x128xi32, #tpu.memory_space<vmem>> -> memref<128xi32, #tpu.memory_space<vmem>>
      %dma_wait3A_37 = arith.constant 0 : i32
      %dma_wait3A_38 = arith.constant 0 : i32
      %dma_wait3A_39 = tpu.memref_slice %arg8[%dma_wait3A_37, %dma_wait3A_38] : memref<2048x128xf32, #tpu.memory_space<vmem_shared>> -> memref<2048x128xf32, #tpu.memory_space<vmem_shared>>
      tpu.wait_indirect_dma semaphore(%run_scoped3A_21 : memref<!tpu.dma_semaphore, #tpu.memory_space<semaphore_mem>>) src(%dma_wait3A_33 : memref<128x128xf32, #tpu.memory_space<vmem>>) dst(%dma_wait3A_39 : memref<2048x128xf32, #tpu.memory_space<vmem_shared>>)
      tpu.yield
    }) : () -> ()
    %barrier3A_16 = arith.constant 0 : index
    tpu.barrier barrier_id(%barrier3A_16)
    %mul3A_17 = arith.constant 128 : i32
    %mul3A_18 = arith.muli %arg1, %mul3A_17 : i32
    %mul3A_19 = arith.constant 128 : i32
    %mul3A_20 = arith.muli %arg1, %mul3A_19 : i32
    "tpu.region"() ({
      %run_scoped3A_21 = tpu.sem_alloc : memref<!tpu.dma_semaphore, #tpu.memory_space<semaphore_mem>>
      %dma_start3A_22 = arith.constant 0 : i32
      %dma_start3A_23 = tpu.memref_slice %arg5[%arg0, %mul3A_20, %dma_start3A_22] : memref<2x2048x128xf32, #tpu.memory_space<hbm>> -> memref<1x128x128xf32, #tpu.memory_space<hbm>>
      %dma_start3A_24 = tpu.memref_squeeze %dma_start3A_23 : memref<1x128x128xf32, #tpu.memory_space<hbm>> -> memref<128x128xf32, #tpu.memory_space<hbm>>
      %dma_start3A_25 = arith.constant 0 : i32
      %dma_start3A_26 = tpu.memref_slice %arg8[%mul3A_18, %dma_start3A_25] : memref<2048x128xf32, #tpu.memory_space<vmem_shared>> -> memref<128x128xf32, #tpu.memory_space<vmem_shared>>
      tpu.enqueue_dma source(%dma_start3A_26 : memref<128x128xf32, #tpu.memory_space<vmem_shared>>) target(%dma_start3A_24 : memref<128x128xf32, #tpu.memory_space<hbm>>) target_semaphore(%run_scoped3A_21 : memref<!tpu.dma_semaphore, #tpu.memory_space<semaphore_mem>>)
      %dma_wait3A_27 = arith.constant 0 : i32
      %dma_wait3A_28 = tpu.memref_slice %arg5[%arg0, %mul3A_20, %dma_wait3A_27] : memref<2x2048x128xf32, #tpu.memory_space<hbm>> -> memref<1x128x128xf32, #tpu.memory_space<hbm>>
      %dma_wait3A_29 = tpu.memref_squeeze %dma_wait3A_28 : memref<1x128x128xf32, #tpu.memory_space<hbm>> -> memref<128x128xf32, #tpu.memory_space<hbm>>
      %dma_wait3A_30 = arith.constant 0 : i32
      %dma_wait3A_31 = tpu.memref_slice %arg8[%mul3A_18, %dma_wait3A_30] : memref<2048x128xf32, #tpu.memory_space<vmem_shared>> -> memref<128x128xf32, #tpu.memory_space<vmem_shared>>
      tpu.wait_dma2 semaphore(%run_scoped3A_21 : memref<!tpu.dma_semaphore, #tpu.memory_space<semaphore_mem>>) src(%dma_wait3A_31 : memref<128x128xf32, #tpu.memory_space<vmem_shared>>) dst(%dma_wait3A_29 : memref<128x128xf32, #tpu.memory_space<hbm>>)
      tpu.yield
    }) : () -> ()
    return
  }
}

module attributes {stable_mosaic.version = 14 : i64} {
  func.func @body(%arg0: i32, %arg1: memref<256x1xf32, #tpu.memory_space<vmem>>, %arg2: memref<1x64xf32, #tpu.memory_space<vmem>>, %arg3: memref<1x64xf32, #tpu.memory_space<vmem>>, %arg4: memref<256x128xf32, #tpu.memory_space<vmem>>, %arg5: memref<64x16384xbf16, #tpu.memory_space<vmem>>, %arg6: memref<1x16384xf32, #tpu.memory_space<vmem>>, %arg7: memref<256x128xf32, #tpu.memory_space<vmem>>) attributes {dimension_semantics = [#tpu.dimension_semantics<arbitrary>], iteration_bounds = array<i64: 32>, scalar_prefetch = 0 : i64, scratch_operands = 0 : i64, tpu.core_type = #tpu.core_type<tc>, window_params = [{transform_indices = @transform_0, window_bounds = array<i64: 256, 1>}, {pipeline_mode = #tpu.pipeline_mode<synchronous>, transform_indices = @transform_1, window_bounds = array<i64: 1, 64>}, {pipeline_mode = #tpu.pipeline_mode<synchronous>, transform_indices = @transform_2, window_bounds = array<i64: 1, 64>}, {transform_indices = @transform_3, window_bounds = array<i64: 256, 128>}, {pipeline_mode = #tpu.pipeline_mode<synchronous>, transform_indices = @transform_4, window_bounds = array<i64: 64, 16384>}, {pipeline_mode = #tpu.pipeline_mode<synchronous>, transform_indices = @transform_5, window_bounds = array<i64: 1, 16384>}, {transform_indices = @transform_6, window_bounds = array<i64: 256, 128>}]} {
    %get3A = arith.constant 0 : index
    %get3A_0 = arith.constant 0 : index
    %get3A_1 = vector.load %arg1[%get3A, %get3A_0] : memref<256x1xf32, #tpu.memory_space<vmem>>, vector<256x1xf32>
    %get3A_2 = arith.constant 0 : index
    %get3A_3 = arith.constant 0 : index
    %get3A_4 = vector.load %arg2[%get3A_2, %get3A_3] : memref<1x64xf32, #tpu.memory_space<vmem>>, vector<1x64xf32>
    %mul3A = vector.broadcast %get3A_1 : vector<256x1xf32> to vector<256x64xf32>
    %mul3A_5 = vector.broadcast %get3A_4 : vector<1x64xf32> to vector<256x64xf32>
    %mul3A_6 = arith.mulf %mul3A, %mul3A_5 : vector<256x64xf32>
    %get3A_7 = arith.constant 0 : index
    %get3A_8 = arith.constant 0 : index
    %get3A_9 = vector.load %arg3[%get3A_7, %get3A_8] : memref<1x64xf32, #tpu.memory_space<vmem>>, vector<1x64xf32>
    %add3A = vector.broadcast %get3A_9 : vector<1x64xf32> to vector<256x64xf32>
    %add3A_10 = arith.addf %mul3A_6, %add3A : vector<256x64xf32>
    %max3A = arith.constant 0.000000e+00 : f32
    %max3A_11 = vector.broadcast %max3A : f32 to vector<256x64xf32>
    %max3A_12 = arith.maximumf %add3A_10, %max3A_11 : vector<256x64xf32>
    %convert_element_type3A = arith.truncf %max3A_12 : vector<256x64xf32> to vector<256x64xbf16>
    %get3A_13 = arith.constant 0 : index
    %get3A_14 = arith.constant 0 : index
    %get3A_15 = vector.load %arg5[%get3A_13, %get3A_14] : memref<64x16384xbf16, #tpu.memory_space<vmem>>, vector<64x16384xbf16>
    %dot_general3A = arith.constant dense<0.000000e+00> : vector<256x16384xf32>
    %dot_general3A_16 = tpu.matmul %convert_element_type3A, %get3A_15, %dot_general3A {dimension_numbers = #tpu.dot_dimension_numbers<[1], [0], [0], [1], [0, 0, 1, 1], [], []>, transpose_lhs_hint = false} : vector<256x64xbf16>, vector<64x16384xbf16>, vector<256x16384xf32> -> vector<256x16384xf32>
    %get3A_17 = arith.constant 0 : index
    %get3A_18 = arith.constant 0 : index
    %get3A_19 = vector.load %arg6[%get3A_17, %get3A_18] : memref<1x16384xf32, #tpu.memory_space<vmem>>, vector<1x16384xf32>
    %add3A_20 = vector.broadcast %get3A_19 : vector<1x16384xf32> to vector<256x16384xf32>
    %add3A_21 = arith.addf %dot_general3A_16, %add3A_20 : vector<256x16384xf32>
    %convert_element_type3A_22 = arith.truncf %add3A_21 : vector<256x16384xf32> to vector<256x16384xbf16>
    %reshape3A = vector.shape_cast %convert_element_type3A_22 : vector<256x16384xbf16> to vector<256x128x128xbf16>
    %get3A_23 = arith.constant 0 : index
    %get3A_24 = arith.constant 0 : index
    %get3A_25 = vector.load %arg4[%get3A_23, %get3A_24] : memref<256x128xf32, #tpu.memory_space<vmem>>, vector<256x128xf32>
    %convert_element_type3A_26 = arith.truncf %get3A_25 : vector<256x128xf32> to vector<256x128xbf16>
    %dot_general3A_27 = arith.constant dense<0.000000e+00> : vector<256x128xf32>
    %dot_general3A_28 = tpu.matmul %convert_element_type3A_26, %reshape3A, %dot_general3A_27 {dimension_numbers = #tpu.dot_dimension_numbers<[1], [1], [], [2], [0, 0, 1, 2], [0], [0]>, transpose_lhs_hint = false} : vector<256x128xbf16>, vector<256x128x128xbf16>, vector<256x128xf32> -> vector<256x128xf32>
    %swap3A = arith.constant 0 : index
    %swap3A_29 = arith.constant 0 : index
    %swap3A_30 = vector.load %arg7[%swap3A, %swap3A_29] : memref<256x128xf32, #tpu.memory_space<vmem>>, vector<256x128xf32>
    tpu.vector_store %arg7[%swap3A, %swap3A_29], %dot_general3A_28 {strides = array<i32>} : memref<256x128xf32, #tpu.memory_space<vmem>>, vector<256x128xf32>,
    return
  }
  func.func @transform_0(%arg0: i32) -> (i32, i32) {
    %c0_i32 = arith.constant 0 : i32
    %c0_i32_0 = arith.constant 0 : i32
    return %arg0, %c0_i32 : i32, i32
  }
  func.func @transform_1(%arg0: i32) -> (i32, i32) {
    %c0_i32 = arith.constant 0 : i32
    %c0_i32_0 = arith.constant 0 : i32
    %c0_i32_1 = arith.constant 0 : i32
    return %c0_i32, %c0_i32_0 : i32, i32
  }
  func.func @transform_2(%arg0: i32) -> (i32, i32) {
    %c0_i32 = arith.constant 0 : i32
    %c0_i32_0 = arith.constant 0 : i32
    %c0_i32_1 = arith.constant 0 : i32
    return %c0_i32, %c0_i32_0 : i32, i32
  }
  func.func @transform_3(%arg0: i32) -> (i32, i32) {
    %c0_i32 = arith.constant 0 : i32
    %c0_i32_0 = arith.constant 0 : i32
    return %arg0, %c0_i32 : i32, i32
  }
  func.func @transform_4(%arg0: i32) -> (i32, i32) {
    %c0_i32 = arith.constant 0 : i32
    %c0_i32_0 = arith.constant 0 : i32
    %c0_i32_1 = arith.constant 0 : i32
    return %c0_i32, %c0_i32_0 : i32, i32
  }
  func.func @transform_5(%arg0: i32) -> (i32, i32) {
    %c0_i32 = arith.constant 0 : i32
    %c0_i32_0 = arith.constant 0 : i32
    %c0_i32_1 = arith.constant 0 : i32
    return %c0_i32, %c0_i32_0 : i32, i32
  }
  func.func @transform_6(%arg0: i32) -> (i32, i32) {
    %c0_i32 = arith.constant 0 : i32
    %c0_i32_0 = arith.constant 0 : i32
    return %arg0, %c0_i32 : i32, i32
  }
}

module attributes {stable_mosaic.version = 14 : i64} {
  func.func @body(%arg0: memref<64x128xi32, #tpu.memory_space<vmem>>, %arg1: memref<2048x1xf32, #tpu.memory_space<vmem>>) attributes {dimension_semantics = [], scalar_prefetch = 0 : i64, scratch_operands = 0 : i64, tpu.core_type = #tpu.core_type<tc>} {
    %iota3A = tpu.iota {dimensions = array<i32: 0>} : vector<2048x1xi32>
    %broadcast_in_dim3A = arith.constant 0.000000e+00 : f32
    %broadcast_in_dim3A_0 = vector.broadcast %broadcast_in_dim3A : f32 to vector<2048x1xf32>
    %scan3A = arith.constant 0 : i32
    %scan3A_1 = arith.constant 64 : i32
    %scan3A_2 = arith.addi %scan3A, %scan3A_1 : i32
    %scan3A_3 = arith.constant 1 : i32
    %scan3A_4 = scf.for %scan3A_12 = %scan3A to %scan3A_2 step %scan3A_3 iter_args(%scan3A_13 = %broadcast_in_dim3A_0) -> (vector<2048x1xf32>)  : i32 {
      %get3A = arith.index_cast %scan3A_12 : i32 to index
      %get3A_14 = arith.constant 0 : index
      %get3A_15 = vector.load %arg0[%get3A, %get3A_14] : memref<64x128xi32, #tpu.memory_space<vmem>>, vector<1x128xi32>
      %eq3A = vector.broadcast %get3A_15 : vector<1x128xi32> to vector<2048x128xi32>
      %eq3A_16 = vector.broadcast %iota3A : vector<2048x1xi32> to vector<2048x128xi32>
      %eq3A_17 = arith.cmpi eq, %eq3A, %eq3A_16 : vector<2048x128xi32>
      %convert_element_type3A = arith.extui %eq3A_17 : vector<2048x128xi1> to vector<2048x128xi32>
      %convert_element_type3A_18 = arith.sitofp %convert_element_type3A : vector<2048x128xi32> to vector<2048x128xf32>
      %reduce_sum3A = arith.constant dense<0.000000e+00> : vector<2048xf32>
      %reduce_sum3A_19 = vector.multi_reduction <add>, %convert_element_type3A_18, %reduce_sum3A [1] : vector<2048x128xf32> to vector<2048xf32>
      %broadcast_in_dim3A_20 = vector.shape_cast %reduce_sum3A_19 : vector<2048xf32> to vector<2048x1xf32>
      %add3A = arith.addf %scan3A_13, %broadcast_in_dim3A_20 : vector<2048x1xf32>
      scf.yield %add3A : vector<2048x1xf32>
    }
    %scan3A_5 = arith.constant 64 : i32
    %max3A = arith.constant 1.000000e+00 : f32
    %max3A_6 = vector.broadcast %max3A : f32 to vector<2048x1xf32>
    %max3A_7 = arith.maximumf %scan3A_4, %max3A_6 : vector<2048x1xf32>
    %div3A = arith.constant 1.000000e+00 : f32
    %div3A_8 = vector.broadcast %div3A : f32 to vector<2048x1xf32>
    %div3A_9 = arith.divf %div3A_8, %max3A_7 : vector<2048x1xf32>
    %swap3A = arith.constant 0 : index
    %swap3A_10 = arith.constant 0 : index
    %swap3A_11 = vector.load %arg1[%swap3A, %swap3A_10] : memref<2048x1xf32, #tpu.memory_space<vmem>>, vector<2048x1xf32>
    tpu.vector_store %arg1[%swap3A, %swap3A_10], %div3A_9 {strides = array<i32>} : memref<2048x1xf32, #tpu.memory_space<vmem>>, vector<2048x1xf32>,
    return
  }
}

module attributes {stable_mosaic.version = 14 : i64} {
  func.func @body(%arg0: i32, %arg1: memref<2x256x128xf32, #tpu.memory_space<vmem>>, %arg2: memref<256x128xf32, #tpu.memory_space<vmem>>, %arg3: memref<128x128xf32, #tpu.memory_space<vmem>>, %arg4: memref<1x128xf32, #tpu.memory_space<vmem>>, %arg5: memref<256x1xf32, #tpu.memory_space<vmem>>, %arg6: memref<256x128xf32, #tpu.memory_space<vmem>>) attributes {dimension_semantics = [#tpu.dimension_semantics<arbitrary>], iteration_bounds = array<i64: 8>, scalar_prefetch = 0 : i64, scratch_operands = 0 : i64, tpu.core_type = #tpu.core_type<tc>, window_params = [{transform_indices = @transform_0, window_bounds = array<i64: 2, 256, 128>}, {transform_indices = @transform_1, window_bounds = array<i64: 256, 128>}, {pipeline_mode = #tpu.pipeline_mode<synchronous>, transform_indices = @transform_2, window_bounds = array<i64: 128, 128>}, {pipeline_mode = #tpu.pipeline_mode<synchronous>, transform_indices = @transform_3, window_bounds = array<i64: 1, 128>}, {transform_indices = @transform_4, window_bounds = array<i64: 256, 1>}, {transform_indices = @transform_5, window_bounds = array<i64: 256, 128>}]} {
    %get3A = arith.constant 0 : index
    %get3A_0 = arith.constant 0 : index
    %get3A_1 = arith.constant 0 : index
    %get3A_2 = vector.load %arg1[%get3A, %get3A_0, %get3A_1] : memref<2x256x128xf32, #tpu.memory_space<vmem>>, vector<1x256x128xf32>
    %get3A_3 = vector.shape_cast %get3A_2 : vector<1x256x128xf32> to vector<256x128xf32>
    %get3A_4 = arith.constant 1 : index
    %get3A_5 = arith.constant 0 : index
    %get3A_6 = arith.constant 0 : index
    %get3A_7 = vector.load %arg1[%get3A_4, %get3A_5, %get3A_6] : memref<2x256x128xf32, #tpu.memory_space<vmem>>, vector<1x256x128xf32>
    %get3A_8 = vector.shape_cast %get3A_7 : vector<1x256x128xf32> to vector<256x128xf32>
    %add3A = arith.addf %get3A_3, %get3A_8 : vector<256x128xf32>
    %get3A_9 = arith.constant 0 : index
    %get3A_10 = arith.constant 0 : index
    %get3A_11 = vector.load %arg5[%get3A_9, %get3A_10] : memref<256x1xf32, #tpu.memory_space<vmem>>, vector<256x1xf32>
    %mul3A = vector.broadcast %get3A_11 : vector<256x1xf32> to vector<256x128xf32>
    %mul3A_12 = arith.mulf %add3A, %mul3A : vector<256x128xf32>
    %get3A_13 = arith.constant 0 : index
    %get3A_14 = arith.constant 0 : index
    %get3A_15 = vector.load %arg2[%get3A_13, %get3A_14] : memref<256x128xf32, #tpu.memory_space<vmem>>, vector<256x128xf32>
    %get3A_16 = arith.constant 0 : index
    %get3A_17 = arith.constant 0 : index
    %get3A_18 = vector.load %arg3[%get3A_16, %get3A_17] : memref<128x128xf32, #tpu.memory_space<vmem>>, vector<128x128xf32>
    %dot_general3A = arith.constant dense<0.000000e+00> : vector<256x128xf32>
    %dot_general3A_19 = tpu.matmul %get3A_15, %get3A_18, %dot_general3A {dimension_numbers = #tpu.dot_dimension_numbers<[1], [0], [0], [1], [0, 0, 1, 1], [], []>, transpose_lhs_hint = false} : vector<256x128xf32>, vector<128x128xf32>, vector<256x128xf32> -> vector<256x128xf32>
    %add3A_20 = arith.addf %mul3A_12, %dot_general3A_19 : vector<256x128xf32>
    %get3A_21 = arith.constant 0 : index
    %get3A_22 = arith.constant 0 : index
    %get3A_23 = vector.load %arg4[%get3A_21, %get3A_22] : memref<1x128xf32, #tpu.memory_space<vmem>>, vector<1x128xf32>
    %add3A_24 = vector.broadcast %get3A_23 : vector<1x128xf32> to vector<256x128xf32>
    %add3A_25 = arith.addf %add3A_20, %add3A_24 : vector<256x128xf32>
    %max3A = arith.constant 0.000000e+00 : f32
    %max3A_26 = vector.broadcast %max3A : f32 to vector<256x128xf32>
    %max3A_27 = arith.maximumf %add3A_25, %max3A_26 : vector<256x128xf32>
    %swap3A = arith.constant 0 : index
    %swap3A_28 = arith.constant 0 : index
    %swap3A_29 = vector.load %arg6[%swap3A, %swap3A_28] : memref<256x128xf32, #tpu.memory_space<vmem>>, vector<256x128xf32>
    tpu.vector_store %arg6[%swap3A, %swap3A_28], %max3A_27 {strides = array<i32>} : memref<256x128xf32, #tpu.memory_space<vmem>>, vector<256x128xf32>,
    return
  }
  func.func @transform_0(%arg0: i32) -> (i32, i32, i32) {
    %c0_i32 = arith.constant 0 : i32
    %c0_i32_0 = arith.constant 0 : i32
    %c0_i32_1 = arith.constant 0 : i32
    return %c0_i32, %arg0, %c0_i32_0 : i32, i32, i32
  }
  func.func @transform_1(%arg0: i32) -> (i32, i32) {
    %c0_i32 = arith.constant 0 : i32
    %c0_i32_0 = arith.constant 0 : i32
    return %arg0, %c0_i32 : i32, i32
  }
  func.func @transform_2(%arg0: i32) -> (i32, i32) {
    %c0_i32 = arith.constant 0 : i32
    %c0_i32_0 = arith.constant 0 : i32
    %c0_i32_1 = arith.constant 0 : i32
    return %c0_i32, %c0_i32_0 : i32, i32
  }
  func.func @transform_3(%arg0: i32) -> (i32, i32) {
    %c0_i32 = arith.constant 0 : i32
    %c0_i32_0 = arith.constant 0 : i32
    %c0_i32_1 = arith.constant 0 : i32
    return %c0_i32, %c0_i32_0 : i32, i32
  }
  func.func @transform_4(%arg0: i32) -> (i32, i32) {
    %c0_i32 = arith.constant 0 : i32
    %c0_i32_0 = arith.constant 0 : i32
    return %arg0, %c0_i32 : i32, i32
  }
  func.func @transform_5(%arg0: i32) -> (i32, i32) {
    %c0_i32 = arith.constant 0 : i32
    %c0_i32_0 = arith.constant 0 : i32
    return %arg0, %c0_i32 : i32, i32
  }
}

module attributes {stable_mosaic.version = 14 : i64} {
  func.func @body(%arg0: i32, %arg1: memref<2x256x128xf32, #tpu.memory_space<vmem>>, %arg2: memref<256x128xf32, #tpu.memory_space<vmem>>, %arg3: memref<128x128xf32, #tpu.memory_space<vmem>>, %arg4: memref<1x128xf32, #tpu.memory_space<vmem>>, %arg5: memref<256x1xf32, #tpu.memory_space<vmem>>, %arg6: memref<256x128xf32, #tpu.memory_space<vmem>>) attributes {dimension_semantics = [#tpu.dimension_semantics<arbitrary>], iteration_bounds = array<i64: 8>, scalar_prefetch = 0 : i64, scratch_operands = 0 : i64, tpu.core_type = #tpu.core_type<tc>, window_params = [{transform_indices = @transform_0, window_bounds = array<i64: 2, 256, 128>}, {transform_indices = @transform_1, window_bounds = array<i64: 256, 128>}, {pipeline_mode = #tpu.pipeline_mode<synchronous>, transform_indices = @transform_2, window_bounds = array<i64: 128, 128>}, {pipeline_mode = #tpu.pipeline_mode<synchronous>, transform_indices = @transform_3, window_bounds = array<i64: 1, 128>}, {transform_indices = @transform_4, window_bounds = array<i64: 256, 1>}, {transform_indices = @transform_5, window_bounds = array<i64: 256, 128>}]} {
    %get3A = arith.constant 0 : index
    %get3A_0 = arith.constant 0 : index
    %get3A_1 = arith.constant 0 : index
    %get3A_2 = vector.load %arg1[%get3A, %get3A_0, %get3A_1] : memref<2x256x128xf32, #tpu.memory_space<vmem>>, vector<1x256x128xf32>
    %get3A_3 = vector.shape_cast %get3A_2 : vector<1x256x128xf32> to vector<256x128xf32>
    %get3A_4 = arith.constant 1 : index
    %get3A_5 = arith.constant 0 : index
    %get3A_6 = arith.constant 0 : index
    %get3A_7 = vector.load %arg1[%get3A_4, %get3A_5, %get3A_6] : memref<2x256x128xf32, #tpu.memory_space<vmem>>, vector<1x256x128xf32>
    %get3A_8 = vector.shape_cast %get3A_7 : vector<1x256x128xf32> to vector<256x128xf32>
    %add3A = arith.addf %get3A_3, %get3A_8 : vector<256x128xf32>
    %get3A_9 = arith.constant 0 : index
    %get3A_10 = arith.constant 0 : index
    %get3A_11 = vector.load %arg5[%get3A_9, %get3A_10] : memref<256x1xf32, #tpu.memory_space<vmem>>, vector<256x1xf32>
    %mul3A = vector.broadcast %get3A_11 : vector<256x1xf32> to vector<256x128xf32>
    %mul3A_12 = arith.mulf %add3A, %mul3A : vector<256x128xf32>
    %get3A_13 = arith.constant 0 : index
    %get3A_14 = arith.constant 0 : index
    %get3A_15 = vector.load %arg2[%get3A_13, %get3A_14] : memref<256x128xf32, #tpu.memory_space<vmem>>, vector<256x128xf32>
    %get3A_16 = arith.constant 0 : index
    %get3A_17 = arith.constant 0 : index
    %get3A_18 = vector.load %arg3[%get3A_16, %get3A_17] : memref<128x128xf32, #tpu.memory_space<vmem>>, vector<128x128xf32>
    %dot_general3A = arith.constant dense<0.000000e+00> : vector<256x128xf32>
    %dot_general3A_19 = tpu.matmul %get3A_15, %get3A_18, %dot_general3A {dimension_numbers = #tpu.dot_dimension_numbers<[1], [0], [0], [1], [0, 0, 1, 1], [], []>, transpose_lhs_hint = false} : vector<256x128xf32>, vector<128x128xf32>, vector<256x128xf32> -> vector<256x128xf32>
    %add3A_20 = arith.addf %mul3A_12, %dot_general3A_19 : vector<256x128xf32>
    %get3A_21 = arith.constant 0 : index
    %get3A_22 = arith.constant 0 : index
    %get3A_23 = vector.load %arg4[%get3A_21, %get3A_22] : memref<1x128xf32, #tpu.memory_space<vmem>>, vector<1x128xf32>
    %add3A_24 = vector.broadcast %get3A_23 : vector<1x128xf32> to vector<256x128xf32>
    %add3A_25 = arith.addf %add3A_20, %add3A_24 : vector<256x128xf32>
    %get3A_26 = arith.constant 0 : index
    %get3A_27 = arith.constant 0 : index
    %get3A_28 = vector.load %arg2[%get3A_26, %get3A_27] : memref<256x128xf32, #tpu.memory_space<vmem>>, vector<256x128xf32>
    %add3A_29 = arith.addf %add3A_25, %get3A_28 : vector<256x128xf32>
    %max3A = arith.constant 0.000000e+00 : f32
    %max3A_30 = vector.broadcast %max3A : f32 to vector<256x128xf32>
    %max3A_31 = arith.maximumf %add3A_29, %max3A_30 : vector<256x128xf32>
    %swap3A = arith.constant 0 : index
    %swap3A_32 = arith.constant 0 : index
    %swap3A_33 = vector.load %arg6[%swap3A, %swap3A_32] : memref<256x128xf32, #tpu.memory_space<vmem>>, vector<256x128xf32>
    tpu.vector_store %arg6[%swap3A, %swap3A_32], %max3A_31 {strides = array<i32>} : memref<256x128xf32, #tpu.memory_space<vmem>>, vector<256x128xf32>,
    return
  }
  func.func @transform_0(%arg0: i32) -> (i32, i32, i32) {
    %c0_i32 = arith.constant 0 : i32
    %c0_i32_0 = arith.constant 0 : i32
    %c0_i32_1 = arith.constant 0 : i32
    return %c0_i32, %arg0, %c0_i32_0 : i32, i32, i32
  }
  func.func @transform_1(%arg0: i32) -> (i32, i32) {
    %c0_i32 = arith.constant 0 : i32
    %c0_i32_0 = arith.constant 0 : i32
    return %arg0, %c0_i32 : i32, i32
  }
  func.func @transform_2(%arg0: i32) -> (i32, i32) {
    %c0_i32 = arith.constant 0 : i32
    %c0_i32_0 = arith.constant 0 : i32
    %c0_i32_1 = arith.constant 0 : i32
    return %c0_i32, %c0_i32_0 : i32, i32
  }
  func.func @transform_3(%arg0: i32) -> (i32, i32) {
    %c0_i32 = arith.constant 0 : i32
    %c0_i32_0 = arith.constant 0 : i32
    %c0_i32_1 = arith.constant 0 : i32
    return %c0_i32, %c0_i32_0 : i32, i32
  }
  func.func @transform_4(%arg0: i32) -> (i32, i32) {
    %c0_i32 = arith.constant 0 : i32
    %c0_i32_0 = arith.constant 0 : i32
    return %arg0, %c0_i32 : i32, i32
  }
  func.func @transform_5(%arg0: i32) -> (i32, i32) {
    %c0_i32 = arith.constant 0 : i32
    %c0_i32_0 = arith.constant 0 : i32
    return %arg0, %c0_i32 : i32, i32
  }
}

module attributes {stable_mosaic.version = 14 : i64} {
  func.func @body(%arg0: memref<2x2048x128xf32, #tpu.memory_space<vmem>>, %arg1: memref<2048x128xf32, #tpu.memory_space<vmem>>, %arg2: memref<128x128xf32, #tpu.memory_space<vmem>>, %arg3: memref<1x128xf32, #tpu.memory_space<vmem>>, %arg4: memref<2048x1xf32, #tpu.memory_space<vmem>>, %arg5: memref<2048x1xi32, #tpu.memory_space<vmem>>, %arg6: memref<128x64xf32, #tpu.memory_space<vmem>>, %arg7: memref<1x64xf32, #tpu.memory_space<vmem>>, %arg8: memref<64x1xf32, #tpu.memory_space<vmem>>, %arg9: memref<1x1xf32, #tpu.memory_space<vmem>>, %arg10: memref<128x128xf32, #tpu.memory_space<vmem>>, %arg11: memref<1x128xf32, #tpu.memory_space<vmem>>, %arg12: memref<128x64xf32, #tpu.memory_space<vmem>>, %arg13: memref<1x64xf32, #tpu.memory_space<vmem>>, %arg14: memref<64x16xf32, #tpu.memory_space<vmem>>, %arg15: memref<1x16xf32, #tpu.memory_space<vmem>>, %arg16: memref<16x1xf32, #tpu.memory_space<vmem>>, %arg17: memref<1x1xf32, #tpu.memory_space<vmem>>, %arg18: memref<32x1xf32, #tpu.memory_space<vmem>>) attributes {dimension_semantics = [], scalar_prefetch = 0 : i64, scratch_operands = 0 : i64, tpu.core_type = #tpu.core_type<tc>} {
    %get3A = arith.constant 0 : index
    %get3A_0 = arith.constant 0 : index
    %get3A_1 = vector.load %arg1[%get3A, %get3A_0] : memref<2048x128xf32, #tpu.memory_space<vmem>>, vector<2048x128xf32>
    %get3A_2 = arith.constant 0 : index
    %get3A_3 = arith.constant 0 : index
    %get3A_4 = arith.constant 0 : index
    %get3A_5 = vector.load %arg0[%get3A_2, %get3A_3, %get3A_4] : memref<2x2048x128xf32, #tpu.memory_space<vmem>>, vector<1x2048x128xf32>
    %get3A_6 = vector.shape_cast %get3A_5 : vector<1x2048x128xf32> to vector<2048x128xf32>
    %get3A_7 = arith.constant 1 : index
    %get3A_8 = arith.constant 0 : index
    %get3A_9 = arith.constant 0 : index
    %get3A_10 = vector.load %arg0[%get3A_7, %get3A_8, %get3A_9] : memref<2x2048x128xf32, #tpu.memory_space<vmem>>, vector<1x2048x128xf32>
    %get3A_11 = vector.shape_cast %get3A_10 : vector<1x2048x128xf32> to vector<2048x128xf32>
    %add3A = arith.addf %get3A_6, %get3A_11 : vector<2048x128xf32>
    %get3A_12 = arith.constant 0 : index
    %get3A_13 = arith.constant 0 : index
    %get3A_14 = vector.load %arg4[%get3A_12, %get3A_13] : memref<2048x1xf32, #tpu.memory_space<vmem>>, vector<2048x1xf32>
    %mul3A = vector.broadcast %get3A_14 : vector<2048x1xf32> to vector<2048x128xf32>
    %mul3A_15 = arith.mulf %add3A, %mul3A : vector<2048x128xf32>
    %get3A_16 = arith.constant 0 : index
    %get3A_17 = arith.constant 0 : index
    %get3A_18 = vector.load %arg2[%get3A_16, %get3A_17] : memref<128x128xf32, #tpu.memory_space<vmem>>, vector<128x128xf32>
    %dot_general3A = arith.constant dense<0.000000e+00> : vector<2048x128xf32>
    %dot_general3A_19 = tpu.matmul %get3A_1, %get3A_18, %dot_general3A {dimension_numbers = #tpu.dot_dimension_numbers<[1], [0], [0], [1], [0, 0, 1, 1], [], []>, transpose_lhs_hint = false} : vector<2048x128xf32>, vector<128x128xf32>, vector<2048x128xf32> -> vector<2048x128xf32>
    %add3A_20 = arith.addf %mul3A_15, %dot_general3A_19 : vector<2048x128xf32>
    %get3A_21 = arith.constant 0 : index
    %get3A_22 = arith.constant 0 : index
    %get3A_23 = vector.load %arg3[%get3A_21, %get3A_22] : memref<1x128xf32, #tpu.memory_space<vmem>>, vector<1x128xf32>
    %add3A_24 = vector.broadcast %get3A_23 : vector<1x128xf32> to vector<2048x128xf32>
    %add3A_25 = arith.addf %add3A_20, %add3A_24 : vector<2048x128xf32>
    %add3A_26 = arith.addf %add3A_25, %get3A_1 : vector<2048x128xf32>
    %max3A = arith.constant 0.000000e+00 : f32
    %max3A_27 = vector.broadcast %max3A : f32 to vector<2048x128xf32>
    %max3A_28 = arith.maximumf %add3A_26, %max3A_27 : vector<2048x128xf32>
    %get3A_29 = arith.constant 0 : index
    %get3A_30 = arith.constant 0 : index
    %get3A_31 = vector.load %arg6[%get3A_29, %get3A_30] : memref<128x64xf32, #tpu.memory_space<vmem>>, vector<128x64xf32>
    %dot_general3A_32 = arith.constant dense<0.000000e+00> : vector<2048x64xf32>
    %dot_general3A_33 = tpu.matmul %max3A_28, %get3A_31, %dot_general3A_32 {dimension_numbers = #tpu.dot_dimension_numbers<[1], [0], [0], [1], [0, 0, 1, 1], [], []>, transpose_lhs_hint = false} : vector<2048x128xf32>, vector<128x64xf32>, vector<2048x64xf32> -> vector<2048x64xf32>
    %get3A_34 = arith.constant 0 : index
    %get3A_35 = arith.constant 0 : index
    %get3A_36 = vector.load %arg7[%get3A_34, %get3A_35] : memref<1x64xf32, #tpu.memory_space<vmem>>, vector<1x64xf32>
    %add3A_37 = vector.broadcast %get3A_36 : vector<1x64xf32> to vector<2048x64xf32>
    %add3A_38 = arith.addf %dot_general3A_33, %add3A_37 : vector<2048x64xf32>
    %max3A_39 = arith.constant 0.000000e+00 : f32
    %max3A_40 = vector.broadcast %max3A_39 : f32 to vector<2048x64xf32>
    %max3A_41 = arith.maximumf %add3A_38, %max3A_40 : vector<2048x64xf32>
    %get3A_42 = arith.constant 0 : index
    %get3A_43 = arith.constant 0 : index
    %get3A_44 = vector.load %arg8[%get3A_42, %get3A_43] : memref<64x1xf32, #tpu.memory_space<vmem>>, vector<64x1xf32>
    %dot_general3A_45 = arith.constant dense<0.000000e+00> : vector<2048x1xf32>
    %dot_general3A_46 = tpu.matmul %max3A_41, %get3A_44, %dot_general3A_45 {dimension_numbers = #tpu.dot_dimension_numbers<[1], [0], [0], [1], [0, 0, 1, 1], [], []>, transpose_lhs_hint = false} : vector<2048x64xf32>, vector<64x1xf32>, vector<2048x1xf32> -> vector<2048x1xf32>
    %get3A_47 = arith.constant 0 : index
    %get3A_48 = arith.constant 0 : index
    %get3A_49 = vector.load %arg9[%get3A_47, %get3A_48] : memref<1x1xf32, #tpu.memory_space<vmem>>, vector<1x1xf32>
    %add3A_50 = vector.broadcast %get3A_49 : vector<1x1xf32> to vector<2048x1xf32>
    %add3A_51 = arith.addf %dot_general3A_46, %add3A_50 : vector<2048x1xf32>
    %get3A_52 = arith.constant 0 : index
    %get3A_53 = arith.constant 0 : index
    %get3A_54 = vector.load %arg5[%get3A_52, %get3A_53] : memref<2048x1xi32, #tpu.memory_space<vmem>>, vector<2048x1xi32>
    %iota3A = tpu.iota {dimensions = array<i32: 1>} : vector<1x32xi32>
    %eq3A = vector.broadcast %get3A_54 : vector<2048x1xi32> to vector<2048x32xi32>
    %eq3A_55 = vector.broadcast %iota3A : vector<1x32xi32> to vector<2048x32xi32>
    %eq3A_56 = arith.cmpi eq, %eq3A, %eq3A_55 : vector<2048x32xi32>
    %convert_element_type3A = arith.extui %eq3A_56 : vector<2048x32xi1> to vector<2048x32xi32>
    %convert_element_type3A_57 = arith.sitofp %convert_element_type3A : vector<2048x32xi32> to vector<2048x32xf32>
    %jit3A = arith.constant 0xFF800000 : f32
    %broadcast_in_dim3A = vector.shape_cast %add3A_51 : vector<2048x1xf32> to vector<2048x1xf32>
    %broadcast_in_dim3A_58 = vector.broadcast %broadcast_in_dim3A : vector<2048x1xf32> to vector<2048x32xf32>
    %broadcast_in_dim3A_59 = vector.broadcast %jit3A : f32 to vector<2048x32xf32>
    %select_n3A = arith.select %eq3A_56, %broadcast_in_dim3A_58, %broadcast_in_dim3A_59 : vector<2048x32xi1>, vector<2048x32xf32>
    %reduce_max3A = arith.constant dense<0xFF800000> : vector<32xf32>
    %reduce_max3A_60 = vector.multi_reduction <maximumf>, %select_n3A, %reduce_max3A [0] : vector<2048x32xf32> to vector<32xf32>
    %broadcast_in_dim3A_61 = vector.shape_cast %reduce_max3A_60 : vector<32xf32> to vector<1x32xf32>
    %is_finite3A = tpu.weird %broadcast_in_dim3A_61 : vector<1x32xf32> -> vector<1x32xi1>
    %is_finite3A_62 = arith.constant dense<true> : vector<1x32xi1>
    %is_finite3A_63 = arith.xori %is_finite3A, %is_finite3A_62 : vector<1x32xi1>
    %jit3A_64 = arith.constant 0.000000e+00 : f32
    %broadcast_in_dim3A_65 = vector.broadcast %jit3A_64 : f32 to vector<1x32xf32>
    %select_n3A_66 = arith.select %is_finite3A_63, %broadcast_in_dim3A_61, %broadcast_in_dim3A_65 : vector<1x32xi1>, vector<1x32xf32>
    %mul3A_67 = vector.broadcast %select_n3A_66 : vector<1x32xf32> to vector<2048x32xf32>
    %mul3A_68 = arith.mulf %convert_element_type3A_57, %mul3A_67 : vector<2048x32xf32>
    %reduce_sum3A = arith.constant dense<0.000000e+00> : vector<2048xf32>
    %reduce_sum3A_69 = vector.multi_reduction <add>, %mul3A_68, %reduce_sum3A [1] : vector<2048x32xf32> to vector<2048xf32>
    %broadcast_in_dim3A_70 = vector.shape_cast %reduce_sum3A_69 : vector<2048xf32> to vector<2048x1xf32>
    %sub3A = arith.subf %add3A_51, %broadcast_in_dim3A_70 : vector<2048x1xf32>
    %exp3A = math.exp %sub3A : vector<2048x1xf32>
    %mul3A_71 = vector.broadcast %exp3A : vector<2048x1xf32> to vector<2048x32xf32>
    %mul3A_72 = arith.mulf %convert_element_type3A_57, %mul3A_71 : vector<2048x32xf32>
    %reduce_sum3A_73 = arith.constant dense<0.000000e+00> : vector<32xf32>
    %reduce_sum3A_74 = vector.multi_reduction <add>, %mul3A_72, %reduce_sum3A_73 [0] : vector<2048x32xf32> to vector<32xf32>
    %broadcast_in_dim3A_75 = vector.shape_cast %reduce_sum3A_74 : vector<32xf32> to vector<1x32xf32>
    %mul3A_76 = vector.broadcast %broadcast_in_dim3A_75 : vector<1x32xf32> to vector<2048x32xf32>
    %mul3A_77 = arith.mulf %convert_element_type3A_57, %mul3A_76 : vector<2048x32xf32>
    %reduce_sum3A_78 = arith.constant dense<0.000000e+00> : vector<2048xf32>
    %reduce_sum3A_79 = vector.multi_reduction <add>, %mul3A_77, %reduce_sum3A_78 [1] : vector<2048x32xf32> to vector<2048xf32>
    %broadcast_in_dim3A_80 = vector.shape_cast %reduce_sum3A_79 : vector<2048xf32> to vector<2048x1xf32>
    %add3A_81 = arith.constant 1.000000e-16 : f32
    %add3A_82 = vector.broadcast %add3A_81 : f32 to vector<2048x1xf32>
    %add3A_83 = arith.addf %broadcast_in_dim3A_80, %add3A_82 : vector<2048x1xf32>
    %div3A = arith.divf %exp3A, %add3A_83 : vector<2048x1xf32>
    %mul3A_84 = vector.broadcast %div3A : vector<2048x1xf32> to vector<2048x128xf32>
    %mul3A_85 = arith.mulf %mul3A_84, %max3A_28 : vector<2048x128xf32>
    %convert_element_type3A_86 = arith.truncf %mul3A_85 : vector<2048x128xf32> to vector<2048x128xbf16>
    %convert_element_type3A_87 = arith.extf %convert_element_type3A_86 : vector<2048x128xbf16> to vector<2048x128xf32>
    %sub3A_88 = arith.subf %mul3A_85, %convert_element_type3A_87 : vector<2048x128xf32>
    %convert_element_type3A_89 = arith.truncf %sub3A_88 : vector<2048x128xf32> to vector<2048x128xbf16>
    %convert_element_type3A_90 = arith.extf %convert_element_type3A_86 : vector<2048x128xbf16> to vector<2048x128xf32>
    %sub3A_91 = arith.subf %mul3A_85, %convert_element_type3A_90 : vector<2048x128xf32>
    %convert_element_type3A_92 = arith.extf %convert_element_type3A_89 : vector<2048x128xbf16> to vector<2048x128xf32>
    %sub3A_93 = arith.subf %sub3A_91, %convert_element_type3A_92 : vector<2048x128xf32>
    %convert_element_type3A_94 = arith.truncf %sub3A_93 : vector<2048x128xf32> to vector<2048x128xbf16>
    %convert_element_type3A_95 = arith.extf %convert_element_type3A_86 : vector<2048x128xbf16> to vector<2048x128xf32>
    %dot_general3A_96 = arith.constant dense<0.000000e+00> : vector<32x128xf32>
    %dot_general3A_97 = tpu.matmul %convert_element_type3A_57, %convert_element_type3A_95, %dot_general3A_96 {dimension_numbers = #tpu.dot_dimension_numbers<[0], [0], [1], [1], [0, 1, 1, 1], [], []>, transpose_lhs_hint = false} : vector<2048x32xf32>, vector<2048x128xf32>, vector<32x128xf32> -> vector<32x128xf32>
    %convert_element_type3A_98 = arith.extf %convert_element_type3A_89 : vector<2048x128xbf16> to vector<2048x128xf32>
    %dot_general3A_99 = arith.constant dense<0.000000e+00> : vector<32x128xf32>
    %dot_general3A_100 = tpu.matmul %convert_element_type3A_57, %convert_element_type3A_98, %dot_general3A_99 {dimension_numbers = #tpu.dot_dimension_numbers<[0], [0], [1], [1], [0, 1, 1, 1], [], []>, transpose_lhs_hint = false} : vector<2048x32xf32>, vector<2048x128xf32>, vector<32x128xf32> -> vector<32x128xf32>
    %add3A_101 = arith.addf %dot_general3A_97, %dot_general3A_100 : vector<32x128xf32>
    %convert_element_type3A_102 = arith.extf %convert_element_type3A_94 : vector<2048x128xbf16> to vector<2048x128xf32>
    %dot_general3A_103 = arith.constant dense<0.000000e+00> : vector<32x128xf32>
    %dot_general3A_104 = tpu.matmul %convert_element_type3A_57, %convert_element_type3A_102, %dot_general3A_103 {dimension_numbers = #tpu.dot_dimension_numbers<[0], [0], [1], [1], [0, 1, 1, 1], [], []>, transpose_lhs_hint = false} : vector<2048x32xf32>, vector<2048x128xf32>, vector<32x128xf32> -> vector<32x128xf32>
    %add3A_105 = arith.addf %add3A_101, %dot_general3A_104 : vector<32x128xf32>
    %get3A_106 = arith.constant 0 : index
    %get3A_107 = arith.constant 0 : index
    %get3A_108 = vector.load %arg10[%get3A_106, %get3A_107] : memref<128x128xf32, #tpu.memory_space<vmem>>, vector<128x128xf32>
    %dot_general3A_109 = arith.constant dense<0.000000e+00> : vector<32x128xf32>
    %dot_general3A_110 = tpu.matmul %add3A_105, %get3A_108, %dot_general3A_109 {dimension_numbers = #tpu.dot_dimension_numbers<[1], [0], [0], [1], [0, 0, 1, 1], [], []>, transpose_lhs_hint = false} : vector<32x128xf32>, vector<128x128xf32>, vector<32x128xf32> -> vector<32x128xf32>
    %get3A_111 = arith.constant 0 : index
    %get3A_112 = arith.constant 0 : index
    %get3A_113 = vector.load %arg11[%get3A_111, %get3A_112] : memref<1x128xf32, #tpu.memory_space<vmem>>, vector<1x128xf32>
    %add3A_114 = vector.broadcast %get3A_113 : vector<1x128xf32> to vector<32x128xf32>
    %add3A_115 = arith.addf %dot_general3A_110, %add3A_114 : vector<32x128xf32>
    %max3A_116 = arith.constant 0.000000e+00 : f32
    %max3A_117 = vector.broadcast %max3A_116 : f32 to vector<32x128xf32>
    %max3A_118 = arith.maximumf %add3A_115, %max3A_117 : vector<32x128xf32>
    %get3A_119 = arith.constant 0 : index
    %get3A_120 = arith.constant 0 : index
    %get3A_121 = vector.load %arg12[%get3A_119, %get3A_120] : memref<128x64xf32, #tpu.memory_space<vmem>>, vector<128x64xf32>
    %dot_general3A_122 = arith.constant dense<0.000000e+00> : vector<32x64xf32>
    %dot_general3A_123 = tpu.matmul %max3A_118, %get3A_121, %dot_general3A_122 {dimension_numbers = #tpu.dot_dimension_numbers<[1], [0], [0], [1], [0, 0, 1, 1], [], []>, transpose_lhs_hint = false} : vector<32x128xf32>, vector<128x64xf32>, vector<32x64xf32> -> vector<32x64xf32>
    %get3A_124 = arith.constant 0 : index
    %get3A_125 = arith.constant 0 : index
    %get3A_126 = vector.load %arg13[%get3A_124, %get3A_125] : memref<1x64xf32, #tpu.memory_space<vmem>>, vector<1x64xf32>
    %add3A_127 = vector.broadcast %get3A_126 : vector<1x64xf32> to vector<32x64xf32>
    %add3A_128 = arith.addf %dot_general3A_123, %add3A_127 : vector<32x64xf32>
    %max3A_129 = arith.constant 0.000000e+00 : f32
    %max3A_130 = vector.broadcast %max3A_129 : f32 to vector<32x64xf32>
    %max3A_131 = arith.maximumf %add3A_128, %max3A_130 : vector<32x64xf32>
    %get3A_132 = arith.constant 0 : index
    %get3A_133 = arith.constant 0 : index
    %get3A_134 = vector.load %arg14[%get3A_132, %get3A_133] : memref<64x16xf32, #tpu.memory_space<vmem>>, vector<64x16xf32>
    %dot_general3A_135 = arith.constant dense<0.000000e+00> : vector<32x16xf32>
    %dot_general3A_136 = tpu.matmul %max3A_131, %get3A_134, %dot_general3A_135 {dimension_numbers = #tpu.dot_dimension_numbers<[1], [0], [0], [1], [0, 0, 1, 1], [], []>, transpose_lhs_hint = false} : vector<32x64xf32>, vector<64x16xf32>, vector<32x16xf32> -> vector<32x16xf32>
    %get3A_137 = arith.constant 0 : index
    %get3A_138 = arith.constant 0 : index
    %get3A_139 = vector.load %arg15[%get3A_137, %get3A_138] : memref<1x16xf32, #tpu.memory_space<vmem>>, vector<1x16xf32>
    %add3A_140 = vector.broadcast %get3A_139 : vector<1x16xf32> to vector<32x16xf32>
    %add3A_141 = arith.addf %dot_general3A_136, %add3A_140 : vector<32x16xf32>
    %max3A_142 = arith.constant 0.000000e+00 : f32
    %max3A_143 = vector.broadcast %max3A_142 : f32 to vector<32x16xf32>
    %max3A_144 = arith.maximumf %add3A_141, %max3A_143 : vector<32x16xf32>
    %get3A_145 = arith.constant 0 : index
    %get3A_146 = arith.constant 0 : index
    %get3A_147 = vector.load %arg16[%get3A_145, %get3A_146] : memref<16x1xf32, #tpu.memory_space<vmem>>, vector<16x1xf32>
    %dot_general3A_148 = arith.constant dense<0.000000e+00> : vector<32x1xf32>
    %dot_general3A_149 = tpu.matmul %max3A_144, %get3A_147, %dot_general3A_148 {dimension_numbers = #tpu.dot_dimension_numbers<[1], [0], [0], [1], [0, 0, 1, 1], [], []>, transpose_lhs_hint = false} : vector<32x16xf32>, vector<16x1xf32>, vector<32x1xf32> -> vector<32x1xf32>
    %get3A_150 = arith.constant 0 : index
    %get3A_151 = arith.constant 0 : index
    %get3A_152 = vector.load %arg17[%get3A_150, %get3A_151] : memref<1x1xf32, #tpu.memory_space<vmem>>, vector<1x1xf32>
    %add3A_153 = vector.broadcast %get3A_152 : vector<1x1xf32> to vector<32x1xf32>
    %add3A_154 = arith.addf %dot_general3A_149, %add3A_153 : vector<32x1xf32>
    %swap3A = arith.constant 0 : index
    %swap3A_155 = arith.constant 0 : index
    %swap3A_156 = vector.load %arg18[%swap3A, %swap3A_155] : memref<32x1xf32, #tpu.memory_space<vmem>>, vector<32x1xf32>
    tpu.vector_store %arg18[%swap3A, %swap3A_155], %add3A_154 {strides = array<i32>} : memref<32x1xf32, #tpu.memory_space<vmem>>, vector<32x1xf32>,
    return
  }
}

</mosaic_0001>

<sc_bundles>
// kernel: kernel.15.cloned.1.call-start
scs
__scs_entry_jumppad:
0x0: {  	(pc) =	sbr.rel $0x88, $3  }
0x1: {  	(tag) =	ssettag $0x0;
	lr =	simm.s32 $0x1  }
0x2: {  	[smem:$0x3F7F] =	sst lr;
	_ =	strace $0xD0000000  }
0x3: {  	_ = 	snop  }
0x4: {  	_ = 	snop  }
0x5: {  	_ = 	snop  }
0x6: {  	_ = 	snop  }
0x7: {  	_ = 	snop  }
__scs_overlays_trampoline_lowered:
0x8: {  	[smem:$0x3F8E] =	sst s0  }
0x9: {  	[smem:$0x3F8F] =	sst s1  }
0xa: {  	[smem:$0x3F90] =	sst s2  }
0xb: {  	[smem:$0x3F91] =	sst s3  }
0xc: {  	[smem:$0x3F92] =	sst s4  }
0xd: {  	[smem:$0x3F93] =	sst s5  }
0xe: {  	[smem:$0x3F94] =	sst s6  }
0xf: {  	[smem:$0x3F95] =	sst s7  }
0x10: {  	[smem:$0x3F96] =	sst s8  }
0x11: {  	[smem:$0x3F97] =	sst s9;
	s0 =	simm.s32 @!p0 $0x0  }
0x12: {  	s1 =	sld [smem:$0x3F7D];
	s0 =	simm.s32 @p0 $0x1  }
0x13: {  	[smem:$0x3F98] =	sst s0;
	s0 =	simm.s32 @!p1 $0x0  }
0x14: {  	s2 =	sld [smem:$0x3F7C];
	s0 =	simm.s32 @p1 $0x1  }
0x15: {  	[smem:$0x3F99] =	sst s0;
	s0 =	simm.s32 @!p2 $0x0  }
0x16: {  	s3 =	sld [smem:$0x3FDB];
	s0 =	simm.s32 @p2 $0x1  }
0x17: {  	s4 =	simm.s32 $0x1BF5;
	[smem:$0x3F9B] =	sst s0  }
0x18: {  	s0 =	sld [smem:$0x3F7E];
	_ =	swait.ge [sflag:s4], $0x0  }
0x19: {  	s7 =	sld [smem:$0x3F7F]  }
0x1a: {  	s8 =	sadd.s32 $0xFFFFE003, lr  }
0x1b: {  	s9 =	sadd.s32 $0xFFFFFEF7, lr;
	s5 =	simm.s32 $0xFFFFFFFF;
	p2 =	slt.u32 s8, $0xFFFFF086  }
0x1c: {  	p1 =	slt.u32 s9, $0xF7A;
	s5 =	simm.s32 @!p2 $0x0  }
0x1d: {  	s5 =	simm.s32 @p1 $0x1;
	p0 =	seq.s32 s7, s2  }
0x1e: {  	s7 =	smul.u32 @!p0 $0xF7A, s2;
	p2 =	seq.s32 @!p0 s5, $0x0  }
0x1f: {  	s9 =	smul.u32 $0xF7A, s1;
	s8 =	simm.s32 @!p0 $0x1BF5;
	p2 =	por !p2, p0  }
0x20: {  	[sflag:s8] =	ssyncset.s32 @!p0 $0xFFFFF086;
	s6 =	sadd.s32 @!p0 s3, s7;
	s7 =	simm.s32 @!p0 $0x108  }
0x21: {  	s3 =	sadd.s32 s3, s9;
	s6 =	sadd.s32 @!p0 $0x88, s6;
	s7 =	simm.s32 @p2 $0x1082  }
0x22: {  	[simem:s7], [sflag:s8] =	dma.local @!p0 [hbm:s6], $0xF7A  }
0x23: {  	s9 =	sor.u32 $0xD0000000, s2;
	s6 =	simm.s32 $0x108;
	_ =	swait.ge @!p0 [sflag:s8], $0x0  }
0x24: {  	s3 =	sadd.s32 $0x88, s3;
	s6 =	simm.s32 @!p1 $0x1082;
	[sflag:s4] =	ssyncset.s32 $0xFFFFF086  }
0x25: {  	[simem:s6], [sflag:s4] =	dma.local [hbm:s3], $0xF7A  }
0x26: {  	[smem:$0x3F7F] =	sst s1;
	(tag) =	ssettag s2;
	_ =	strace s9  }
0x27: {  	s1 =	sld [smem:$0x3F8F]  }
0x28: {  	s2 =	sld [smem:$0x3F90]  }
0x29: {  	s4 =	sld [smem:$0x3F92]  }
0x2a: {  	p0 =	seq.s32 s5, $0x0;
	s5 =	sld [smem:$0x3F93]  }
0x2b: {  	s6 =	sld [smem:$0x3F94]  }
0x2c: {  	s7 =	sld [smem:$0x3F95]  }
0x2d: {  	s3 =	simm.s32 $0x108;
	s8 =	sld [smem:$0x3F96]  }
0x2e: {  	s3 =	simm.s32 @!p0 $0x1082;
	s9 =	sld [smem:$0x3F97]  }
0x2f: {  	lr =	sadd.s32 s0, s3;
	s0 =	sld [smem:$0x3F8E]  }
0x30: {  	s3 =	sld [smem:$0x3F91]  }
0x31: {  	[smem:$0x3F9A] =	sst s10  }
0x32: {  	s10 =	sld [smem:$0x3F98];
	_ =	sdelay $0x3  }
0x33: {  	p0 =	seq.s32 s10, $0x1;
	s10 =	sld [smem:$0x3F9A];
	_ =	sdelay $0x3  }
0x34: {  	[smem:$0x3F9A] =	sst s10  }
0x35: {  	s10 =	sld [smem:$0x3F99];
	_ =	sdelay $0x3  }
0x36: {  	p1 =	seq.s32 s10, $0x1;
	s10 =	sld [smem:$0x3F9A];
	_ =	sdelay $0x3  }
0x37: {  	[smem:$0x3F9A] =	sst s10  }
0x38: {  	s10 =	sld [smem:$0x3F9B]  }
0x39: {  	_ = 	snop;
	(pc) =	sbr.ind lr, $3  }
0x3a: {  	_ = 	snop  }
0x3b: {  	_ = 	snop  }
0x3c: {  	p2 =	seq.s32 s10, $0x1;
	s10 =	sld [smem:$0x3F9A]  }
0x3d: {  	_ =	shalt  }
0x3e: {  	_ =	shalt  }
0x3f: {  	_ =	shalt  }
0x40: {  	_ =	shalt  }
0x41: {  	_ =	shalt  }
0x42: {  	_ =	shalt  }
0x43: {  	_ =	shalt  }
0x44: {  	_ =	shalt  }
0x45: {  	_ =	shalt  }
0x46: {  	_ =	shalt  }
0x47: {  	_ =	shalt  }
0x48: {  	_ =	shalt  }
0x49: {  	_ =	shalt  }
0x4a: {  	_ =	shalt  }
0x4b: {  	_ =	shalt  }
0x4c: {  	_ =	shalt  }
0x4d: {  	_ =	shalt  }
0x4e: {  	_ =	shalt  }
0x4f: {  	_ =	shalt  }
0x50: {  	_ =	shalt  }
0x51: {  	_ =	shalt  }
0x52: {  	_ =	shalt  }
0x53: {  	_ =	shalt  }
0x54: {  	_ =	shalt  }
0x55: {  	_ =	shalt  }
0x56: {  	_ =	shalt  }
0x57: {  	_ =	shalt  }
0x58: {  	_ =	shalt  }
0x59: {  	_ =	shalt  }
0x5a: {  	_ =	shalt  }
0x5b: {  	_ =	shalt  }
0x5c: {  	_ =	shalt  }
0x5d: {  	_ =	shalt  }
0x5e: {  	_ =	shalt  }
0x5f: {  	_ =	shalt  }
0x60: {  	_ =	shalt  }
0x61: {  	_ =	shalt  }
0x62: {  	_ =	shalt  }
0x63: {  	_ =	shalt  }
0x64: {  	_ =	shalt  }
0x65: {  	_ =	shalt  }
0x66: {  	_ =	shalt  }
0x67: {  	_ =	shalt  }
0x68: {  	_ =	shalt  }
0x69: {  	_ =	shalt  }
0x6a: {  	_ =	shalt  }
0x6b: {  	_ =	shalt  }
0x6c: {  	_ =	shalt  }
0x6d: {  	_ =	shalt  }
0x6e: {  	_ =	shalt  }
0x6f: {  	_ =	shalt  }
0x70: {  	_ =	shalt  }
0x71: {  	_ =	shalt  }
0x72: {  	_ =	shalt  }
0x73: {  	_ =	shalt  }
0x74: {  	_ =	shalt  }
0x75: {  	_ =	shalt  }
0x76: {  	_ =	shalt  }
0x77: {  	_ =	shalt  }
0x78: {  	_ =	shalt  }
0x79: {  	_ =	shalt  }
0x7a: {  	_ =	shalt  }
0x7b: {  	_ =	shalt  }
0x7c: {  	_ =	shalt  }
0x7d: {  	_ =	shalt  }
0x7e: {  	_ =	shalt  }
0x7f: {  	_ =	shalt  }
0x80: {  	_ =	shalt  }
0x81: {  	_ =	shalt  }
0x82: {  	_ =	shalt  }
0x83: {  	_ =	shalt  }
0x84: {  	_ =	shalt  }
0x85: {  	_ =	shalt  }
0x86: {  	_ =	shalt  }
0x87: {  	_ =	shalt  }
.Lfunc_end0:
.L_simem_size_0:
called_computation_lowered:
.L_overlay_start_0:
0x88: {  	s2 =	sld [smem:$0x3FD9]  }
0x89: {  	s3 =	sld [smem:$0x3FFE];
	_ =	sdelay $0x1  }
0x8a: {  	s1 =	srdreg.scid  }
0x8b: {  	s0 =	sand.u32 $0x1, s1  }
0x8c: {  	s17 =	sshll.u32 s0, $0xA;
	s2 =	sadd.s32 s3, s2  }
0x8d: {  	s2 =	sadd.s32 s2, s17  }
0x8e: {  	[smem:$0x3FA6] =	sst s2  }
0x8f: {  	_ = 	snop  }
0x90: {  	s2 =	sld [smem:$0x3FC9];
	(tm) =	ssettm $0x1  }
0x91: {  	s18 =	sld [smem:$0x3FFB];
	_ =	sdelay $0x3  }
0x92: {  	_ =	strace s18  }
0x93: {  	s3 =	sld [smem:$0x3FFC];
	_ =	sdelay $0x3  }
0x94: {  	_ =	strace s3  }
0x95: {  	s3 =	sld [smem:$0x3FFD];
	_ =	sdelay $0x3  }
0x96: {  	_ =	strace s3  }
0x97: {  	_ =	strace $0x8FFFFFFF  }
0x98: {  	s19 =	sld [smem:$0x3FDB];
	_ =	sdelay $0x1  }
0x99: {  	s4 =	simm.s32 $_scs_section_size  }
0x9a: {  	s5 =	simm.s32 $_size__tile_overlayer_lowered;
	s6 =	simm.s32 $_tile_overlayer_lowered  }
0x9b: {  	s22 =	simm.s32 $0x1BFF;
	s21 =	sshll.u32 s6, $0x1;
	s3 =	sadd.s32 s4, s19  }
0x9c: {  	s7 =	simm.s32 $0x0;
	s20 =	sshll.u32 s5, $0x1;
	s5 =	sadd.s32 s21, s3  }
0x9d: {  	[timem:s7], [sflag:s22] =	dma.local [hbm:s5], s20  }
0x9e: {  	_ =	swait.ge [sflag:s22], s20  }
0x9f: {  	s4 =	ssub.s32 $0x0, s20;
	[sflag:s22] =	ssyncset.done $0x0  }
0xa0: {  	[sflag:s22] =	ssyncadd.s32 s4;
	_ =	sdelay $0x1  }
0xa1: {  	s23 =	simm.s32 $0x1B8B  }
0xa2: {  	_ =	swait.ge [sflag:s23], $0x1  }
0xa3: {  	[sflag:s23] =	ssyncset.done $0x0  }
0xa4: {  	s25 =	simm.s32 $0x1B8E;
	s24 =	sld [smem:$0x3FFE];
	[sflag:s23] =	ssyncadd.s32 $0xFFFFFFFF  }
0xa5: {  	s26 =	simm.s32 $execute0_lowered;
	[smem:$0x3FD2] =	sst s25  }
0xa6: {  	s5 =	sshll.u32 s26, $0x1;
	_ =	strace $0x80000046;
	[dreg:$0x1] =	wrdreg $0xFFFFFFFF  }
0xa7: {  	s28 =	simm.s32 $_size_execute0_lowered;
	s3 =	sadd.s32 s3, s5;
	[dreg:$0x0] =	wrdreg $0x0  }
0xa8: {  	s5 =	sshll.u32 s28, $0x1;
	[dreg:$0x2] =	wrdreg s3  }
0xa9: {  	[dreg:$0x3] =	wrdreg s5  }
0xaa: {  	[dreg:$0x4] =	wrdreg $0xC0  }
0xab: {  	_ =	task [dreg:s7], $0x5FFFF  }
0xac: {  	[dreg:$0x1] =	wrdreg $0xFFFFFFFF  }
0xad: {  	[dreg:$0x0] =	wrdreg $0x60  }
0xae: {  	[dreg:$0x2] =	wrdreg s2  }
0xaf: {  	[dreg:$0x3] =	wrdreg s24  }
0xb0: {  	[dreg:$0x4] =	wrdreg $0x9  }
0xb1: {  	_ =	task.clear_ibuf [dreg:s7], $0x5FFFF;
	_ =	strace $0x90000046  }
0xb2: {  	s29 =	simm.s32 $0x9;
	_ =	strace $0x80000048  }
0xb3: {  	_ =	swait.ge [sflag:s29], $0x1  }
0xb4: {  	[sflag:s29] =	ssyncadd.s32 $0xFFFFFFFF  }
0xb5: {  	_ =	strace $0x90000048  }
0xb6: {  	_ =	sfence  }
0xb7: {  	s30 =	sld [smem:$0x0];
	_ =	sdelay $0x2  }
0xb8: {  	s31 =	sshll.u32 s1, $0xD;
	s1 =	sshrl.u32 s1, $0x2  }
0xb9: {  	s3 =	sand.u32 $0x4000, s31;
	s1 =	sadd.s32 s1, s30  }
0xba: {  	s0 =	sor.u32 s3, s0;
	s1 =	sshll.u32 s1, $0x11  }
0xbb: {  	s0 =	sor.u32 s1, s0  }
0xbc: {  	s0 =	sadd.s32 $0x8F2B, s0  }
0xbd: {  	[sflag:s0] =	ssyncadd.remote.s32 $0x1  }
0xbe: {  	_ =	sfence.sel $0xFFFF  }
0xbf: {  	[dreg:$0x0] =	wrdreg $0xFFFFFFFF;
	(pc) =	sbr.abs _section_cstart, $3  }
0xc0: {  	[dreg:$0x1] =	wrdreg $0xFFFFFFFF  }
0xc1: {  	_ =	task.clear_ibuf [dreg:s7], $0x2FFFF;
	_ =	strace $0x9FFFFFFF  }
0xc2: {  	(tm) =	ssettm $0x7FFFFFFF  }
0xc3: {  	_ =	shalt  }
tec
execute0_lowered:
.L_overlay_start_1:
0x0: {  	(tag) =	ssettag $0x1  }
0x1: {  	s1 =	srdreg.scid;
	s0 =	stileid.u32  }
0x2: {  	s11 =	sand.u32 $0x1, s1;
	s31 =	sshll.u32 s0, $0x1  }
0x3: {  	s2 =	rddreg [dreg:$0x0];
	s12 =	sor.u32 s11, s31  }
0x4: {  	s10 =	rddreg [dreg:$0x1];
	s3 =	simm.s32 $0x0;
	s4 =	sshll.u32 s12, $0x5  }
0x5: {  	s5 =	simm.s32 $0x3;
	[smem:$0x7FF] =	sst s3;
	s4 =	sadd.s32 s4, s10  }
0x6: {  	s1 =	rddreg [dreg:$0x2];
	_ =	strace $0x80000047;
	s4 =	sadd.s32 $0x7400, s4  }
0x7: {  	[tilespmem:s3], [sflag:$0x3] =	stream.linear.gather [hbm4b:s4+s3], $0x100, $0x38;
	[tilespmem:$0x8100] =	vst v63  }
0x8: {  	_ =	swait.ge [sflag:s5], $0x100  }
0x9: {  	[sflag:s5] =	ssyncset.done $0x0  }
0xa: {  	s6 =	simm.s32 $0x80;
	s7 =	simm.s32 $0x100;
	[sflag:s5] =	ssyncadd.s32 $0xFFFFFF00  }
0xb: {  	[tilespmem:s7], [sflag:$0x1] =	stream.indirect.gather [hbm4b:s2+s6], $0x80, s3, s6, $0xb8;
	[tilespmem:$0x8100] =	vst v63  }
0xc: {  	s8 =	simm.s32 $0x4100;
	s9 =	simm.s32 $0x1  }
0xd: {  	[tilespmem:s8], [sflag:$0x1] =	stream.indirect.gather [hbm4b:s2+s6], $0x80, s6, s6, $0xb8;
	[tilespmem:$0x8100] =	vst v63  }
0xe: {  	_ =	swait.ge [sflag:s9], $0x4000  }
0xf: {  	[sflag:s9] =	ssyncset.done $0x0  }
0x10: {  	s13 =	ssub.s32 $0x2, s11;
	[sflag:s9] =	ssyncadd.s32 $0xFFFFC000  }
0x11: {  	s12 =	sshll.u32 s12, $0xC;
	s14 =	sshrl.u32 s13, $0x1;
	_ =	swait.ge [sflag:s9], $0x4000  }
0x12: {  	s12 =	sadd.s32 s12, s10;
	s13 =	ssub.s32 s13, s14;
	[sflag:s9] =	ssyncset.done $0x0  }
0x13: {  	s10 =	sadd.s32 $0x7C00, s12;
	s13 =	smax.u32 s13, $0x1;
	[sflag:s9] =	ssyncadd.s32 $0xFFFFC000  }
0x14: {  	[hbm4b:s10+s3] =	stream.linear.scatter [tilespmem:s7], [sflag:$0x2], $0x4000, $0x38;
	[tilespmem:$0x8100] =	vst v63  }
0x15: {  	s11 =	simm.s32 $0x2;
	s12 =	sadd.s32 $0x8400, s12;
	p0 =	sne.s32 s13, $0x1  }
0x16: {  	[hbm4b:s12+s3] =	stream.linear.scatter [tilespmem:s8], [sflag:$0x2], $0x4000, $0x38;
	[tilespmem:$0x8100] =	vst v63  }
.Ltmp0:
0x17: {  	_ =	swait.ge [sflag:s11], $0x4000;
	(pc) =	sbr.rel @!p0 .LBB2_2-.Ltmp0, $4  }
0x18: {  	[sflag:s11] =	ssyncset.done $0x0  }
0x19: {  	[sflag:s11] =	ssyncadd.s32 $0xFFFFC000  }
0x1a: {  	_ =	swait.ge [sflag:s11], $0x4000  }
0x1b: {  	s13 =	sadd.s32 $0xFFFFFFFF, s13;
	[sflag:s11] =	ssyncset.done $0x0  }
.LBB2_1:
0x1c: {  	p0 =	sne.s32 s13, $0x1;
	s13 =	sadd.s32 $0xFFFFFFFF, s13;
	[sflag:s11] =	ssyncadd.s32 $0xFFFFC000  }
0x1d: {  	[tilespmem:s3], [sflag:$0x3] =	stream.linear.gather [hbm4b:s4+s3], $0x100, $0x38;
	[tilespmem:$0x8100] =	vst v63  }
0x1e: {  	_ =	swait.ge [sflag:s5], $0x100  }
0x1f: {  	[sflag:s5] =	ssyncset.done $0x0  }
0x20: {  	[sflag:s5] =	ssyncadd.s32 $0xFFFFFF00  }
0x21: {  	[tilespmem:s7], [sflag:$0x1] =	stream.indirect.gather [hbm4b:s2+s6], $0x80, s3, s6, $0xb8;
	[tilespmem:$0x8100] =	vst v63  }
0x22: {  	_ = 	snop  }
0x23: {  	[tilespmem:s8], [sflag:$0x1] =	stream.indirect.gather [hbm4b:s2+s6], $0x80, s6, s6, $0xb8;
	[tilespmem:$0x8100] =	vst v63  }
0x24: {  	_ =	swait.ge [sflag:s9], $0x4000  }
0x25: {  	[sflag:s9] =	ssyncset.done $0x0  }
0x26: {  	[sflag:s9] =	ssyncadd.s32 $0xFFFFC000  }
0x27: {  	_ =	swait.ge [sflag:s9], $0x4000  }
0x28: {  	[sflag:s9] =	ssyncset.done $0x0  }
0x29: {  	[sflag:s9] =	ssyncadd.s32 $0xFFFFC000  }
0x2a: {  	[hbm4b:s10+s3] =	stream.linear.scatter [tilespmem:s7], [sflag:$0x2], $0x4000, $0x38;
	[tilespmem:$0x8100] =	vst v63  }
0x2b: {  	_ = 	snop  }
0x2c: {  	[hbm4b:s12+s3] =	stream.linear.scatter [tilespmem:s8], [sflag:$0x2], $0x4000, $0x38;
	[tilespmem:$0x8100] =	vst v63  }
.Ltmp1:
0x2d: {  	_ =	swait.ge [sflag:s11], $0x4000;
	(pc) =	sbr.rel @p0 .LBB2_1-.Ltmp1, $4  }
0x2e: {  	[sflag:s11] =	ssyncset.done $0x0  }
0x2f: {  	[sflag:s11] =	ssyncadd.s32 $0xFFFFC000  }
0x30: {  	_ =	swait.ge [sflag:s11], $0x4000  }
0x31: {  	[sflag:s11] =	ssyncset.done $0x0  }
.LBB2_2:
0x32: {  	[sflag:s11] =	ssyncadd.s32 $0xFFFFC000  }
0x33: {  	_ =	sfence.sel $0x180000  }
0x34: {  	[bflag:$0x0] =	sbarrier.arrive $0xFFFF  }
0x35: {  	p0 =	sne.s32 s0, $0x0;
	_ =	strace $0x90000047  }
0x36: {  	s0 =	sadd.s32 @!p0 $0x100000, s1;
	[bflag:$0x2] =	sbarrier.arrive $0xFFFF  }
0x37: {  	[sflag:s0] =	ssyncadd.tile.s32 @!p0 $0x1;
	_ =	shalt  }
.Lfunc_end2:
_tile_overlayer_lowered:
.L_overlay_start_2:
0x38: {  	(tag) =	ssettag $0x2  }
0x39: {  	s0 =	rddreg [dreg:$0x0];
	s2 =	stileid.u32  }
0x3a: {  	s1 =	rddreg [dreg:$0x1];
	p0 =	sne.s32 s2, $0x0  }
0x3b: {  	s3 =	rddreg [dreg:$0x2];
	[bflag:$0x3] =	sbarrier.arrive $0xFFFF;
	s2 =	simm.s32 @!p0 $0x1C03  }
0x3c: {  	[timem:s3], [sflag:s2] =	dma.local @!p0 [hbm:s0], s1  }
0x3d: {  	s0 =	simm.s32 @!p0 $0x3  }
0x3e: {  	_ =	swait.ge @!p0 [sflag:s0], s1  }
0x3f: {  	s1 =	ssub.s32 @!p0 $0x0, s1;
	[sflag:s0] =	ssyncset.done @!p0 $0x0  }
0x40: {  	[sflag:s0] =	ssyncadd.s32 @!p0 s1  }
0x41: {  	[bflag:$0x3] =	sbarrier.arrive $0xFFFF  }
0x42: {  	_ =	shalt  }

// kernel: kernel.18.cloned.1.call-start
scs
__scs_entry_jumppad:
0x0: {  	(pc) =	sbr.rel $0x88, $3  }
0x1: {  	(tag) =	ssettag $0x0;
	lr =	simm.s32 $0x1  }
0x2: {  	[smem:$0x3F7F] =	sst lr;
	_ =	strace $0xD0000000  }
0x3: {  	_ = 	snop  }
0x4: {  	_ = 	snop  }
0x5: {  	_ = 	snop  }
0x6: {  	_ = 	snop  }
0x7: {  	_ = 	snop  }
__scs_overlays_trampoline_lowered:
0x8: {  	[smem:$0x3F8E] =	sst s0  }
0x9: {  	[smem:$0x3F8F] =	sst s1  }
0xa: {  	[smem:$0x3F90] =	sst s2  }
0xb: {  	[smem:$0x3F91] =	sst s3  }
0xc: {  	[smem:$0x3F92] =	sst s4  }
0xd: {  	[smem:$0x3F93] =	sst s5  }
0xe: {  	[smem:$0x3F94] =	sst s6  }
0xf: {  	[smem:$0x3F95] =	sst s7  }
0x10: {  	[smem:$0x3F96] =	sst s8  }
0x11: {  	[smem:$0x3F97] =	sst s9;
	s0 =	simm.s32 @!p0 $0x0  }
0x12: {  	s1 =	sld [smem:$0x3F7D];
	s0 =	simm.s32 @p0 $0x1  }
0x13: {  	[smem:$0x3F98] =	sst s0;
	s0 =	simm.s32 @!p1 $0x0  }
0x14: {  	s2 =	sld [smem:$0x3F7C];
	s0 =	simm.s32 @p1 $0x1  }
0x15: {  	[smem:$0x3F99] =	sst s0;
	s0 =	simm.s32 @!p2 $0x0  }
0x16: {  	s3 =	sld [smem:$0x3FDB];
	s0 =	simm.s32 @p2 $0x1  }
0x17: {  	s4 =	simm.s32 $0x1BF5;
	[smem:$0x3F9B] =	sst s0  }
0x18: {  	s0 =	sld [smem:$0x3F7E];
	_ =	swait.ge [sflag:s4], $0x0  }
0x19: {  	s7 =	sld [smem:$0x3F7F]  }
0x1a: {  	s8 =	sadd.s32 $0xFFFFE003, lr  }
0x1b: {  	s9 =	sadd.s32 $0xFFFFFEF7, lr;
	s5 =	simm.s32 $0xFFFFFFFF;
	p2 =	slt.u32 s8, $0xFFFFF086  }
0x1c: {  	p1 =	slt.u32 s9, $0xF7A;
	s5 =	simm.s32 @!p2 $0x0  }
0x1d: {  	s5 =	simm.s32 @p1 $0x1;
	p0 =	seq.s32 s7, s2  }
0x1e: {  	s7 =	smul.u32 @!p0 $0xF7A, s2;
	p2 =	seq.s32 @!p0 s5, $0x0  }
0x1f: {  	s9 =	smul.u32 $0xF7A, s1;
	s8 =	simm.s32 @!p0 $0x1BF5;
	p2 =	por !p2, p0  }
0x20: {  	[sflag:s8] =	ssyncset.s32 @!p0 $0xFFFFF086;
	s6 =	sadd.s32 @!p0 s3, s7;
	s7 =	simm.s32 @!p0 $0x108  }
0x21: {  	s3 =	sadd.s32 s3, s9;
	s6 =	sadd.s32 @!p0 $0x88, s6;
	s7 =	simm.s32 @p2 $0x1082  }
0x22: {  	[simem:s7], [sflag:s8] =	dma.local @!p0 [hbm:s6], $0xF7A  }
0x23: {  	s9 =	sor.u32 $0xD0000000, s2;
	s6 =	simm.s32 $0x108;
	_ =	swait.ge @!p0 [sflag:s8], $0x0  }
0x24: {  	s3 =	sadd.s32 $0x88, s3;
	s6 =	simm.s32 @!p1 $0x1082;
	[sflag:s4] =	ssyncset.s32 $0xFFFFF086  }
0x25: {  	[simem:s6], [sflag:s4] =	dma.local [hbm:s3], $0xF7A  }
0x26: {  	[smem:$0x3F7F] =	sst s1;
	(tag) =	ssettag s2;
	_ =	strace s9  }
0x27: {  	s1 =	sld [smem:$0x3F8F]  }
0x28: {  	s2 =	sld [smem:$0x3F90]  }
0x29: {  	s4 =	sld [smem:$0x3F92]  }
0x2a: {  	p0 =	seq.s32 s5, $0x0;
	s5 =	sld [smem:$0x3F93]  }
0x2b: {  	s6 =	sld [smem:$0x3F94]  }
0x2c: {  	s7 =	sld [smem:$0x3F95]  }
0x2d: {  	s3 =	simm.s32 $0x108;
	s8 =	sld [smem:$0x3F96]  }
0x2e: {  	s3 =	simm.s32 @!p0 $0x1082;
	s9 =	sld [smem:$0x3F97]  }
0x2f: {  	lr =	sadd.s32 s0, s3;
	s0 =	sld [smem:$0x3F8E]  }
0x30: {  	s3 =	sld [smem:$0x3F91]  }
0x31: {  	[smem:$0x3F9A] =	sst s10  }
0x32: {  	s10 =	sld [smem:$0x3F98];
	_ =	sdelay $0x3  }
0x33: {  	p0 =	seq.s32 s10, $0x1;
	s10 =	sld [smem:$0x3F9A];
	_ =	sdelay $0x3  }
0x34: {  	[smem:$0x3F9A] =	sst s10  }
0x35: {  	s10 =	sld [smem:$0x3F99];
	_ =	sdelay $0x3  }
0x36: {  	p1 =	seq.s32 s10, $0x1;
	s10 =	sld [smem:$0x3F9A];
	_ =	sdelay $0x3  }
0x37: {  	[smem:$0x3F9A] =	sst s10  }
0x38: {  	s10 =	sld [smem:$0x3F9B]  }
0x39: {  	_ = 	snop;
	(pc) =	sbr.ind lr, $3  }
0x3a: {  	_ = 	snop  }
0x3b: {  	_ = 	snop  }
0x3c: {  	p2 =	seq.s32 s10, $0x1;
	s10 =	sld [smem:$0x3F9A]  }
0x3d: {  	_ =	shalt  }
0x3e: {  	_ =	shalt  }
0x3f: {  	_ =	shalt  }
0x40: {  	_ =	shalt  }
0x41: {  	_ =	shalt  }
0x42: {  	_ =	shalt  }
0x43: {  	_ =	shalt  }
0x44: {  	_ =	shalt  }
0x45: {  	_ =	shalt  }
0x46: {  	_ =	shalt  }
0x47: {  	_ =	shalt  }
0x48: {  	_ =	shalt  }
0x49: {  	_ =	shalt  }
0x4a: {  	_ =	shalt  }
0x4b: {  	_ =	shalt  }
0x4c: {  	_ =	shalt  }
0x4d: {  	_ =	shalt  }
0x4e: {  	_ =	shalt  }
0x4f: {  	_ =	shalt  }
0x50: {  	_ =	shalt  }
0x51: {  	_ =	shalt  }
0x52: {  	_ =	shalt  }
0x53: {  	_ =	shalt  }
0x54: {  	_ =	shalt  }
0x55: {  	_ =	shalt  }
0x56: {  	_ =	shalt  }
0x57: {  	_ =	shalt  }
0x58: {  	_ =	shalt  }
0x59: {  	_ =	shalt  }
0x5a: {  	_ =	shalt  }
0x5b: {  	_ =	shalt  }
0x5c: {  	_ =	shalt  }
0x5d: {  	_ =	shalt  }
0x5e: {  	_ =	shalt  }
0x5f: {  	_ =	shalt  }
0x60: {  	_ =	shalt  }
0x61: {  	_ =	shalt  }
0x62: {  	_ =	shalt  }
0x63: {  	_ =	shalt  }
0x64: {  	_ =	shalt  }
0x65: {  	_ =	shalt  }
0x66: {  	_ =	shalt  }
0x67: {  	_ =	shalt  }
0x68: {  	_ =	shalt  }
0x69: {  	_ =	shalt  }
0x6a: {  	_ =	shalt  }
0x6b: {  	_ =	shalt  }
0x6c: {  	_ =	shalt  }
0x6d: {  	_ =	shalt  }
0x6e: {  	_ =	shalt  }
0x6f: {  	_ =	shalt  }
0x70: {  	_ =	shalt  }
0x71: {  	_ =	shalt  }
0x72: {  	_ =	shalt  }
0x73: {  	_ =	shalt  }
0x74: {  	_ =	shalt  }
0x75: {  	_ =	shalt  }
0x76: {  	_ =	shalt  }
0x77: {  	_ =	shalt  }
0x78: {  	_ =	shalt  }
0x79: {  	_ =	shalt  }
0x7a: {  	_ =	shalt  }
0x7b: {  	_ =	shalt  }
0x7c: {  	_ =	shalt  }
0x7d: {  	_ =	shalt  }
0x7e: {  	_ =	shalt  }
0x7f: {  	_ =	shalt  }
0x80: {  	_ =	shalt  }
0x81: {  	_ =	shalt  }
0x82: {  	_ =	shalt  }
0x83: {  	_ =	shalt  }
0x84: {  	_ =	shalt  }
0x85: {  	_ =	shalt  }
0x86: {  	_ =	shalt  }
0x87: {  	_ =	shalt  }
.Lfunc_end0:
.L_simem_size_0:
called_computation.1_lowered:
.L_overlay_start_0:
0x88: {  	s2 =	sld [smem:$0x3FD9]  }
0x89: {  	s3 =	sld [smem:$0x3FFE];
	_ =	sdelay $0x1  }
0x8a: {  	s1 =	srdreg.scid  }
0x8b: {  	s0 =	sand.u32 $0x1, s1  }
0x8c: {  	s16 =	sshll.u32 s0, $0xA;
	s2 =	sadd.s32 s3, s2  }
0x8d: {  	s2 =	sadd.s32 s2, s16  }
0x8e: {  	[smem:$0x3FA6] =	sst s2  }
0x8f: {  	_ = 	snop  }
0x90: {  	(tm) =	ssettm $0x1  }
0x91: {  	s17 =	sld [smem:$0x3FFB];
	_ =	sdelay $0x3  }
0x92: {  	_ =	strace s17  }
0x93: {  	s2 =	sld [smem:$0x3FFC];
	_ =	sdelay $0x3  }
0x94: {  	_ =	strace s2  }
0x95: {  	s2 =	sld [smem:$0x3FFD];
	_ =	sdelay $0x3  }
0x96: {  	_ =	strace s2  }
0x97: {  	_ =	strace $0x8FFFFFFF  }
0x98: {  	s18 =	sld [smem:$0x3FDB];
	_ =	sdelay $0x1  }
0x99: {  	s19 =	simm.s32 $_scs_section_size  }
0x9a: {  	s4 =	simm.s32 $_size__tile_overlayer_lowered;
	s5 =	simm.s32 $_tile_overlayer_lowered  }
0x9b: {  	s22 =	simm.s32 $0x1BFF;
	s21 =	sshll.u32 s5, $0x1;
	s2 =	sadd.s32 s19, s18  }
0x9c: {  	s6 =	simm.s32 $0x0;
	s20 =	sshll.u32 s4, $0x1;
	s4 =	sadd.s32 s21, s2  }
0x9d: {  	[timem:s6], [sflag:s22] =	dma.local [hbm:s4], s20  }
0x9e: {  	_ =	swait.ge [sflag:s22], s20  }
0x9f: {  	s3 =	ssub.s32 $0x0, s20;
	[sflag:s22] =	ssyncset.done $0x0  }
0xa0: {  	[sflag:s22] =	ssyncadd.s32 s3;
	_ =	sdelay $0x1  }
0xa1: {  	s23 =	simm.s32 $0x1B8B  }
0xa2: {  	_ =	swait.ge [sflag:s23], $0x1  }
0xa3: {  	[sflag:s23] =	ssyncset.done $0x0  }
0xa4: {  	s25 =	simm.s32 $0x1B8E;
	s24 =	sld [smem:$0x3FFE];
	[sflag:s23] =	ssyncadd.s32 $0xFFFFFFFF  }
0xa5: {  	s26 =	simm.s32 $execute0_lowered;
	[smem:$0x3FD2] =	sst s25  }
0xa6: {  	s4 =	sshll.u32 s26, $0x1;
	_ =	strace $0x80000049;
	[dreg:$0x1] =	wrdreg $0xFFFFFFFF  }
0xa7: {  	s28 =	simm.s32 $_size_execute0_lowered;
	s2 =	sadd.s32 s2, s4;
	[dreg:$0x0] =	wrdreg $0x0  }
0xa8: {  	s4 =	sshll.u32 s28, $0x1;
	[dreg:$0x2] =	wrdreg s2  }
0xa9: {  	[dreg:$0x3] =	wrdreg s4  }
0xaa: {  	[dreg:$0x4] =	wrdreg $0xC0  }
0xab: {  	_ =	task [dreg:s6], $0x5FFFF  }
0xac: {  	[dreg:$0x1] =	wrdreg $0xFFFFFFFF  }
0xad: {  	[dreg:$0x0] =	wrdreg $0x60  }
0xae: {  	[dreg:$0x2] =	wrdreg s24  }
0xaf: {  	[dreg:$0x3] =	wrdreg $0x81000  }
0xb0: {  	[dreg:$0x4] =	wrdreg $0x9  }
0xb1: {  	_ =	task.clear_ibuf [dreg:s6], $0x5FFFF;
	_ =	strace $0x90000049  }
0xb2: {  	s29 =	simm.s32 $0x9;
	_ =	strace $0x8000004B  }
0xb3: {  	_ =	swait.ge [sflag:s29], $0x1  }
0xb4: {  	[sflag:s29] =	ssyncadd.s32 $0xFFFFFFFF  }
0xb5: {  	_ =	strace $0x9000004B  }
0xb6: {  	_ =	sfence  }
0xb7: {  	s30 =	sld [smem:$0x0];
	_ =	sdelay $0x2  }
0xb8: {  	s31 =	sshll.u32 s1, $0xD;
	s1 =	sshrl.u32 s1, $0x2  }
0xb9: {  	s3 =	sand.u32 $0x4000, s31;
	s1 =	sadd.s32 s1, s30  }
0xba: {  	s0 =	sor.u32 s3, s0;
	s1 =	sshll.u32 s1, $0x11  }
0xbb: {  	s0 =	sor.u32 s1, s0  }
0xbc: {  	s0 =	sadd.s32 $0x8F2B, s0  }
0xbd: {  	[sflag:s0] =	ssyncadd.remote.s32 $0x1  }
0xbe: {  	_ =	sfence.sel $0xFFFF  }
0xbf: {  	[dreg:$0x0] =	wrdreg $0xFFFFFFFF;
	(pc) =	sbr.abs _section_cstart, $3  }
0xc0: {  	[dreg:$0x1] =	wrdreg $0xFFFFFFFF  }
0xc1: {  	_ =	task.clear_ibuf [dreg:s6], $0x2FFFF;
	_ =	strace $0x9FFFFFFF  }
0xc2: {  	(tm) =	ssettm $0x7FFFFFFF  }
0xc3: {  	_ =	shalt  }
tec
execute0_lowered:
.L_overlay_start_1:
0x0: {  	(tag) =	ssettag $0x1  }
0x1: {  	s9 =	rddreg [dreg:$0x0];
	s1 =	srdreg.scid  }
0x2: {  	s0 =	stileid.u32;
	s2 =	rddreg [dreg:$0x1];
	s3 =	simm.s32 $0x0  }
0x3: {  	s14 =	sand.u32 $0x1, s1;
	s4 =	sshll.u32 s0, $0x1;
	s1 =	rddreg [dreg:$0x2]  }
0x4: {  	[smem:$0x7FF] =	sst s3;
	s29 =	sshll.u32 s0, $0xB;
	s30 =	sshll.u32 s0, $0xE  }
0x5: {  	s16 =	sshll.u32 s0, $0x6;
	s10 =	sor.u32 s14, s4;
	_ =	strace $0x8000004A  }
0x6: {  	s15 =	sadd.s32 s29, s9;
	s7 =	sadd.s32 s30, s2;
	s4 =	sshll.u32 s10, $0x5  }
0x7: {  	s5 =	sor.u32 $0x1C01, s16;
	s8 =	sshrl.u32 s7, $0x3;
	s6 =	sadd.s32 s4, s9  }
0x8: {  	s7 =	simm.s32 $0x2;
	s4 =	sadd.s32 $0x27C00, s15;
	s6 =	sadd.s32 $0x7800, s6  }
0x9: {  	[spmem:s8], [sflag:s5] =	dma.local [hbm:s4], $0x800  }
0xa: {  	[tilespmem:s3], [sflag:$0x2] =	stream.linear.gather [hbm4b:s6+s3], $0x100, $0x38;
	[tilespmem:$0xC100] =	vst v63  }
0xb: {  	s10 =	sshll.u32 s10, $0xC;
	_ =	swait.ge [sflag:s7], $0x100  }
0xc: {  	s9 =	sadd.s32 s10, s9;
	[sflag:s7] =	ssyncset.done $0x0  }
0xd: {  	s10 =	simm.s32 $0x100;
	s9 =	sadd.s32 $0x7C00, s9;
	[sflag:s7] =	ssyncadd.s32 $0xFFFFFF00  }
0xe: {  	[tilespmem:s10], [sflag:$0x2] =	stream.linear.gather [hbm4b:s9+s3], $0x8000, $0x38;
	[tilespmem:$0xC100] =	vst v63  }
0xf: {  	_ =	swait.ge [sflag:s7], $0x8000  }
0x10: {  	[sflag:s7] =	ssyncset.done $0x0  }
0x11: {  	s11 =	simm.s32 $0x1;
	[sflag:s7] =	ssyncadd.s32 $0xFFFF8000  }
0x12: {  	_ =	swait.ge [sflag:s11], $0x800  }
0x13: {  	[sflag:s11] =	ssyncset.done $0x0  }
0x14: {  	[sflag:s11] =	ssyncadd.s32 $0xFFFFF800  }
0x15: {  	s12 =	simm.s32 $0x80;
	[bflag:$0x0] =	sbarrier.arrive $0xFFFF  }
0x16: {  	[spmem:s2] =	stream.indirect.scatter.add.f32 [tilespmem:s10], [sflag:$0x2], $0x80, s3, s12, $0xb8;
	[tilespmem:$0xC100] =	vst v63  }
0x17: {  	s13 =	simm.s32 $0x4100;
	s17 =	ssub.s32 $0x2, s14;
	_ =	swait.ge [sflag:s7], $0x4000  }
0x18: {  	s14 =	sshll.u32 s14, $0xF;
	s31 =	sshrl.u32 s17, $0x1;
	[sflag:s7] =	ssyncset.done $0x0  }
0x19: {  	s14 =	sadd.s32 s14, s15;
	s15 =	ssub.s32 s17, s31;
	[sflag:s7] =	ssyncadd.s32 $0xFFFFC000  }
0x1a: {  	[spmem:s2] =	stream.indirect.scatter.add.f32 [tilespmem:s13], [sflag:$0x2], $0x80, s12, s12, $0xb8;
	[tilespmem:$0xC100] =	vst v63  }
0x1b: {  	s17 =	smax.u32 s15, $0x1;
	_ =	swait.ge [sflag:s7], $0x4000  }
0x1c: {  	p0 =	sne.s32 s17, $0x1;
	[sflag:s7] =	ssyncset.done $0x0  }
.Ltmp0:
0x1d: {  	[sflag:s7] =	ssyncadd.s32 $0xFFFFC000;
	(pc) =	sbr.rel @!p0 .LBB2_2-.Ltmp0, $4  }
0x1e: {  	s14 =	sadd.s32 $0x2FC00, s14;
	s15 =	sor.u32 $0x1C02, s16;
	[bflag:$0x0] =	sbarrier.arrive $0xFFFF  }
0x1f: {  	[hbm:s14], [sflag:s15] =	dma.local [spmem:s8], $0x800  }
0x20: {  	_ =	swait.ge [sflag:s7], $0x800  }
0x21: {  	s16 =	sadd.s32 $0xFFFFFFFF, s17;
	[sflag:s7] =	ssyncset.done $0x0  }
.LBB2_1:
0x22: {  	p0 =	sne.s32 s16, $0x1;
	s16 =	sadd.s32 $0xFFFFFFFF, s16;
	[sflag:s7] =	ssyncadd.s32 $0xFFFFF800  }
0x23: {  	[spmem:s8], [sflag:s5] =	dma.local [hbm:s4], $0x800  }
0x24: {  	[tilespmem:s3], [sflag:$0x2] =	stream.linear.gather [hbm4b:s6+s3], $0x100, $0x38;
	[tilespmem:$0xC100] =	vst v63  }
0x25: {  	_ =	swait.ge [sflag:s7], $0x100  }
0x26: {  	[sflag:s7] =	ssyncset.done $0x0  }
0x27: {  	[sflag:s7] =	ssyncadd.s32 $0xFFFFFF00  }
0x28: {  	[tilespmem:s10], [sflag:$0x2] =	stream.linear.gather [hbm4b:s9+s3], $0x8000, $0x38;
	[tilespmem:$0xC100] =	vst v63  }
0x29: {  	_ =	swait.ge [sflag:s7], $0x8000  }
0x2a: {  	[sflag:s7] =	ssyncset.done $0x0  }
0x2b: {  	[sflag:s7] =	ssyncadd.s32 $0xFFFF8000  }
0x2c: {  	_ =	swait.ge [sflag:s11], $0x800  }
0x2d: {  	[sflag:s11] =	ssyncset.done $0x0  }
0x2e: {  	[sflag:s11] =	ssyncadd.s32 $0xFFFFF800  }
0x2f: {  	[bflag:$0x0] =	sbarrier.arrive $0xFFFF  }
0x30: {  	[spmem:s2] =	stream.indirect.scatter.add.f32 [tilespmem:s10], [sflag:$0x2], $0x80, s3, s12, $0xb8;
	[tilespmem:$0xC100] =	vst v63  }
0x31: {  	_ =	swait.ge [sflag:s7], $0x4000  }
0x32: {  	[sflag:s7] =	ssyncset.done $0x0  }
0x33: {  	[sflag:s7] =	ssyncadd.s32 $0xFFFFC000  }
0x34: {  	[spmem:s2] =	stream.indirect.scatter.add.f32 [tilespmem:s13], [sflag:$0x2], $0x80, s12, s12, $0xb8;
	[tilespmem:$0xC100] =	vst v63  }
0x35: {  	_ =	swait.ge [sflag:s7], $0x4000  }
0x36: {  	[sflag:s7] =	ssyncset.done $0x0  }
.Ltmp1:
0x37: {  	[sflag:s7] =	ssyncadd.s32 $0xFFFFC000;
	(pc) =	sbr.rel @p0 .LBB2_1-.Ltmp1, $4  }
0x38: {  	[bflag:$0x0] =	sbarrier.arrive $0xFFFF  }
0x39: {  	[hbm:s14], [sflag:s15] =	dma.local [spmem:s8], $0x800  }
0x3a: {  	_ =	swait.ge [sflag:s7], $0x800  }
0x3b: {  	[sflag:s7] =	ssyncset.done $0x0  }
.LBB2_2:
0x3c: {  	[sflag:s7] =	ssyncadd.s32 $0xFFFFF800  }
0x3d: {  	_ =	sfence.sel $0x180000  }
0x3e: {  	[bflag:$0x0] =	sbarrier.arrive $0xFFFF  }
0x3f: {  	p0 =	sne.s32 s0, $0x0;
	_ =	strace $0x9000004A  }
0x40: {  	s0 =	sadd.s32 @!p0 $0x100000, s1;
	[bflag:$0x2] =	sbarrier.arrive $0xFFFF  }
0x41: {  	[sflag:s0] =	ssyncadd.tile.s32 @!p0 $0x1;
	_ =	shalt  }
.Lfunc_end2:
_tile_overlayer_lowered:
.L_overlay_start_2:
0x42: {  	(tag) =	ssettag $0x2  }
0x43: {  	s0 =	rddreg [dreg:$0x0];
	s2 =	stileid.u32  }
0x44: {  	s1 =	rddreg [dreg:$0x1];
	p0 =	sne.s32 s2, $0x0  }
0x45: {  	s3 =	rddreg [dreg:$0x2];
	[bflag:$0x3] =	sbarrier.arrive $0xFFFF;
	s2 =	simm.s32 @!p0 $0x1C02  }
0x46: {  	[timem:s3], [sflag:s2] =	dma.local @!p0 [hbm:s0], s1  }
0x47: {  	s0 =	simm.s32 @!p0 $0x2  }
0x48: {  	_ =	swait.ge @!p0 [sflag:s0], s1  }
0x49: {  	s1 =	ssub.s32 @!p0 $0x0, s1;
	[sflag:s0] =	ssyncset.done @!p0 $0x0  }
0x4a: {  	[sflag:s0] =	ssyncadd.s32 @!p0 s1  }
0x4b: {  	[bflag:$0x3] =	sbarrier.arrive $0xFFFF  }
0x4c: {  	_ =	shalt  }

// kernel: kernel.21.cloned.1.call-start
scs
__scs_entry_jumppad:
0x0: {  	(pc) =	sbr.rel $0x88, $3  }
0x1: {  	(tag) =	ssettag $0x0;
	lr =	simm.s32 $0x1  }
0x2: {  	[smem:$0x3F7F] =	sst lr;
	_ =	strace $0xD0000000  }
0x3: {  	_ = 	snop  }
0x4: {  	_ = 	snop  }
0x5: {  	_ = 	snop  }
0x6: {  	_ = 	snop  }
0x7: {  	_ = 	snop  }
__scs_overlays_trampoline_lowered:
0x8: {  	[smem:$0x3F8E] =	sst s0  }
0x9: {  	[smem:$0x3F8F] =	sst s1  }
0xa: {  	[smem:$0x3F90] =	sst s2  }
0xb: {  	[smem:$0x3F91] =	sst s3  }
0xc: {  	[smem:$0x3F92] =	sst s4  }
0xd: {  	[smem:$0x3F93] =	sst s5  }
0xe: {  	[smem:$0x3F94] =	sst s6  }
0xf: {  	[smem:$0x3F95] =	sst s7  }
0x10: {  	[smem:$0x3F96] =	sst s8  }
0x11: {  	[smem:$0x3F97] =	sst s9;
	s0 =	simm.s32 @!p0 $0x0  }
0x12: {  	s1 =	sld [smem:$0x3F7D];
	s0 =	simm.s32 @p0 $0x1  }
0x13: {  	[smem:$0x3F98] =	sst s0;
	s0 =	simm.s32 @!p1 $0x0  }
0x14: {  	s2 =	sld [smem:$0x3F7C];
	s0 =	simm.s32 @p1 $0x1  }
0x15: {  	[smem:$0x3F99] =	sst s0;
	s0 =	simm.s32 @!p2 $0x0  }
0x16: {  	s3 =	sld [smem:$0x3FDB];
	s0 =	simm.s32 @p2 $0x1  }
0x17: {  	s4 =	simm.s32 $0x1BF5;
	[smem:$0x3F9B] =	sst s0  }
0x18: {  	s0 =	sld [smem:$0x3F7E];
	_ =	swait.ge [sflag:s4], $0x0  }
0x19: {  	s7 =	sld [smem:$0x3F7F]  }
0x1a: {  	s8 =	sadd.s32 $0xFFFFE003, lr  }
0x1b: {  	s9 =	sadd.s32 $0xFFFFFEF7, lr;
	s5 =	simm.s32 $0xFFFFFFFF;
	p2 =	slt.u32 s8, $0xFFFFF086  }
0x1c: {  	p1 =	slt.u32 s9, $0xF7A;
	s5 =	simm.s32 @!p2 $0x0  }
0x1d: {  	s5 =	simm.s32 @p1 $0x1;
	p0 =	seq.s32 s7, s2  }
0x1e: {  	s7 =	smul.u32 @!p0 $0xF7A, s2;
	p2 =	seq.s32 @!p0 s5, $0x0  }
0x1f: {  	s9 =	smul.u32 $0xF7A, s1;
	s8 =	simm.s32 @!p0 $0x1BF5;
	p2 =	por !p2, p0  }
0x20: {  	[sflag:s8] =	ssyncset.s32 @!p0 $0xFFFFF086;
	s6 =	sadd.s32 @!p0 s3, s7;
	s7 =	simm.s32 @!p0 $0x108  }
0x21: {  	s3 =	sadd.s32 s3, s9;
	s6 =	sadd.s32 @!p0 $0x88, s6;
	s7 =	simm.s32 @p2 $0x1082  }
0x22: {  	[simem:s7], [sflag:s8] =	dma.local @!p0 [hbm:s6], $0xF7A  }
0x23: {  	s9 =	sor.u32 $0xD0000000, s2;
	s6 =	simm.s32 $0x108;
	_ =	swait.ge @!p0 [sflag:s8], $0x0  }
0x24: {  	s3 =	sadd.s32 $0x88, s3;
	s6 =	simm.s32 @!p1 $0x1082;
	[sflag:s4] =	ssyncset.s32 $0xFFFFF086  }
0x25: {  	[simem:s6], [sflag:s4] =	dma.local [hbm:s3], $0xF7A  }
0x26: {  	[smem:$0x3F7F] =	sst s1;
	(tag) =	ssettag s2;
	_ =	strace s9  }
0x27: {  	s1 =	sld [smem:$0x3F8F]  }
0x28: {  	s2 =	sld [smem:$0x3F90]  }
0x29: {  	s4 =	sld [smem:$0x3F92]  }
0x2a: {  	p0 =	seq.s32 s5, $0x0;
	s5 =	sld [smem:$0x3F93]  }
0x2b: {  	s6 =	sld [smem:$0x3F94]  }
0x2c: {  	s7 =	sld [smem:$0x3F95]  }
0x2d: {  	s3 =	simm.s32 $0x108;
	s8 =	sld [smem:$0x3F96]  }
0x2e: {  	s3 =	simm.s32 @!p0 $0x1082;
	s9 =	sld [smem:$0x3F97]  }
0x2f: {  	lr =	sadd.s32 s0, s3;
	s0 =	sld [smem:$0x3F8E]  }
0x30: {  	s3 =	sld [smem:$0x3F91]  }
0x31: {  	[smem:$0x3F9A] =	sst s10  }
0x32: {  	s10 =	sld [smem:$0x3F98];
	_ =	sdelay $0x3  }
0x33: {  	p0 =	seq.s32 s10, $0x1;
	s10 =	sld [smem:$0x3F9A];
	_ =	sdelay $0x3  }
0x34: {  	[smem:$0x3F9A] =	sst s10  }
0x35: {  	s10 =	sld [smem:$0x3F99];
	_ =	sdelay $0x3  }
0x36: {  	p1 =	seq.s32 s10, $0x1;
	s10 =	sld [smem:$0x3F9A];
	_ =	sdelay $0x3  }
0x37: {  	[smem:$0x3F9A] =	sst s10  }
0x38: {  	s10 =	sld [smem:$0x3F9B]  }
0x39: {  	_ = 	snop;
	(pc) =	sbr.ind lr, $3  }
0x3a: {  	_ = 	snop  }
0x3b: {  	_ = 	snop  }
0x3c: {  	p2 =	seq.s32 s10, $0x1;
	s10 =	sld [smem:$0x3F9A]  }
0x3d: {  	_ =	shalt  }
0x3e: {  	_ =	shalt  }
0x3f: {  	_ =	shalt  }
0x40: {  	_ =	shalt  }
0x41: {  	_ =	shalt  }
0x42: {  	_ =	shalt  }
0x43: {  	_ =	shalt  }
0x44: {  	_ =	shalt  }
0x45: {  	_ =	shalt  }
0x46: {  	_ =	shalt  }
0x47: {  	_ =	shalt  }
0x48: {  	_ =	shalt  }
0x49: {  	_ =	shalt  }
0x4a: {  	_ =	shalt  }
0x4b: {  	_ =	shalt  }
0x4c: {  	_ =	shalt  }
0x4d: {  	_ =	shalt  }
0x4e: {  	_ =	shalt  }
0x4f: {  	_ =	shalt  }
0x50: {  	_ =	shalt  }
0x51: {  	_ =	shalt  }
0x52: {  	_ =	shalt  }
0x53: {  	_ =	shalt  }
0x54: {  	_ =	shalt  }
0x55: {  	_ =	shalt  }
0x56: {  	_ =	shalt  }
0x57: {  	_ =	shalt  }
0x58: {  	_ =	shalt  }
0x59: {  	_ =	shalt  }
0x5a: {  	_ =	shalt  }
0x5b: {  	_ =	shalt  }
0x5c: {  	_ =	shalt  }
0x5d: {  	_ =	shalt  }
0x5e: {  	_ =	shalt  }
0x5f: {  	_ =	shalt  }
0x60: {  	_ =	shalt  }
0x61: {  	_ =	shalt  }
0x62: {  	_ =	shalt  }
0x63: {  	_ =	shalt  }
0x64: {  	_ =	shalt  }
0x65: {  	_ =	shalt  }
0x66: {  	_ =	shalt  }
0x67: {  	_ =	shalt  }
0x68: {  	_ =	shalt  }
0x69: {  	_ =	shalt  }
0x6a: {  	_ =	shalt  }
0x6b: {  	_ =	shalt  }
0x6c: {  	_ =	shalt  }
0x6d: {  	_ =	shalt  }
0x6e: {  	_ =	shalt  }
0x6f: {  	_ =	shalt  }
0x70: {  	_ =	shalt  }
0x71: {  	_ =	shalt  }
0x72: {  	_ =	shalt  }
0x73: {  	_ =	shalt  }
0x74: {  	_ =	shalt  }
0x75: {  	_ =	shalt  }
0x76: {  	_ =	shalt  }
0x77: {  	_ =	shalt  }
0x78: {  	_ =	shalt  }
0x79: {  	_ =	shalt  }
0x7a: {  	_ =	shalt  }
0x7b: {  	_ =	shalt  }
0x7c: {  	_ =	shalt  }
0x7d: {  	_ =	shalt  }
0x7e: {  	_ =	shalt  }
0x7f: {  	_ =	shalt  }
0x80: {  	_ =	shalt  }
0x81: {  	_ =	shalt  }
0x82: {  	_ =	shalt  }
0x83: {  	_ =	shalt  }
0x84: {  	_ =	shalt  }
0x85: {  	_ =	shalt  }
0x86: {  	_ =	shalt  }
0x87: {  	_ =	shalt  }
.Lfunc_end0:
.L_simem_size_0:
called_computation.2_lowered:
.L_overlay_start_0:
0x88: {  	s2 =	sld [smem:$0x3FD9]  }
0x89: {  	s3 =	sld [smem:$0x3FFE];
	_ =	sdelay $0x1  }
0x8a: {  	s1 =	srdreg.scid  }
0x8b: {  	s0 =	sand.u32 $0x1, s1  }
0x8c: {  	s16 =	sshll.u32 s0, $0xA;
	s2 =	sadd.s32 s3, s2  }
0x8d: {  	s2 =	sadd.s32 s2, s16  }
0x8e: {  	[smem:$0x3FA6] =	sst s2  }
0x8f: {  	_ = 	snop  }
0x90: {  	(tm) =	ssettm $0x1  }
0x91: {  	s17 =	sld [smem:$0x3FFB];
	_ =	sdelay $0x3  }
0x92: {  	_ =	strace s17  }
0x93: {  	s2 =	sld [smem:$0x3FFC];
	_ =	sdelay $0x3  }
0x94: {  	_ =	strace s2  }
0x95: {  	s2 =	sld [smem:$0x3FFD];
	_ =	sdelay $0x3  }
0x96: {  	_ =	strace s2  }
0x97: {  	_ =	strace $0x8FFFFFFF  }
0x98: {  	s18 =	sld [smem:$0x3FDB];
	_ =	sdelay $0x1  }
0x99: {  	s19 =	simm.s32 $_scs_section_size  }
0x9a: {  	s4 =	simm.s32 $_size__tile_overlayer_lowered;
	s5 =	simm.s32 $_tile_overlayer_lowered  }
0x9b: {  	s22 =	simm.s32 $0x1BFF;
	s21 =	sshll.u32 s5, $0x1;
	s2 =	sadd.s32 s19, s18  }
0x9c: {  	s6 =	simm.s32 $0x0;
	s20 =	sshll.u32 s4, $0x1;
	s4 =	sadd.s32 s21, s2  }
0x9d: {  	[timem:s6], [sflag:s22] =	dma.local [hbm:s4], s20  }
0x9e: {  	_ =	swait.ge [sflag:s22], s20  }
0x9f: {  	s3 =	ssub.s32 $0x0, s20;
	[sflag:s22] =	ssyncset.done $0x0  }
0xa0: {  	[sflag:s22] =	ssyncadd.s32 s3;
	_ =	sdelay $0x1  }
0xa1: {  	s23 =	simm.s32 $0x1B8B  }
0xa2: {  	_ =	swait.ge [sflag:s23], $0x1  }
0xa3: {  	[sflag:s23] =	ssyncset.done $0x0  }
0xa4: {  	s25 =	simm.s32 $0x1B8E;
	s24 =	sld [smem:$0x3FFE];
	[sflag:s23] =	ssyncadd.s32 $0xFFFFFFFF  }
0xa5: {  	s26 =	simm.s32 $execute0_lowered;
	[smem:$0x3FD2] =	sst s25  }
0xa6: {  	s4 =	sshll.u32 s26, $0x1;
	_ =	strace $0x8000004C;
	[dreg:$0x1] =	wrdreg $0xFFFFFFFF  }
0xa7: {  	s28 =	simm.s32 $_size_execute0_lowered;
	s2 =	sadd.s32 s2, s4;
	[dreg:$0x0] =	wrdreg $0x0  }
0xa8: {  	s4 =	sshll.u32 s28, $0x1;
	[dreg:$0x2] =	wrdreg s2  }
0xa9: {  	[dreg:$0x3] =	wrdreg s4  }
0xaa: {  	[dreg:$0x4] =	wrdreg $0xC0  }
0xab: {  	_ =	task [dreg:s6], $0x5FFFF  }
0xac: {  	[dreg:$0x1] =	wrdreg $0xFFFFFFFF  }
0xad: {  	[dreg:$0x0] =	wrdreg $0x60  }
0xae: {  	[dreg:$0x2] =	wrdreg s24  }
0xaf: {  	[dreg:$0x3] =	wrdreg $0x9  }
0xb0: {  	_ =	task.clear_ibuf [dreg:s6], $0x4FFFF;
	_ =	strace $0x9000004C  }
0xb1: {  	s29 =	simm.s32 $0x9;
	_ =	strace $0x8000004E  }
0xb2: {  	_ =	swait.ge [sflag:s29], $0x1  }
0xb3: {  	[sflag:s29] =	ssyncadd.s32 $0xFFFFFFFF  }
0xb4: {  	_ =	strace $0x9000004E  }
0xb5: {  	_ =	sfence  }
0xb6: {  	s30 =	sld [smem:$0x0];
	_ =	sdelay $0x2  }
0xb7: {  	s31 =	sshll.u32 s1, $0xD;
	s1 =	sshrl.u32 s1, $0x2  }
0xb8: {  	s3 =	sand.u32 $0x4000, s31;
	s1 =	sadd.s32 s1, s30  }
0xb9: {  	s0 =	sor.u32 s3, s0;
	s1 =	sshll.u32 s1, $0x11  }
0xba: {  	s0 =	sor.u32 s1, s0  }
0xbb: {  	s0 =	sadd.s32 $0x8F2B, s0  }
0xbc: {  	[sflag:s0] =	ssyncadd.remote.s32 $0x1  }
0xbd: {  	_ =	sfence.sel $0xFFFF  }
0xbe: {  	[dreg:$0x0] =	wrdreg $0xFFFFFFFF;
	(pc) =	sbr.abs _section_cstart, $3  }
0xbf: {  	[dreg:$0x1] =	wrdreg $0xFFFFFFFF  }
0xc0: {  	_ =	task.clear_ibuf [dreg:s6], $0x2FFFF;
	_ =	strace $0x9FFFFFFF  }
0xc1: {  	(tm) =	ssettm $0x7FFFFFFF  }
tec
execute0_lowered:
.L_overlay_start_1:
0x0: {  	(tag) =	ssettag $0x1  }
0x1: {  	s1 =	srdreg.scid;
	s0 =	stileid.u32  }
0x2: {  	s11 =	sand.u32 $0x1, s1;
	s31 =	sshll.u32 s0, $0x1  }
0x3: {  	s12 =	sor.u32 s11, s31  }
0x4: {  	s10 =	rddreg [dreg:$0x0];
	s2 =	simm.s32 $0x0;
	s3 =	sshll.u32 s12, $0x5  }
0x5: {  	s4 =	simm.s32 $0x3;
	[smem:$0x7FF] =	sst s2;
	s3 =	sadd.s32 s3, s10  }
0x6: {  	s1 =	rddreg [dreg:$0x1];
	_ =	strace $0x8000004D;
	s3 =	sadd.s32 $0x7400, s3  }
0x7: {  	[tilespmem:s2], [sflag:$0x3] =	stream.linear.gather [hbm4b:s3+s2], $0x100, $0x38;
	[tilespmem:$0x8100] =	vst v63  }
0x8: {  	_ =	swait.ge [sflag:s4], $0x100  }
0x9: {  	s6 =	simm.s32 $0x80;
	[sflag:s4] =	ssyncset.done $0x0  }
0xa: {  	s7 =	simm.s32 $0x100;
	s5 =	sadd.s32 $0x7C00, s10;
	[sflag:s4] =	ssyncadd.s32 $0xFFFFFF00  }
0xb: {  	[tilespmem:s7], [sflag:$0x1] =	stream.indirect.gather [hbm4b:s5+s6], $0x80, s2, s6, $0xb8;
	[tilespmem:$0x8100] =	vst v63  }
0xc: {  	s8 =	simm.s32 $0x4100;
	s9 =	simm.s32 $0x1  }
0xd: {  	[tilespmem:s8], [sflag:$0x1] =	stream.indirect.gather [hbm4b:s5+s6], $0x80, s6, s6, $0xb8;
	[tilespmem:$0x8100] =	vst v63  }
0xe: {  	_ =	swait.ge [sflag:s9], $0x4000  }
0xf: {  	[sflag:s9] =	ssyncset.done $0x0  }
0x10: {  	s13 =	ssub.s32 $0x2, s11;
	[sflag:s9] =	ssyncadd.s32 $0xFFFFC000  }
0x11: {  	s12 =	sshll.u32 s12, $0xC;
	s14 =	sshrl.u32 s13, $0x1;
	_ =	swait.ge [sflag:s9], $0x4000  }
0x12: {  	s12 =	sadd.s32 s12, s10;
	s13 =	ssub.s32 s13, s14;
	[sflag:s9] =	ssyncset.done $0x0  }
0x13: {  	s10 =	sadd.s32 $0x2FC00, s12;
	s13 =	smax.u32 s13, $0x1;
	[sflag:s9] =	ssyncadd.s32 $0xFFFFC000  }
0x14: {  	[hbm4b:s10+s2] =	stream.linear.scatter [tilespmem:s7], [sflag:$0x2], $0x4000, $0x38;
	[tilespmem:$0x8100] =	vst v63  }
0x15: {  	s11 =	simm.s32 $0x2;
	s12 =	sadd.s32 $0x30400, s12;
	p0 =	sne.s32 s13, $0x1  }
0x16: {  	[hbm4b:s12+s2] =	stream.linear.scatter [tilespmem:s8], [sflag:$0x2], $0x4000, $0x38;
	[tilespmem:$0x8100] =	vst v63  }
.Ltmp0:
0x17: {  	_ =	swait.ge [sflag:s11], $0x4000;
	(pc) =	sbr.rel @!p0 .LBB2_2-.Ltmp0, $4  }
0x18: {  	[sflag:s11] =	ssyncset.done $0x0  }
0x19: {  	[sflag:s11] =	ssyncadd.s32 $0xFFFFC000  }
0x1a: {  	_ =	swait.ge [sflag:s11], $0x4000  }
0x1b: {  	s13 =	sadd.s32 $0xFFFFFFFF, s13;
	[sflag:s11] =	ssyncset.done $0x0  }
.LBB2_1:
0x1c: {  	p0 =	sne.s32 s13, $0x1;
	s13 =	sadd.s32 $0xFFFFFFFF, s13;
	[sflag:s11] =	ssyncadd.s32 $0xFFFFC000  }
0x1d: {  	[tilespmem:s2], [sflag:$0x3] =	stream.linear.gather [hbm4b:s3+s2], $0x100, $0x38;
	[tilespmem:$0x8100] =	vst v63  }
0x1e: {  	_ =	swait.ge [sflag:s4], $0x100  }
0x1f: {  	[sflag:s4] =	ssyncset.done $0x0  }
0x20: {  	[sflag:s4] =	ssyncadd.s32 $0xFFFFFF00  }
0x21: {  	[tilespmem:s7], [sflag:$0x1] =	stream.indirect.gather [hbm4b:s5+s6], $0x80, s2, s6, $0xb8;
	[tilespmem:$0x8100] =	vst v63  }
0x22: {  	_ = 	snop  }
0x23: {  	[tilespmem:s8], [sflag:$0x1] =	stream.indirect.gather [hbm4b:s5+s6], $0x80, s6, s6, $0xb8;
	[tilespmem:$0x8100] =	vst v63  }
0x24: {  	_ =	swait.ge [sflag:s9], $0x4000  }
0x25: {  	[sflag:s9] =	ssyncset.done $0x0  }
0x26: {  	[sflag:s9] =	ssyncadd.s32 $0xFFFFC000  }
0x27: {  	_ =	swait.ge [sflag:s9], $0x4000  }
0x28: {  	[sflag:s9] =	ssyncset.done $0x0  }
0x29: {  	[sflag:s9] =	ssyncadd.s32 $0xFFFFC000  }
0x2a: {  	[hbm4b:s10+s2] =	stream.linear.scatter [tilespmem:s7], [sflag:$0x2], $0x4000, $0x38;
	[tilespmem:$0x8100] =	vst v63  }
0x2b: {  	_ = 	snop  }
0x2c: {  	[hbm4b:s12+s2] =	stream.linear.scatter [tilespmem:s8], [sflag:$0x2], $0x4000, $0x38;
	[tilespmem:$0x8100] =	vst v63  }
.Ltmp1:
0x2d: {  	_ =	swait.ge [sflag:s11], $0x4000;
	(pc) =	sbr.rel @p0 .LBB2_1-.Ltmp1, $4  }
0x2e: {  	[sflag:s11] =	ssyncset.done $0x0  }
0x2f: {  	[sflag:s11] =	ssyncadd.s32 $0xFFFFC000  }
0x30: {  	_ =	swait.ge [sflag:s11], $0x4000  }
0x31: {  	[sflag:s11] =	ssyncset.done $0x0  }
.LBB2_2:
0x32: {  	[sflag:s11] =	ssyncadd.s32 $0xFFFFC000  }
0x33: {  	_ =	sfence.sel $0x180000  }
0x34: {  	[bflag:$0x0] =	sbarrier.arrive $0xFFFF  }
0x35: {  	p0 =	sne.s32 s0, $0x0;
	_ =	strace $0x9000004D  }
0x36: {  	s0 =	sadd.s32 @!p0 $0x100000, s1;
	[bflag:$0x2] =	sbarrier.arrive $0xFFFF  }
0x37: {  	[sflag:s0] =	ssyncadd.tile.s32 @!p0 $0x1;
	_ =	shalt  }
.Lfunc_end2:
_tile_overlayer_lowered:
.L_overlay_start_2:
0x38: {  	(tag) =	ssettag $0x2  }
0x39: {  	s0 =	rddreg [dreg:$0x0];
	s2 =	stileid.u32  }
0x3a: {  	s1 =	rddreg [dreg:$0x1];
	p0 =	sne.s32 s2, $0x0  }
0x3b: {  	s3 =	rddreg [dreg:$0x2];
	[bflag:$0x3] =	sbarrier.arrive $0xFFFF;
	s2 =	simm.s32 @!p0 $0x1C03  }
0x3c: {  	[timem:s3], [sflag:s2] =	dma.local @!p0 [hbm:s0], s1  }
0x3d: {  	s0 =	simm.s32 @!p0 $0x3  }
0x3e: {  	_ =	swait.ge @!p0 [sflag:s0], s1  }
0x3f: {  	s1 =	ssub.s32 @!p0 $0x0, s1;
	[sflag:s0] =	ssyncset.done @!p0 $0x0  }
0x40: {  	[sflag:s0] =	ssyncadd.s32 @!p0 s1  }
0x41: {  	[bflag:$0x3] =	sbarrier.arrive $0xFFFF  }
0x42: {  	_ =	shalt  }

// kernel: kernel.24.cloned.1.call-start
scs
__scs_entry_jumppad:
0x0: {  	(pc) =	sbr.rel $0x88, $3  }
0x1: {  	(tag) =	ssettag $0x0;
	lr =	simm.s32 $0x1  }
0x2: {  	[smem:$0x3F7F] =	sst lr;
	_ =	strace $0xD0000000  }
0x3: {  	_ = 	snop  }
0x4: {  	_ = 	snop  }
0x5: {  	_ = 	snop  }
0x6: {  	_ = 	snop  }
0x7: {  	_ = 	snop  }
__scs_overlays_trampoline_lowered:
0x8: {  	[smem:$0x3F8E] =	sst s0  }
0x9: {  	[smem:$0x3F8F] =	sst s1  }
0xa: {  	[smem:$0x3F90] =	sst s2  }
0xb: {  	[smem:$0x3F91] =	sst s3  }
0xc: {  	[smem:$0x3F92] =	sst s4  }
0xd: {  	[smem:$0x3F93] =	sst s5  }
0xe: {  	[smem:$0x3F94] =	sst s6  }
0xf: {  	[smem:$0x3F95] =	sst s7  }
0x10: {  	[smem:$0x3F96] =	sst s8  }
0x11: {  	[smem:$0x3F97] =	sst s9;
	s0 =	simm.s32 @!p0 $0x0  }
0x12: {  	s1 =	sld [smem:$0x3F7D];
	s0 =	simm.s32 @p0 $0x1  }
0x13: {  	[smem:$0x3F98] =	sst s0;
	s0 =	simm.s32 @!p1 $0x0  }
0x14: {  	s2 =	sld [smem:$0x3F7C];
	s0 =	simm.s32 @p1 $0x1  }
0x15: {  	[smem:$0x3F99] =	sst s0;
	s0 =	simm.s32 @!p2 $0x0  }
0x16: {  	s3 =	sld [smem:$0x3FDB];
	s0 =	simm.s32 @p2 $0x1  }
0x17: {  	s4 =	simm.s32 $0x1BF5;
	[smem:$0x3F9B] =	sst s0  }
0x18: {  	s0 =	sld [smem:$0x3F7E];
	_ =	swait.ge [sflag:s4], $0x0  }
0x19: {  	s7 =	sld [smem:$0x3F7F]  }
0x1a: {  	s8 =	sadd.s32 $0xFFFFE003, lr  }
0x1b: {  	s9 =	sadd.s32 $0xFFFFFEF7, lr;
	s5 =	simm.s32 $0xFFFFFFFF;
	p2 =	slt.u32 s8, $0xFFFFF086  }
0x1c: {  	p1 =	slt.u32 s9, $0xF7A;
	s5 =	simm.s32 @!p2 $0x0  }
0x1d: {  	s5 =	simm.s32 @p1 $0x1;
	p0 =	seq.s32 s7, s2  }
0x1e: {  	s7 =	smul.u32 @!p0 $0xF7A, s2;
	p2 =	seq.s32 @!p0 s5, $0x0  }
0x1f: {  	s9 =	smul.u32 $0xF7A, s1;
	s8 =	simm.s32 @!p0 $0x1BF5;
	p2 =	por !p2, p0  }
0x20: {  	[sflag:s8] =	ssyncset.s32 @!p0 $0xFFFFF086;
	s6 =	sadd.s32 @!p0 s3, s7;
	s7 =	simm.s32 @!p0 $0x108  }
0x21: {  	s3 =	sadd.s32 s3, s9;
	s6 =	sadd.s32 @!p0 $0x88, s6;
	s7 =	simm.s32 @p2 $0x1082  }
0x22: {  	[simem:s7], [sflag:s8] =	dma.local @!p0 [hbm:s6], $0xF7A  }
0x23: {  	s9 =	sor.u32 $0xD0000000, s2;
	s6 =	simm.s32 $0x108;
	_ =	swait.ge @!p0 [sflag:s8], $0x0  }
0x24: {  	s3 =	sadd.s32 $0x88, s3;
	s6 =	simm.s32 @!p1 $0x1082;
	[sflag:s4] =	ssyncset.s32 $0xFFFFF086  }
0x25: {  	[simem:s6], [sflag:s4] =	dma.local [hbm:s3], $0xF7A  }
0x26: {  	[smem:$0x3F7F] =	sst s1;
	(tag) =	ssettag s2;
	_ =	strace s9  }
0x27: {  	s1 =	sld [smem:$0x3F8F]  }
0x28: {  	s2 =	sld [smem:$0x3F90]  }
0x29: {  	s4 =	sld [smem:$0x3F92]  }
0x2a: {  	p0 =	seq.s32 s5, $0x0;
	s5 =	sld [smem:$0x3F93]  }
0x2b: {  	s6 =	sld [smem:$0x3F94]  }
0x2c: {  	s7 =	sld [smem:$0x3F95]  }
0x2d: {  	s3 =	simm.s32 $0x108;
	s8 =	sld [smem:$0x3F96]  }
0x2e: {  	s3 =	simm.s32 @!p0 $0x1082;
	s9 =	sld [smem:$0x3F97]  }
0x2f: {  	lr =	sadd.s32 s0, s3;
	s0 =	sld [smem:$0x3F8E]  }
0x30: {  	s3 =	sld [smem:$0x3F91]  }
0x31: {  	[smem:$0x3F9A] =	sst s10  }
0x32: {  	s10 =	sld [smem:$0x3F98];
	_ =	sdelay $0x3  }
0x33: {  	p0 =	seq.s32 s10, $0x1;
	s10 =	sld [smem:$0x3F9A];
	_ =	sdelay $0x3  }
0x34: {  	[smem:$0x3F9A] =	sst s10  }
0x35: {  	s10 =	sld [smem:$0x3F99];
	_ =	sdelay $0x3  }
0x36: {  	p1 =	seq.s32 s10, $0x1;
	s10 =	sld [smem:$0x3F9A];
	_ =	sdelay $0x3  }
0x37: {  	[smem:$0x3F9A] =	sst s10  }
0x38: {  	s10 =	sld [smem:$0x3F9B]  }
0x39: {  	_ = 	snop;
	(pc) =	sbr.ind lr, $3  }
0x3a: {  	_ = 	snop  }
0x3b: {  	_ = 	snop  }
0x3c: {  	p2 =	seq.s32 s10, $0x1;
	s10 =	sld [smem:$0x3F9A]  }
0x3d: {  	_ =	shalt  }
0x3e: {  	_ =	shalt  }
0x3f: {  	_ =	shalt  }
0x40: {  	_ =	shalt  }
0x41: {  	_ =	shalt  }
0x42: {  	_ =	shalt  }
0x43: {  	_ =	shalt  }
0x44: {  	_ =	shalt  }
0x45: {  	_ =	shalt  }
0x46: {  	_ =	shalt  }
0x47: {  	_ =	shalt  }
0x48: {  	_ =	shalt  }
0x49: {  	_ =	shalt  }
0x4a: {  	_ =	shalt  }
0x4b: {  	_ =	shalt  }
0x4c: {  	_ =	shalt  }
0x4d: {  	_ =	shalt  }
0x4e: {  	_ =	shalt  }
0x4f: {  	_ =	shalt  }
0x50: {  	_ =	shalt  }
0x51: {  	_ =	shalt  }
0x52: {  	_ =	shalt  }
0x53: {  	_ =	shalt  }
0x54: {  	_ =	shalt  }
0x55: {  	_ =	shalt  }
0x56: {  	_ =	shalt  }
0x57: {  	_ =	shalt  }
0x58: {  	_ =	shalt  }
0x59: {  	_ =	shalt  }
0x5a: {  	_ =	shalt  }
0x5b: {  	_ =	shalt  }
0x5c: {  	_ =	shalt  }
0x5d: {  	_ =	shalt  }
0x5e: {  	_ =	shalt  }
0x5f: {  	_ =	shalt  }
0x60: {  	_ =	shalt  }
0x61: {  	_ =	shalt  }
0x62: {  	_ =	shalt  }
0x63: {  	_ =	shalt  }
0x64: {  	_ =	shalt  }
0x65: {  	_ =	shalt  }
0x66: {  	_ =	shalt  }
0x67: {  	_ =	shalt  }
0x68: {  	_ =	shalt  }
0x69: {  	_ =	shalt  }
0x6a: {  	_ =	shalt  }
0x6b: {  	_ =	shalt  }
0x6c: {  	_ =	shalt  }
0x6d: {  	_ =	shalt  }
0x6e: {  	_ =	shalt  }
0x6f: {  	_ =	shalt  }
0x70: {  	_ =	shalt  }
0x71: {  	_ =	shalt  }
0x72: {  	_ =	shalt  }
0x73: {  	_ =	shalt  }
0x74: {  	_ =	shalt  }
0x75: {  	_ =	shalt  }
0x76: {  	_ =	shalt  }
0x77: {  	_ =	shalt  }
0x78: {  	_ =	shalt  }
0x79: {  	_ =	shalt  }
0x7a: {  	_ =	shalt  }
0x7b: {  	_ =	shalt  }
0x7c: {  	_ =	shalt  }
0x7d: {  	_ =	shalt  }
0x7e: {  	_ =	shalt  }
0x7f: {  	_ =	shalt  }
0x80: {  	_ =	shalt  }
0x81: {  	_ =	shalt  }
0x82: {  	_ =	shalt  }
0x83: {  	_ =	shalt  }
0x84: {  	_ =	shalt  }
0x85: {  	_ =	shalt  }
0x86: {  	_ =	shalt  }
0x87: {  	_ =	shalt  }
.Lfunc_end0:
.L_simem_size_0:
called_computation.3_lowered:
.L_overlay_start_0:
0x88: {  	s2 =	sld [smem:$0x3FD9]  }
0x89: {  	s3 =	sld [smem:$0x3FFE];
	_ =	sdelay $0x1  }
0x8a: {  	s1 =	srdreg.scid  }
0x8b: {  	s0 =	sand.u32 $0x1, s1  }
0x8c: {  	s16 =	sshll.u32 s0, $0xA;
	s2 =	sadd.s32 s3, s2  }
0x8d: {  	s2 =	sadd.s32 s2, s16  }
0x8e: {  	[smem:$0x3FA6] =	sst s2  }
0x8f: {  	_ = 	snop  }
0x90: {  	(tm) =	ssettm $0x1  }
0x91: {  	s17 =	sld [smem:$0x3FFB];
	_ =	sdelay $0x3  }
0x92: {  	_ =	strace s17  }
0x93: {  	s2 =	sld [smem:$0x3FFC];
	_ =	sdelay $0x3  }
0x94: {  	_ =	strace s2  }
0x95: {  	s2 =	sld [smem:$0x3FFD];
	_ =	sdelay $0x3  }
0x96: {  	_ =	strace s2  }
0x97: {  	_ =	strace $0x8FFFFFFF  }
0x98: {  	s18 =	sld [smem:$0x3FDB];
	_ =	sdelay $0x1  }
0x99: {  	s19 =	simm.s32 $_scs_section_size  }
0x9a: {  	s4 =	simm.s32 $_size__tile_overlayer_lowered;
	s5 =	simm.s32 $_tile_overlayer_lowered  }
0x9b: {  	s22 =	simm.s32 $0x1BFF;
	s21 =	sshll.u32 s5, $0x1;
	s2 =	sadd.s32 s19, s18  }
0x9c: {  	s6 =	simm.s32 $0x0;
	s20 =	sshll.u32 s4, $0x1;
	s4 =	sadd.s32 s21, s2  }
0x9d: {  	[timem:s6], [sflag:s22] =	dma.local [hbm:s4], s20  }
0x9e: {  	_ =	swait.ge [sflag:s22], s20  }
0x9f: {  	s3 =	ssub.s32 $0x0, s20;
	[sflag:s22] =	ssyncset.done $0x0  }
0xa0: {  	[sflag:s22] =	ssyncadd.s32 s3;
	_ =	sdelay $0x1  }
0xa1: {  	s23 =	simm.s32 $0x1B8B  }
0xa2: {  	_ =	swait.ge [sflag:s23], $0x1  }
0xa3: {  	[sflag:s23] =	ssyncset.done $0x0  }
0xa4: {  	s25 =	simm.s32 $0x1B8E;
	s24 =	sld [smem:$0x3FFE];
	[sflag:s23] =	ssyncadd.s32 $0xFFFFFFFF  }
0xa5: {  	s26 =	simm.s32 $execute0_lowered;
	[smem:$0x3FD2] =	sst s25  }
0xa6: {  	s4 =	sshll.u32 s26, $0x1;
	_ =	strace $0x8000004F;
	[dreg:$0x1] =	wrdreg $0xFFFFFFFF  }
0xa7: {  	s28 =	simm.s32 $_size_execute0_lowered;
	s2 =	sadd.s32 s2, s4;
	[dreg:$0x0] =	wrdreg $0x0  }
0xa8: {  	s4 =	sshll.u32 s28, $0x1;
	[dreg:$0x2] =	wrdreg s2  }
0xa9: {  	[dreg:$0x3] =	wrdreg s4  }
0xaa: {  	[dreg:$0x4] =	wrdreg $0xC0  }
0xab: {  	_ =	task [dreg:s6], $0x5FFFF  }
0xac: {  	[dreg:$0x1] =	wrdreg $0xFFFFFFFF  }
0xad: {  	[dreg:$0x0] =	wrdreg $0x60  }
0xae: {  	[dreg:$0x2] =	wrdreg s24  }
0xaf: {  	[dreg:$0x3] =	wrdreg $0x81000  }
0xb0: {  	[dreg:$0x4] =	wrdreg $0x9  }
0xb1: {  	_ =	task.clear_ibuf [dreg:s6], $0x5FFFF;
	_ =	strace $0x9000004F  }
0xb2: {  	s29 =	simm.s32 $0x9;
	_ =	strace $0x80000051  }
0xb3: {  	_ =	swait.ge [sflag:s29], $0x1  }
0xb4: {  	[sflag:s29] =	ssyncadd.s32 $0xFFFFFFFF  }
0xb5: {  	_ =	strace $0x90000051  }
0xb6: {  	_ =	sfence  }
0xb7: {  	s30 =	sld [smem:$0x0];
	_ =	sdelay $0x2  }
0xb8: {  	s31 =	sshll.u32 s1, $0xD;
	s1 =	sshrl.u32 s1, $0x2  }
0xb9: {  	s3 =	sand.u32 $0x4000, s31;
	s1 =	sadd.s32 s1, s30  }
0xba: {  	s0 =	sor.u32 s3, s0;
	s1 =	sshll.u32 s1, $0x11  }
0xbb: {  	s0 =	sor.u32 s1, s0  }
0xbc: {  	s0 =	sadd.s32 $0x8F2B, s0  }
0xbd: {  	[sflag:s0] =	ssyncadd.remote.s32 $0x1  }
0xbe: {  	_ =	sfence.sel $0xFFFF  }
0xbf: {  	[dreg:$0x0] =	wrdreg $0xFFFFFFFF;
	(pc) =	sbr.abs _section_cstart, $3  }
0xc0: {  	[dreg:$0x1] =	wrdreg $0xFFFFFFFF  }
0xc1: {  	_ =	task.clear_ibuf [dreg:s6], $0x2FFFF;
	_ =	strace $0x9FFFFFFF  }
0xc2: {  	(tm) =	ssettm $0x7FFFFFFF  }
0xc3: {  	_ =	shalt  }
tec
execute0_lowered:
.L_overlay_start_1:
0x0: {  	(tag) =	ssettag $0x1  }
0x1: {  	s9 =	rddreg [dreg:$0x0];
	s1 =	srdreg.scid  }
0x2: {  	s0 =	stileid.u32;
	s2 =	rddreg [dreg:$0x1];
	s3 =	simm.s32 $0x0  }
0x3: {  	s14 =	sand.u32 $0x1, s1;
	s4 =	sshll.u32 s0, $0x1;
	s1 =	rddreg [dreg:$0x2]  }
0x4: {  	[smem:$0x7FF] =	sst s3;
	s29 =	sshll.u32 s0, $0xB;
	s30 =	sshll.u32 s0, $0xE  }
0x5: {  	s16 =	sshll.u32 s0, $0x6;
	s10 =	sor.u32 s14, s4;
	_ =	strace $0x80000050  }
0x6: {  	s15 =	sadd.s32 s29, s9;
	s7 =	sadd.s32 s30, s2;
	s4 =	sshll.u32 s10, $0x5  }
0x7: {  	s5 =	sor.u32 $0x1C01, s16;
	s8 =	sshrl.u32 s7, $0x3;
	s6 =	sadd.s32 s4, s9  }
0x8: {  	s7 =	simm.s32 $0x2;
	s4 =	sadd.s32 $0x27C00, s15;
	s6 =	sadd.s32 $0x7800, s6  }
0x9: {  	[spmem:s8], [sflag:s5] =	dma.local [hbm:s4], $0x800  }
0xa: {  	[tilespmem:s3], [sflag:$0x2] =	stream.linear.gather [hbm4b:s6+s3], $0x100, $0x38;
	[tilespmem:$0xC100] =	vst v63  }
0xb: {  	s10 =	sshll.u32 s10, $0xC;
	_ =	swait.ge [sflag:s7], $0x100  }
0xc: {  	s9 =	sadd.s32 s10, s9;
	[sflag:s7] =	ssyncset.done $0x0  }
0xd: {  	s10 =	simm.s32 $0x100;
	s9 =	sadd.s32 $0x2FC00, s9;
	[sflag:s7] =	ssyncadd.s32 $0xFFFFFF00  }
0xe: {  	[tilespmem:s10], [sflag:$0x2] =	stream.linear.gather [hbm4b:s9+s3], $0x8000, $0x38;
	[tilespmem:$0xC100] =	vst v63  }
0xf: {  	_ =	swait.ge [sflag:s7], $0x8000  }
0x10: {  	[sflag:s7] =	ssyncset.done $0x0  }
0x11: {  	s11 =	simm.s32 $0x1;
	[sflag:s7] =	ssyncadd.s32 $0xFFFF8000  }
0x12: {  	_ =	swait.ge [sflag:s11], $0x800  }
0x13: {  	[sflag:s11] =	ssyncset.done $0x0  }
0x14: {  	[sflag:s11] =	ssyncadd.s32 $0xFFFFF800  }
0x15: {  	s12 =	simm.s32 $0x80;
	[bflag:$0x0] =	sbarrier.arrive $0xFFFF  }
0x16: {  	[spmem:s2] =	stream.indirect.scatter.add.f32 [tilespmem:s10], [sflag:$0x2], $0x80, s3, s12, $0xb8;
	[tilespmem:$0xC100] =	vst v63  }
0x17: {  	s13 =	simm.s32 $0x4100;
	s17 =	ssub.s32 $0x2, s14;
	_ =	swait.ge [sflag:s7], $0x4000  }
0x18: {  	s14 =	sshll.u32 s14, $0xF;
	s31 =	sshrl.u32 s17, $0x1;
	[sflag:s7] =	ssyncset.done $0x0  }
0x19: {  	s14 =	sadd.s32 s14, s15;
	s15 =	ssub.s32 s17, s31;
	[sflag:s7] =	ssyncadd.s32 $0xFFFFC000  }
0x1a: {  	[spmem:s2] =	stream.indirect.scatter.add.f32 [tilespmem:s13], [sflag:$0x2], $0x80, s12, s12, $0xb8;
	[tilespmem:$0xC100] =	vst v63  }
0x1b: {  	s17 =	smax.u32 s15, $0x1;
	_ =	swait.ge [sflag:s7], $0x4000  }
0x1c: {  	p0 =	sne.s32 s17, $0x1;
	[sflag:s7] =	ssyncset.done $0x0  }
.Ltmp0:
0x1d: {  	[sflag:s7] =	ssyncadd.s32 $0xFFFFC000;
	(pc) =	sbr.rel @!p0 .LBB2_2-.Ltmp0, $4  }
0x1e: {  	s14 =	sadd.s32 $0xFC00, s14;
	s15 =	sor.u32 $0x1C02, s16;
	[bflag:$0x0] =	sbarrier.arrive $0xFFFF  }
0x1f: {  	[hbm:s14], [sflag:s15] =	dma.local [spmem:s8], $0x800  }
0x20: {  	_ =	swait.ge [sflag:s7], $0x800  }
0x21: {  	s16 =	sadd.s32 $0xFFFFFFFF, s17;
	[sflag:s7] =	ssyncset.done $0x0  }
.LBB2_1:
0x22: {  	p0 =	sne.s32 s16, $0x1;
	s16 =	sadd.s32 $0xFFFFFFFF, s16;
	[sflag:s7] =	ssyncadd.s32 $0xFFFFF800  }
0x23: {  	[spmem:s8], [sflag:s5] =	dma.local [hbm:s4], $0x800  }
0x24: {  	[tilespmem:s3], [sflag:$0x2] =	stream.linear.gather [hbm4b:s6+s3], $0x100, $0x38;
	[tilespmem:$0xC100] =	vst v63  }
0x25: {  	_ =	swait.ge [sflag:s7], $0x100  }
0x26: {  	[sflag:s7] =	ssyncset.done $0x0  }
0x27: {  	[sflag:s7] =	ssyncadd.s32 $0xFFFFFF00  }
0x28: {  	[tilespmem:s10], [sflag:$0x2] =	stream.linear.gather [hbm4b:s9+s3], $0x8000, $0x38;
	[tilespmem:$0xC100] =	vst v63  }
0x29: {  	_ =	swait.ge [sflag:s7], $0x8000  }
0x2a: {  	[sflag:s7] =	ssyncset.done $0x0  }
0x2b: {  	[sflag:s7] =	ssyncadd.s32 $0xFFFF8000  }
0x2c: {  	_ =	swait.ge [sflag:s11], $0x800  }
0x2d: {  	[sflag:s11] =	ssyncset.done $0x0  }
0x2e: {  	[sflag:s11] =	ssyncadd.s32 $0xFFFFF800  }
0x2f: {  	[bflag:$0x0] =	sbarrier.arrive $0xFFFF  }
0x30: {  	[spmem:s2] =	stream.indirect.scatter.add.f32 [tilespmem:s10], [sflag:$0x2], $0x80, s3, s12, $0xb8;
	[tilespmem:$0xC100] =	vst v63  }
0x31: {  	_ =	swait.ge [sflag:s7], $0x4000  }
0x32: {  	[sflag:s7] =	ssyncset.done $0x0  }
0x33: {  	[sflag:s7] =	ssyncadd.s32 $0xFFFFC000  }
0x34: {  	[spmem:s2] =	stream.indirect.scatter.add.f32 [tilespmem:s13], [sflag:$0x2], $0x80, s12, s12, $0xb8;
	[tilespmem:$0xC100] =	vst v63  }
0x35: {  	_ =	swait.ge [sflag:s7], $0x4000  }
0x36: {  	[sflag:s7] =	ssyncset.done $0x0  }
.Ltmp1:
0x37: {  	[sflag:s7] =	ssyncadd.s32 $0xFFFFC000;
	(pc) =	sbr.rel @p0 .LBB2_1-.Ltmp1, $4  }
0x38: {  	[bflag:$0x0] =	sbarrier.arrive $0xFFFF  }
0x39: {  	[hbm:s14], [sflag:s15] =	dma.local [spmem:s8], $0x800  }
0x3a: {  	_ =	swait.ge [sflag:s7], $0x800  }
0x3b: {  	[sflag:s7] =	ssyncset.done $0x0  }
.LBB2_2:
0x3c: {  	[sflag:s7] =	ssyncadd.s32 $0xFFFFF800  }
0x3d: {  	_ =	sfence.sel $0x180000  }
0x3e: {  	[bflag:$0x0] =	sbarrier.arrive $0xFFFF  }
0x3f: {  	p0 =	sne.s32 s0, $0x0;
	_ =	strace $0x90000050  }
0x40: {  	s0 =	sadd.s32 @!p0 $0x100000, s1;
	[bflag:$0x2] =	sbarrier.arrive $0xFFFF  }
0x41: {  	[sflag:s0] =	ssyncadd.tile.s32 @!p0 $0x1;
	_ =	shalt  }
.Lfunc_end2:
_tile_overlayer_lowered:
.L_overlay_start_2:
0x42: {  	(tag) =	ssettag $0x2  }
0x43: {  	s0 =	rddreg [dreg:$0x0];
	s2 =	stileid.u32  }
0x44: {  	s1 =	rddreg [dreg:$0x1];
	p0 =	sne.s32 s2, $0x0  }
0x45: {  	s3 =	rddreg [dreg:$0x2];
	[bflag:$0x3] =	sbarrier.arrive $0xFFFF;
	s2 =	simm.s32 @!p0 $0x1C02  }
0x46: {  	[timem:s3], [sflag:s2] =	dma.local @!p0 [hbm:s0], s1  }
0x47: {  	s0 =	simm.s32 @!p0 $0x2  }
0x48: {  	_ =	swait.ge @!p0 [sflag:s0], s1  }
0x49: {  	s1 =	ssub.s32 @!p0 $0x0, s1;
	[sflag:s0] =	ssyncset.done @!p0 $0x0  }
0x4a: {  	[sflag:s0] =	ssyncadd.s32 @!p0 s1  }
0x4b: {  	[bflag:$0x3] =	sbarrier.arrive $0xFFFF  }
0x4c: {  	_ =	shalt  }

// kernel: kernel.27.cloned.1.call-start
scs
__scs_entry_jumppad:
0x0: {  	(pc) =	sbr.rel $0x88, $3  }
0x1: {  	(tag) =	ssettag $0x0;
	lr =	simm.s32 $0x1  }
0x2: {  	[smem:$0x3F7F] =	sst lr;
	_ =	strace $0xD0000000  }
0x3: {  	_ = 	snop  }
0x4: {  	_ = 	snop  }
0x5: {  	_ = 	snop  }
0x6: {  	_ = 	snop  }
0x7: {  	_ = 	snop  }
__scs_overlays_trampoline_lowered:
0x8: {  	[smem:$0x3F8E] =	sst s0  }
0x9: {  	[smem:$0x3F8F] =	sst s1  }
0xa: {  	[smem:$0x3F90] =	sst s2  }
0xb: {  	[smem:$0x3F91] =	sst s3  }
0xc: {  	[smem:$0x3F92] =	sst s4  }
0xd: {  	[smem:$0x3F93] =	sst s5  }
0xe: {  	[smem:$0x3F94] =	sst s6  }
0xf: {  	[smem:$0x3F95] =	sst s7  }
0x10: {  	[smem:$0x3F96] =	sst s8  }
0x11: {  	[smem:$0x3F97] =	sst s9;
	s0 =	simm.s32 @!p0 $0x0  }
0x12: {  	s1 =	sld [smem:$0x3F7D];
	s0 =	simm.s32 @p0 $0x1  }
0x13: {  	[smem:$0x3F98] =	sst s0;
	s0 =	simm.s32 @!p1 $0x0  }
0x14: {  	s2 =	sld [smem:$0x3F7C];
	s0 =	simm.s32 @p1 $0x1  }
0x15: {  	[smem:$0x3F99] =	sst s0;
	s0 =	simm.s32 @!p2 $0x0  }
0x16: {  	s3 =	sld [smem:$0x3FDB];
	s0 =	simm.s32 @p2 $0x1  }
0x17: {  	s4 =	simm.s32 $0x1BF5;
	[smem:$0x3F9B] =	sst s0  }
0x18: {  	s0 =	sld [smem:$0x3F7E];
	_ =	swait.ge [sflag:s4], $0x0  }
0x19: {  	s7 =	sld [smem:$0x3F7F]  }
0x1a: {  	s8 =	sadd.s32 $0xFFFFE003, lr  }
0x1b: {  	s9 =	sadd.s32 $0xFFFFFEF7, lr;
	s5 =	simm.s32 $0xFFFFFFFF;
	p2 =	slt.u32 s8, $0xFFFFF086  }
0x1c: {  	p1 =	slt.u32 s9, $0xF7A;
	s5 =	simm.s32 @!p2 $0x0  }
0x1d: {  	s5 =	simm.s32 @p1 $0x1;
	p0 =	seq.s32 s7, s2  }
0x1e: {  	s7 =	smul.u32 @!p0 $0xF7A, s2;
	p2 =	seq.s32 @!p0 s5, $0x0  }
0x1f: {  	s9 =	smul.u32 $0xF7A, s1;
	s8 =	simm.s32 @!p0 $0x1BF5;
	p2 =	por !p2, p0  }
0x20: {  	[sflag:s8] =	ssyncset.s32 @!p0 $0xFFFFF086;
	s6 =	sadd.s32 @!p0 s3, s7;
	s7 =	simm.s32 @!p0 $0x108  }
0x21: {  	s3 =	sadd.s32 s3, s9;
	s6 =	sadd.s32 @!p0 $0x88, s6;
	s7 =	simm.s32 @p2 $0x1082  }
0x22: {  	[simem:s7], [sflag:s8] =	dma.local @!p0 [hbm:s6], $0xF7A  }
0x23: {  	s9 =	sor.u32 $0xD0000000, s2;
	s6 =	simm.s32 $0x108;
	_ =	swait.ge @!p0 [sflag:s8], $0x0  }
0x24: {  	s3 =	sadd.s32 $0x88, s3;
	s6 =	simm.s32 @!p1 $0x1082;
	[sflag:s4] =	ssyncset.s32 $0xFFFFF086  }
0x25: {  	[simem:s6], [sflag:s4] =	dma.local [hbm:s3], $0xF7A  }
0x26: {  	[smem:$0x3F7F] =	sst s1;
	(tag) =	ssettag s2;
	_ =	strace s9  }
0x27: {  	s1 =	sld [smem:$0x3F8F]  }
0x28: {  	s2 =	sld [smem:$0x3F90]  }
0x29: {  	s4 =	sld [smem:$0x3F92]  }
0x2a: {  	p0 =	seq.s32 s5, $0x0;
	s5 =	sld [smem:$0x3F93]  }
0x2b: {  	s6 =	sld [smem:$0x3F94]  }
0x2c: {  	s7 =	sld [smem:$0x3F95]  }
0x2d: {  	s3 =	simm.s32 $0x108;
	s8 =	sld [smem:$0x3F96]  }
0x2e: {  	s3 =	simm.s32 @!p0 $0x1082;
	s9 =	sld [smem:$0x3F97]  }
0x2f: {  	lr =	sadd.s32 s0, s3;
	s0 =	sld [smem:$0x3F8E]  }
0x30: {  	s3 =	sld [smem:$0x3F91]  }
0x31: {  	[smem:$0x3F9A] =	sst s10  }
0x32: {  	s10 =	sld [smem:$0x3F98];
	_ =	sdelay $0x3  }
0x33: {  	p0 =	seq.s32 s10, $0x1;
	s10 =	sld [smem:$0x3F9A];
	_ =	sdelay $0x3  }
0x34: {  	[smem:$0x3F9A] =	sst s10  }
0x35: {  	s10 =	sld [smem:$0x3F99];
	_ =	sdelay $0x3  }
0x36: {  	p1 =	seq.s32 s10, $0x1;
	s10 =	sld [smem:$0x3F9A];
	_ =	sdelay $0x3  }
0x37: {  	[smem:$0x3F9A] =	sst s10  }
0x38: {  	s10 =	sld [smem:$0x3F9B]  }
0x39: {  	_ = 	snop;
	(pc) =	sbr.ind lr, $3  }
0x3a: {  	_ = 	snop  }
0x3b: {  	_ = 	snop  }
0x3c: {  	p2 =	seq.s32 s10, $0x1;
	s10 =	sld [smem:$0x3F9A]  }
0x3d: {  	_ =	shalt  }
0x3e: {  	_ =	shalt  }
0x3f: {  	_ =	shalt  }
0x40: {  	_ =	shalt  }
0x41: {  	_ =	shalt  }
0x42: {  	_ =	shalt  }
0x43: {  	_ =	shalt  }
0x44: {  	_ =	shalt  }
0x45: {  	_ =	shalt  }
0x46: {  	_ =	shalt  }
0x47: {  	_ =	shalt  }
0x48: {  	_ =	shalt  }
0x49: {  	_ =	shalt  }
0x4a: {  	_ =	shalt  }
0x4b: {  	_ =	shalt  }
0x4c: {  	_ =	shalt  }
0x4d: {  	_ =	shalt  }
0x4e: {  	_ =	shalt  }
0x4f: {  	_ =	shalt  }
0x50: {  	_ =	shalt  }
0x51: {  	_ =	shalt  }
0x52: {  	_ =	shalt  }
0x53: {  	_ =	shalt  }
0x54: {  	_ =	shalt  }
0x55: {  	_ =	shalt  }
0x56: {  	_ =	shalt  }
0x57: {  	_ =	shalt  }
0x58: {  	_ =	shalt  }
0x59: {  	_ =	shalt  }
0x5a: {  	_ =	shalt  }
0x5b: {  	_ =	shalt  }
0x5c: {  	_ =	shalt  }
0x5d: {  	_ =	shalt  }
0x5e: {  	_ =	shalt  }
0x5f: {  	_ =	shalt  }
0x60: {  	_ =	shalt  }
0x61: {  	_ =	shalt  }
0x62: {  	_ =	shalt  }
0x63: {  	_ =	shalt  }
0x64: {  	_ =	shalt  }
0x65: {  	_ =	shalt  }
0x66: {  	_ =	shalt  }
0x67: {  	_ =	shalt  }
0x68: {  	_ =	shalt  }
0x69: {  	_ =	shalt  }
0x6a: {  	_ =	shalt  }
0x6b: {  	_ =	shalt  }
0x6c: {  	_ =	shalt  }
0x6d: {  	_ =	shalt  }
0x6e: {  	_ =	shalt  }
0x6f: {  	_ =	shalt  }
0x70: {  	_ =	shalt  }
0x71: {  	_ =	shalt  }
0x72: {  	_ =	shalt  }
0x73: {  	_ =	shalt  }
0x74: {  	_ =	shalt  }
0x75: {  	_ =	shalt  }
0x76: {  	_ =	shalt  }
0x77: {  	_ =	shalt  }
0x78: {  	_ =	shalt  }
0x79: {  	_ =	shalt  }
0x7a: {  	_ =	shalt  }
0x7b: {  	_ =	shalt  }
0x7c: {  	_ =	shalt  }
0x7d: {  	_ =	shalt  }
0x7e: {  	_ =	shalt  }
0x7f: {  	_ =	shalt  }
0x80: {  	_ =	shalt  }
0x81: {  	_ =	shalt  }
0x82: {  	_ =	shalt  }
0x83: {  	_ =	shalt  }
0x84: {  	_ =	shalt  }
0x85: {  	_ =	shalt  }
0x86: {  	_ =	shalt  }
0x87: {  	_ =	shalt  }
.Lfunc_end0:
.L_simem_size_0:
called_computation.4_lowered:
.L_overlay_start_0:
0x88: {  	s2 =	sld [smem:$0x3FD9]  }
0x89: {  	s3 =	sld [smem:$0x3FFE];
	_ =	sdelay $0x1  }
0x8a: {  	s1 =	srdreg.scid  }
0x8b: {  	s0 =	sand.u32 $0x1, s1  }
0x8c: {  	s16 =	sshll.u32 s0, $0xA;
	s2 =	sadd.s32 s3, s2  }
0x8d: {  	s2 =	sadd.s32 s2, s16  }
0x8e: {  	[smem:$0x3FA6] =	sst s2  }
0x8f: {  	_ = 	snop  }
0x90: {  	(tm) =	ssettm $0x1  }
0x91: {  	s17 =	sld [smem:$0x3FFB];
	_ =	sdelay $0x3  }
0x92: {  	_ =	strace s17  }
0x93: {  	s2 =	sld [smem:$0x3FFC];
	_ =	sdelay $0x3  }
0x94: {  	_ =	strace s2  }
0x95: {  	s2 =	sld [smem:$0x3FFD];
	_ =	sdelay $0x3  }
0x96: {  	_ =	strace s2  }
0x97: {  	_ =	strace $0x8FFFFFFF  }
0x98: {  	s18 =	sld [smem:$0x3FDB];
	_ =	sdelay $0x1  }
0x99: {  	s19 =	simm.s32 $_scs_section_size  }
0x9a: {  	s4 =	simm.s32 $_size__tile_overlayer_lowered;
	s5 =	simm.s32 $_tile_overlayer_lowered  }
0x9b: {  	s22 =	simm.s32 $0x1BFF;
	s21 =	sshll.u32 s5, $0x1;
	s2 =	sadd.s32 s19, s18  }
0x9c: {  	s6 =	simm.s32 $0x0;
	s20 =	sshll.u32 s4, $0x1;
	s4 =	sadd.s32 s21, s2  }
0x9d: {  	[timem:s6], [sflag:s22] =	dma.local [hbm:s4], s20  }
0x9e: {  	_ =	swait.ge [sflag:s22], s20  }
0x9f: {  	s3 =	ssub.s32 $0x0, s20;
	[sflag:s22] =	ssyncset.done $0x0  }
0xa0: {  	[sflag:s22] =	ssyncadd.s32 s3;
	_ =	sdelay $0x1  }
0xa1: {  	s23 =	simm.s32 $0x1B8B  }
0xa2: {  	_ =	swait.ge [sflag:s23], $0x1  }
0xa3: {  	[sflag:s23] =	ssyncset.done $0x0  }
0xa4: {  	s25 =	simm.s32 $0x1B8E;
	s24 =	sld [smem:$0x3FFE];
	[sflag:s23] =	ssyncadd.s32 $0xFFFFFFFF  }
0xa5: {  	s26 =	simm.s32 $execute0_lowered;
	[smem:$0x3FD2] =	sst s25  }
0xa6: {  	s4 =	sshll.u32 s26, $0x1;
	_ =	strace $0x80000052;
	[dreg:$0x1] =	wrdreg $0xFFFFFFFF  }
0xa7: {  	s28 =	simm.s32 $_size_execute0_lowered;
	s2 =	sadd.s32 s2, s4;
	[dreg:$0x0] =	wrdreg $0x0  }
0xa8: {  	s4 =	sshll.u32 s28, $0x1;
	[dreg:$0x2] =	wrdreg s2  }
0xa9: {  	[dreg:$0x3] =	wrdreg s4  }
0xaa: {  	[dreg:$0x4] =	wrdreg $0xC0  }
0xab: {  	_ =	task [dreg:s6], $0x5FFFF  }
0xac: {  	[dreg:$0x1] =	wrdreg $0xFFFFFFFF  }
0xad: {  	[dreg:$0x0] =	wrdreg $0x60  }
0xae: {  	[dreg:$0x2] =	wrdreg s24  }
0xaf: {  	[dreg:$0x3] =	wrdreg $0x9  }
0xb0: {  	_ =	task.clear_ibuf [dreg:s6], $0x4FFFF;
	_ =	strace $0x90000052  }
0xb1: {  	s29 =	simm.s32 $0x9;
	_ =	strace $0x80000054  }
0xb2: {  	_ =	swait.ge [sflag:s29], $0x1  }
0xb3: {  	[sflag:s29] =	ssyncadd.s32 $0xFFFFFFFF  }
0xb4: {  	_ =	strace $0x90000054  }
0xb5: {  	_ =	sfence  }
0xb6: {  	s30 =	sld [smem:$0x0];
	_ =	sdelay $0x2  }
0xb7: {  	s31 =	sshll.u32 s1, $0xD;
	s1 =	sshrl.u32 s1, $0x2  }
0xb8: {  	s3 =	sand.u32 $0x4000, s31;
	s1 =	sadd.s32 s1, s30  }
0xb9: {  	s0 =	sor.u32 s3, s0;
	s1 =	sshll.u32 s1, $0x11  }
0xba: {  	s0 =	sor.u32 s1, s0  }
0xbb: {  	s0 =	sadd.s32 $0x8F2B, s0  }
0xbc: {  	[sflag:s0] =	ssyncadd.remote.s32 $0x1  }
0xbd: {  	_ =	sfence.sel $0xFFFF  }
0xbe: {  	[dreg:$0x0] =	wrdreg $0xFFFFFFFF;
	(pc) =	sbr.abs _section_cstart, $3  }
0xbf: {  	[dreg:$0x1] =	wrdreg $0xFFFFFFFF  }
0xc0: {  	_ =	task.clear_ibuf [dreg:s6], $0x2FFFF;
	_ =	strace $0x9FFFFFFF  }
0xc1: {  	(tm) =	ssettm $0x7FFFFFFF  }
tec
execute0_lowered:
.L_overlay_start_1:
0x0: {  	(tag) =	ssettag $0x1  }
0x1: {  	s1 =	srdreg.scid;
	s0 =	stileid.u32  }
0x2: {  	s11 =	sand.u32 $0x1, s1;
	s31 =	sshll.u32 s0, $0x1  }
0x3: {  	s12 =	sor.u32 s11, s31  }
0x4: {  	s10 =	rddreg [dreg:$0x0];
	s2 =	simm.s32 $0x0;
	s3 =	sshll.u32 s12, $0x5  }
0x5: {  	s4 =	simm.s32 $0x3;
	[smem:$0x7FF] =	sst s2;
	s3 =	sadd.s32 s3, s10  }
0x6: {  	s1 =	rddreg [dreg:$0x1];
	_ =	strace $0x80000053;
	s3 =	sadd.s32 $0x7400, s3  }
0x7: {  	[tilespmem:s2], [sflag:$0x3] =	stream.linear.gather [hbm4b:s3+s2], $0x100, $0x38;
	[tilespmem:$0x8100] =	vst v63  }
0x8: {  	_ =	swait.ge [sflag:s4], $0x100  }
0x9: {  	s6 =	simm.s32 $0x80;
	[sflag:s4] =	ssyncset.done $0x0  }
0xa: {  	s7 =	simm.s32 $0x100;
	s5 =	sadd.s32 $0x7C00, s10;
	[sflag:s4] =	ssyncadd.s32 $0xFFFFFF00  }
0xb: {  	[tilespmem:s7], [sflag:$0x1] =	stream.indirect.gather [hbm4b:s5+s6], $0x80, s2, s6, $0xb8;
	[tilespmem:$0x8100] =	vst v63  }
0xc: {  	s8 =	simm.s32 $0x4100;
	s9 =	simm.s32 $0x1  }
0xd: {  	[tilespmem:s8], [sflag:$0x1] =	stream.indirect.gather [hbm4b:s5+s6], $0x80, s6, s6, $0xb8;
	[tilespmem:$0x8100] =	vst v63  }
0xe: {  	_ =	swait.ge [sflag:s9], $0x4000  }
0xf: {  	[sflag:s9] =	ssyncset.done $0x0  }
0x10: {  	s13 =	ssub.s32 $0x2, s11;
	[sflag:s9] =	ssyncadd.s32 $0xFFFFC000  }
0x11: {  	s12 =	sshll.u32 s12, $0xC;
	s14 =	sshrl.u32 s13, $0x1;
	_ =	swait.ge [sflag:s9], $0x4000  }
0x12: {  	s12 =	sadd.s32 s12, s10;
	s13 =	ssub.s32 s13, s14;
	[sflag:s9] =	ssyncset.done $0x0  }
0x13: {  	s10 =	sadd.s32 $0x2FC00, s12;
	s13 =	smax.u32 s13, $0x1;
	[sflag:s9] =	ssyncadd.s32 $0xFFFFC000  }
0x14: {  	[hbm4b:s10+s2] =	stream.linear.scatter [tilespmem:s7], [sflag:$0x2], $0x4000, $0x38;
	[tilespmem:$0x8100] =	vst v63  }
0x15: {  	s11 =	simm.s32 $0x2;
	s12 =	sadd.s32 $0x30400, s12;
	p0 =	sne.s32 s13, $0x1  }
0x16: {  	[hbm4b:s12+s2] =	stream.linear.scatter [tilespmem:s8], [sflag:$0x2], $0x4000, $0x38;
	[tilespmem:$0x8100] =	vst v63  }
.Ltmp0:
0x17: {  	_ =	swait.ge [sflag:s11], $0x4000;
	(pc) =	sbr.rel @!p0 .LBB2_2-.Ltmp0, $4  }
0x18: {  	[sflag:s11] =	ssyncset.done $0x0  }
0x19: {  	[sflag:s11] =	ssyncadd.s32 $0xFFFFC000  }
0x1a: {  	_ =	swait.ge [sflag:s11], $0x4000  }
0x1b: {  	s13 =	sadd.s32 $0xFFFFFFFF, s13;
	[sflag:s11] =	ssyncset.done $0x0  }
.LBB2_1:
0x1c: {  	p0 =	sne.s32 s13, $0x1;
	s13 =	sadd.s32 $0xFFFFFFFF, s13;
	[sflag:s11] =	ssyncadd.s32 $0xFFFFC000  }
0x1d: {  	[tilespmem:s2], [sflag:$0x3] =	stream.linear.gather [hbm4b:s3+s2], $0x100, $0x38;
	[tilespmem:$0x8100] =	vst v63  }
0x1e: {  	_ =	swait.ge [sflag:s4], $0x100  }
0x1f: {  	[sflag:s4] =	ssyncset.done $0x0  }
0x20: {  	[sflag:s4] =	ssyncadd.s32 $0xFFFFFF00  }
0x21: {  	[tilespmem:s7], [sflag:$0x1] =	stream.indirect.gather [hbm4b:s5+s6], $0x80, s2, s6, $0xb8;
	[tilespmem:$0x8100] =	vst v63  }
0x22: {  	_ = 	snop  }
0x23: {  	[tilespmem:s8], [sflag:$0x1] =	stream.indirect.gather [hbm4b:s5+s6], $0x80, s6, s6, $0xb8;
	[tilespmem:$0x8100] =	vst v63  }
0x24: {  	_ =	swait.ge [sflag:s9], $0x4000  }
0x25: {  	[sflag:s9] =	ssyncset.done $0x0  }
0x26: {  	[sflag:s9] =	ssyncadd.s32 $0xFFFFC000  }
0x27: {  	_ =	swait.ge [sflag:s9], $0x4000  }
0x28: {  	[sflag:s9] =	ssyncset.done $0x0  }
0x29: {  	[sflag:s9] =	ssyncadd.s32 $0xFFFFC000  }
0x2a: {  	[hbm4b:s10+s2] =	stream.linear.scatter [tilespmem:s7], [sflag:$0x2], $0x4000, $0x38;
	[tilespmem:$0x8100] =	vst v63  }
0x2b: {  	_ = 	snop  }
0x2c: {  	[hbm4b:s12+s2] =	stream.linear.scatter [tilespmem:s8], [sflag:$0x2], $0x4000, $0x38;
	[tilespmem:$0x8100] =	vst v63  }
.Ltmp1:
0x2d: {  	_ =	swait.ge [sflag:s11], $0x4000;
	(pc) =	sbr.rel @p0 .LBB2_1-.Ltmp1, $4  }
0x2e: {  	[sflag:s11] =	ssyncset.done $0x0  }
0x2f: {  	[sflag:s11] =	ssyncadd.s32 $0xFFFFC000  }
0x30: {  	_ =	swait.ge [sflag:s11], $0x4000  }
0x31: {  	[sflag:s11] =	ssyncset.done $0x0  }
.LBB2_2:
0x32: {  	[sflag:s11] =	ssyncadd.s32 $0xFFFFC000  }
0x33: {  	_ =	sfence.sel $0x180000  }
0x34: {  	[bflag:$0x0] =	sbarrier.arrive $0xFFFF  }
0x35: {  	p0 =	sne.s32 s0, $0x0;
	_ =	strace $0x90000053  }
0x36: {  	s0 =	sadd.s32 @!p0 $0x100000, s1;
	[bflag:$0x2] =	sbarrier.arrive $0xFFFF  }
0x37: {  	[sflag:s0] =	ssyncadd.tile.s32 @!p0 $0x1;
	_ =	shalt  }
.Lfunc_end2:
_tile_overlayer_lowered:
.L_overlay_start_2:
0x38: {  	(tag) =	ssettag $0x2  }
0x39: {  	s0 =	rddreg [dreg:$0x0];
	s2 =	stileid.u32  }
0x3a: {  	s1 =	rddreg [dreg:$0x1];
	p0 =	sne.s32 s2, $0x0  }
0x3b: {  	s3 =	rddreg [dreg:$0x2];
	[bflag:$0x3] =	sbarrier.arrive $0xFFFF;
	s2 =	simm.s32 @!p0 $0x1C03  }
0x3c: {  	[timem:s3], [sflag:s2] =	dma.local @!p0 [hbm:s0], s1  }
0x3d: {  	s0 =	simm.s32 @!p0 $0x3  }
0x3e: {  	_ =	swait.ge @!p0 [sflag:s0], s1  }
0x3f: {  	s1 =	ssub.s32 @!p0 $0x0, s1;
	[sflag:s0] =	ssyncset.done @!p0 $0x0  }
0x40: {  	[sflag:s0] =	ssyncadd.s32 @!p0 s1  }
0x41: {  	[bflag:$0x3] =	sbarrier.arrive $0xFFFF  }
0x42: {  	_ =	shalt  }

// kernel: kernel.30.cloned.1.call-start
scs
__scs_entry_jumppad:
0x0: {  	(pc) =	sbr.rel $0x88, $3  }
0x1: {  	(tag) =	ssettag $0x0;
	lr =	simm.s32 $0x1  }
0x2: {  	[smem:$0x3F7F] =	sst lr;
	_ =	strace $0xD0000000  }
0x3: {  	_ = 	snop  }
0x4: {  	_ = 	snop  }
0x5: {  	_ = 	snop  }
0x6: {  	_ = 	snop  }
0x7: {  	_ = 	snop  }
__scs_overlays_trampoline_lowered:
0x8: {  	[smem:$0x3F8E] =	sst s0  }
0x9: {  	[smem:$0x3F8F] =	sst s1  }
0xa: {  	[smem:$0x3F90] =	sst s2  }
0xb: {  	[smem:$0x3F91] =	sst s3  }
0xc: {  	[smem:$0x3F92] =	sst s4  }
0xd: {  	[smem:$0x3F93] =	sst s5  }
0xe: {  	[smem:$0x3F94] =	sst s6  }
0xf: {  	[smem:$0x3F95] =	sst s7  }
0x10: {  	[smem:$0x3F96] =	sst s8  }
0x11: {  	[smem:$0x3F97] =	sst s9;
	s0 =	simm.s32 @!p0 $0x0  }
0x12: {  	s1 =	sld [smem:$0x3F7D];
	s0 =	simm.s32 @p0 $0x1  }
0x13: {  	[smem:$0x3F98] =	sst s0;
	s0 =	simm.s32 @!p1 $0x0  }
0x14: {  	s2 =	sld [smem:$0x3F7C];
	s0 =	simm.s32 @p1 $0x1  }
0x15: {  	[smem:$0x3F99] =	sst s0;
	s0 =	simm.s32 @!p2 $0x0  }
0x16: {  	s3 =	sld [smem:$0x3FDB];
	s0 =	simm.s32 @p2 $0x1  }
0x17: {  	s4 =	simm.s32 $0x1BF5;
	[smem:$0x3F9B] =	sst s0  }
0x18: {  	s0 =	sld [smem:$0x3F7E];
	_ =	swait.ge [sflag:s4], $0x0  }
0x19: {  	s7 =	sld [smem:$0x3F7F]  }
0x1a: {  	s8 =	sadd.s32 $0xFFFFE003, lr  }
0x1b: {  	s9 =	sadd.s32 $0xFFFFFEF7, lr;
	s5 =	simm.s32 $0xFFFFFFFF;
	p2 =	slt.u32 s8, $0xFFFFF086  }
0x1c: {  	p1 =	slt.u32 s9, $0xF7A;
	s5 =	simm.s32 @!p2 $0x0  }
0x1d: {  	s5 =	simm.s32 @p1 $0x1;
	p0 =	seq.s32 s7, s2  }
0x1e: {  	s7 =	smul.u32 @!p0 $0xF7A, s2;
	p2 =	seq.s32 @!p0 s5, $0x0  }
0x1f: {  	s9 =	smul.u32 $0xF7A, s1;
	s8 =	simm.s32 @!p0 $0x1BF5;
	p2 =	por !p2, p0  }
0x20: {  	[sflag:s8] =	ssyncset.s32 @!p0 $0xFFFFF086;
	s6 =	sadd.s32 @!p0 s3, s7;
	s7 =	simm.s32 @!p0 $0x108  }
0x21: {  	s3 =	sadd.s32 s3, s9;
	s6 =	sadd.s32 @!p0 $0x88, s6;
	s7 =	simm.s32 @p2 $0x1082  }
0x22: {  	[simem:s7], [sflag:s8] =	dma.local @!p0 [hbm:s6], $0xF7A  }
0x23: {  	s9 =	sor.u32 $0xD0000000, s2;
	s6 =	simm.s32 $0x108;
	_ =	swait.ge @!p0 [sflag:s8], $0x0  }
0x24: {  	s3 =	sadd.s32 $0x88, s3;
	s6 =	simm.s32 @!p1 $0x1082;
	[sflag:s4] =	ssyncset.s32 $0xFFFFF086  }
0x25: {  	[simem:s6], [sflag:s4] =	dma.local [hbm:s3], $0xF7A  }
0x26: {  	[smem:$0x3F7F] =	sst s1;
	(tag) =	ssettag s2;
	_ =	strace s9  }
0x27: {  	s1 =	sld [smem:$0x3F8F]  }
0x28: {  	s2 =	sld [smem:$0x3F90]  }
0x29: {  	s4 =	sld [smem:$0x3F92]  }
0x2a: {  	p0 =	seq.s32 s5, $0x0;
	s5 =	sld [smem:$0x3F93]  }
0x2b: {  	s6 =	sld [smem:$0x3F94]  }
0x2c: {  	s7 =	sld [smem:$0x3F95]  }
0x2d: {  	s3 =	simm.s32 $0x108;
	s8 =	sld [smem:$0x3F96]  }
0x2e: {  	s3 =	simm.s32 @!p0 $0x1082;
	s9 =	sld [smem:$0x3F97]  }
0x2f: {  	lr =	sadd.s32 s0, s3;
	s0 =	sld [smem:$0x3F8E]  }
0x30: {  	s3 =	sld [smem:$0x3F91]  }
0x31: {  	[smem:$0x3F9A] =	sst s10  }
0x32: {  	s10 =	sld [smem:$0x3F98];
	_ =	sdelay $0x3  }
0x33: {  	p0 =	seq.s32 s10, $0x1;
	s10 =	sld [smem:$0x3F9A];
	_ =	sdelay $0x3  }
0x34: {  	[smem:$0x3F9A] =	sst s10  }
0x35: {  	s10 =	sld [smem:$0x3F99];
	_ =	sdelay $0x3  }
0x36: {  	p1 =	seq.s32 s10, $0x1;
	s10 =	sld [smem:$0x3F9A];
	_ =	sdelay $0x3  }
0x37: {  	[smem:$0x3F9A] =	sst s10  }
0x38: {  	s10 =	sld [smem:$0x3F9B]  }
0x39: {  	_ = 	snop;
	(pc) =	sbr.ind lr, $3  }
0x3a: {  	_ = 	snop  }
0x3b: {  	_ = 	snop  }
0x3c: {  	p2 =	seq.s32 s10, $0x1;
	s10 =	sld [smem:$0x3F9A]  }
0x3d: {  	_ =	shalt  }
0x3e: {  	_ =	shalt  }
0x3f: {  	_ =	shalt  }
0x40: {  	_ =	shalt  }
0x41: {  	_ =	shalt  }
0x42: {  	_ =	shalt  }
0x43: {  	_ =	shalt  }
0x44: {  	_ =	shalt  }
0x45: {  	_ =	shalt  }
0x46: {  	_ =	shalt  }
0x47: {  	_ =	shalt  }
0x48: {  	_ =	shalt  }
0x49: {  	_ =	shalt  }
0x4a: {  	_ =	shalt  }
0x4b: {  	_ =	shalt  }
0x4c: {  	_ =	shalt  }
0x4d: {  	_ =	shalt  }
0x4e: {  	_ =	shalt  }
0x4f: {  	_ =	shalt  }
0x50: {  	_ =	shalt  }
0x51: {  	_ =	shalt  }
0x52: {  	_ =	shalt  }
0x53: {  	_ =	shalt  }
0x54: {  	_ =	shalt  }
0x55: {  	_ =	shalt  }
0x56: {  	_ =	shalt  }
0x57: {  	_ =	shalt  }
0x58: {  	_ =	shalt  }
0x59: {  	_ =	shalt  }
0x5a: {  	_ =	shalt  }
0x5b: {  	_ =	shalt  }
0x5c: {  	_ =	shalt  }
0x5d: {  	_ =	shalt  }
0x5e: {  	_ =	shalt  }
0x5f: {  	_ =	shalt  }
0x60: {  	_ =	shalt  }
0x61: {  	_ =	shalt  }
0x62: {  	_ =	shalt  }
0x63: {  	_ =	shalt  }
0x64: {  	_ =	shalt  }
0x65: {  	_ =	shalt  }
0x66: {  	_ =	shalt  }
0x67: {  	_ =	shalt  }
0x68: {  	_ =	shalt  }
0x69: {  	_ =	shalt  }
0x6a: {  	_ =	shalt  }
0x6b: {  	_ =	shalt  }
0x6c: {  	_ =	shalt  }
0x6d: {  	_ =	shalt  }
0x6e: {  	_ =	shalt  }
0x6f: {  	_ =	shalt  }
0x70: {  	_ =	shalt  }
0x71: {  	_ =	shalt  }
0x72: {  	_ =	shalt  }
0x73: {  	_ =	shalt  }
0x74: {  	_ =	shalt  }
0x75: {  	_ =	shalt  }
0x76: {  	_ =	shalt  }
0x77: {  	_ =	shalt  }
0x78: {  	_ =	shalt  }
0x79: {  	_ =	shalt  }
0x7a: {  	_ =	shalt  }
0x7b: {  	_ =	shalt  }
0x7c: {  	_ =	shalt  }
0x7d: {  	_ =	shalt  }
0x7e: {  	_ =	shalt  }
0x7f: {  	_ =	shalt  }
0x80: {  	_ =	shalt  }
0x81: {  	_ =	shalt  }
0x82: {  	_ =	shalt  }
0x83: {  	_ =	shalt  }
0x84: {  	_ =	shalt  }
0x85: {  	_ =	shalt  }
0x86: {  	_ =	shalt  }
0x87: {  	_ =	shalt  }
.Lfunc_end0:
.L_simem_size_0:
called_computation.5_lowered:
.L_overlay_start_0:
0x88: {  	s2 =	sld [smem:$0x3FD9]  }
0x89: {  	s3 =	sld [smem:$0x3FFE];
	_ =	sdelay $0x1  }
0x8a: {  	s1 =	srdreg.scid  }
0x8b: {  	s0 =	sand.u32 $0x1, s1  }
0x8c: {  	s16 =	sshll.u32 s0, $0xA;
	s2 =	sadd.s32 s3, s2  }
0x8d: {  	s2 =	sadd.s32 s2, s16  }
0x8e: {  	[smem:$0x3FA6] =	sst s2  }
0x8f: {  	_ = 	snop  }
0x90: {  	(tm) =	ssettm $0x1  }
0x91: {  	s17 =	sld [smem:$0x3FFB];
	_ =	sdelay $0x3  }
0x92: {  	_ =	strace s17  }
0x93: {  	s2 =	sld [smem:$0x3FFC];
	_ =	sdelay $0x3  }
0x94: {  	_ =	strace s2  }
0x95: {  	s2 =	sld [smem:$0x3FFD];
	_ =	sdelay $0x3  }
0x96: {  	_ =	strace s2  }
0x97: {  	_ =	strace $0x8FFFFFFF  }
0x98: {  	s18 =	sld [smem:$0x3FDB];
	_ =	sdelay $0x1  }
0x99: {  	s19 =	simm.s32 $_scs_section_size  }
0x9a: {  	s4 =	simm.s32 $_size__tile_overlayer_lowered;
	s5 =	simm.s32 $_tile_overlayer_lowered  }
0x9b: {  	s22 =	simm.s32 $0x1BFF;
	s21 =	sshll.u32 s5, $0x1;
	s2 =	sadd.s32 s19, s18  }
0x9c: {  	s6 =	simm.s32 $0x0;
	s20 =	sshll.u32 s4, $0x1;
	s4 =	sadd.s32 s21, s2  }
0x9d: {  	[timem:s6], [sflag:s22] =	dma.local [hbm:s4], s20  }
0x9e: {  	_ =	swait.ge [sflag:s22], s20  }
0x9f: {  	s3 =	ssub.s32 $0x0, s20;
	[sflag:s22] =	ssyncset.done $0x0  }
0xa0: {  	[sflag:s22] =	ssyncadd.s32 s3;
	_ =	sdelay $0x1  }
0xa1: {  	s23 =	simm.s32 $0x1B8B  }
0xa2: {  	_ =	swait.ge [sflag:s23], $0x1  }
0xa3: {  	[sflag:s23] =	ssyncset.done $0x0  }
0xa4: {  	s25 =	simm.s32 $0x1B8E;
	s24 =	sld [smem:$0x3FFE];
	[sflag:s23] =	ssyncadd.s32 $0xFFFFFFFF  }
0xa5: {  	s26 =	simm.s32 $execute0_lowered;
	[smem:$0x3FD2] =	sst s25  }
0xa6: {  	s4 =	sshll.u32 s26, $0x1;
	_ =	strace $0x80000055;
	[dreg:$0x1] =	wrdreg $0xFFFFFFFF  }
0xa7: {  	s28 =	simm.s32 $_size_execute0_lowered;
	s2 =	sadd.s32 s2, s4;
	[dreg:$0x0] =	wrdreg $0x0  }
0xa8: {  	s4 =	sshll.u32 s28, $0x1;
	[dreg:$0x2] =	wrdreg s2  }
0xa9: {  	[dreg:$0x3] =	wrdreg s4  }
0xaa: {  	[dreg:$0x4] =	wrdreg $0xC0  }
0xab: {  	_ =	task [dreg:s6], $0x5FFFF  }
0xac: {  	[dreg:$0x1] =	wrdreg $0xFFFFFFFF  }
0xad: {  	[dreg:$0x0] =	wrdreg $0x60  }
0xae: {  	[dreg:$0x2] =	wrdreg s24  }
0xaf: {  	[dreg:$0x3] =	wrdreg $0x81000  }
0xb0: {  	[dreg:$0x4] =	wrdreg $0x9  }
0xb1: {  	_ =	task.clear_ibuf [dreg:s6], $0x5FFFF;
	_ =	strace $0x90000055  }
0xb2: {  	s29 =	simm.s32 $0x9;
	_ =	strace $0x80000057  }
0xb3: {  	_ =	swait.ge [sflag:s29], $0x1  }
0xb4: {  	[sflag:s29] =	ssyncadd.s32 $0xFFFFFFFF  }
0xb5: {  	_ =	strace $0x90000057  }
0xb6: {  	_ =	sfence  }
0xb7: {  	s30 =	sld [smem:$0x0];
	_ =	sdelay $0x2  }
0xb8: {  	s31 =	sshll.u32 s1, $0xD;
	s1 =	sshrl.u32 s1, $0x2  }
0xb9: {  	s3 =	sand.u32 $0x4000, s31;
	s1 =	sadd.s32 s1, s30  }
0xba: {  	s0 =	sor.u32 s3, s0;
	s1 =	sshll.u32 s1, $0x11  }
0xbb: {  	s0 =	sor.u32 s1, s0  }
0xbc: {  	s0 =	sadd.s32 $0x8F2B, s0  }
0xbd: {  	[sflag:s0] =	ssyncadd.remote.s32 $0x1  }
0xbe: {  	_ =	sfence.sel $0xFFFF  }
0xbf: {  	[dreg:$0x0] =	wrdreg $0xFFFFFFFF;
	(pc) =	sbr.abs _section_cstart, $3  }
0xc0: {  	[dreg:$0x1] =	wrdreg $0xFFFFFFFF  }
0xc1: {  	_ =	task.clear_ibuf [dreg:s6], $0x2FFFF;
	_ =	strace $0x9FFFFFFF  }
0xc2: {  	(tm) =	ssettm $0x7FFFFFFF  }
0xc3: {  	_ =	shalt  }
tec
execute0_lowered:
.L_overlay_start_1:
0x0: {  	(tag) =	ssettag $0x1  }
0x1: {  	s9 =	rddreg [dreg:$0x0];
	s1 =	srdreg.scid  }
0x2: {  	s0 =	stileid.u32;
	s2 =	rddreg [dreg:$0x1];
	s3 =	simm.s32 $0x0  }
0x3: {  	s14 =	sand.u32 $0x1, s1;
	s4 =	sshll.u32 s0, $0x1;
	s1 =	rddreg [dreg:$0x2]  }
0x4: {  	[smem:$0x7FF] =	sst s3;
	s29 =	sshll.u32 s0, $0xB;
	s30 =	sshll.u32 s0, $0xE  }
0x5: {  	s16 =	sshll.u32 s0, $0x6;
	s10 =	sor.u32 s14, s4;
	_ =	strace $0x80000056  }
0x6: {  	s15 =	sadd.s32 s29, s9;
	s7 =	sadd.s32 s30, s2;
	s4 =	sshll.u32 s10, $0x5  }
0x7: {  	s5 =	sor.u32 $0x1C01, s16;
	s8 =	sshrl.u32 s7, $0x3;
	s6 =	sadd.s32 s4, s9  }
0x8: {  	s7 =	simm.s32 $0x2;
	s4 =	sadd.s32 $0x27C00, s15;
	s6 =	sadd.s32 $0x7800, s6  }
0x9: {  	[spmem:s8], [sflag:s5] =	dma.local [hbm:s4], $0x800  }
0xa: {  	[tilespmem:s3], [sflag:$0x2] =	stream.linear.gather [hbm4b:s6+s3], $0x100, $0x38;
	[tilespmem:$0xC100] =	vst v63  }
0xb: {  	s10 =	sshll.u32 s10, $0xC;
	_ =	swait.ge [sflag:s7], $0x100  }
0xc: {  	s9 =	sadd.s32 s10, s9;
	[sflag:s7] =	ssyncset.done $0x0  }
0xd: {  	s10 =	simm.s32 $0x100;
	s9 =	sadd.s32 $0x2FC00, s9;
	[sflag:s7] =	ssyncadd.s32 $0xFFFFFF00  }
0xe: {  	[tilespmem:s10], [sflag:$0x2] =	stream.linear.gather [hbm4b:s9+s3], $0x8000, $0x38;
	[tilespmem:$0xC100] =	vst v63  }
0xf: {  	_ =	swait.ge [sflag:s7], $0x8000  }
0x10: {  	[sflag:s7] =	ssyncset.done $0x0  }
0x11: {  	s11 =	simm.s32 $0x1;
	[sflag:s7] =	ssyncadd.s32 $0xFFFF8000  }
0x12: {  	_ =	swait.ge [sflag:s11], $0x800  }
0x13: {  	[sflag:s11] =	ssyncset.done $0x0  }
0x14: {  	[sflag:s11] =	ssyncadd.s32 $0xFFFFF800  }
0x15: {  	s12 =	simm.s32 $0x80;
	[bflag:$0x0] =	sbarrier.arrive $0xFFFF  }
0x16: {  	[spmem:s2] =	stream.indirect.scatter.add.f32 [tilespmem:s10], [sflag:$0x2], $0x80, s3, s12, $0xb8;
	[tilespmem:$0xC100] =	vst v63  }
0x17: {  	s13 =	simm.s32 $0x4100;
	s17 =	ssub.s32 $0x2, s14;
	_ =	swait.ge [sflag:s7], $0x4000  }
0x18: {  	s14 =	sshll.u32 s14, $0xF;
	s31 =	sshrl.u32 s17, $0x1;
	[sflag:s7] =	ssyncset.done $0x0  }
0x19: {  	s14 =	sadd.s32 s14, s15;
	s15 =	ssub.s32 s17, s31;
	[sflag:s7] =	ssyncadd.s32 $0xFFFFC000  }
0x1a: {  	[spmem:s2] =	stream.indirect.scatter.add.f32 [tilespmem:s13], [sflag:$0x2], $0x80, s12, s12, $0xb8;
	[tilespmem:$0xC100] =	vst v63  }
0x1b: {  	s17 =	smax.u32 s15, $0x1;
	_ =	swait.ge [sflag:s7], $0x4000  }
0x1c: {  	p0 =	sne.s32 s17, $0x1;
	[sflag:s7] =	ssyncset.done $0x0  }
.Ltmp0:
0x1d: {  	[sflag:s7] =	ssyncadd.s32 $0xFFFFC000;
	(pc) =	sbr.rel @!p0 .LBB2_2-.Ltmp0, $4  }
0x1e: {  	s14 =	sadd.s32 $0xFC00, s14;
	s15 =	sor.u32 $0x1C02, s16;
	[bflag:$0x0] =	sbarrier.arrive $0xFFFF  }
0x1f: {  	[hbm:s14], [sflag:s15] =	dma.local [spmem:s8], $0x800  }
0x20: {  	_ =	swait.ge [sflag:s7], $0x800  }
0x21: {  	s16 =	sadd.s32 $0xFFFFFFFF, s17;
	[sflag:s7] =	ssyncset.done $0x0  }
.LBB2_1:
0x22: {  	p0 =	sne.s32 s16, $0x1;
	s16 =	sadd.s32 $0xFFFFFFFF, s16;
	[sflag:s7] =	ssyncadd.s32 $0xFFFFF800  }
0x23: {  	[spmem:s8], [sflag:s5] =	dma.local [hbm:s4], $0x800  }
0x24: {  	[tilespmem:s3], [sflag:$0x2] =	stream.linear.gather [hbm4b:s6+s3], $0x100, $0x38;
	[tilespmem:$0xC100] =	vst v63  }
0x25: {  	_ =	swait.ge [sflag:s7], $0x100  }
0x26: {  	[sflag:s7] =	ssyncset.done $0x0  }
0x27: {  	[sflag:s7] =	ssyncadd.s32 $0xFFFFFF00  }
0x28: {  	[tilespmem:s10], [sflag:$0x2] =	stream.linear.gather [hbm4b:s9+s3], $0x8000, $0x38;
	[tilespmem:$0xC100] =	vst v63  }
0x29: {  	_ =	swait.ge [sflag:s7], $0x8000  }
0x2a: {  	[sflag:s7] =	ssyncset.done $0x0  }
0x2b: {  	[sflag:s7] =	ssyncadd.s32 $0xFFFF8000  }
0x2c: {  	_ =	swait.ge [sflag:s11], $0x800  }
0x2d: {  	[sflag:s11] =	ssyncset.done $0x0  }
0x2e: {  	[sflag:s11] =	ssyncadd.s32 $0xFFFFF800  }
0x2f: {  	[bflag:$0x0] =	sbarrier.arrive $0xFFFF  }
0x30: {  	[spmem:s2] =	stream.indirect.scatter.add.f32 [tilespmem:s10], [sflag:$0x2], $0x80, s3, s12, $0xb8;
	[tilespmem:$0xC100] =	vst v63  }
0x31: {  	_ =	swait.ge [sflag:s7], $0x4000  }
0x32: {  	[sflag:s7] =	ssyncset.done $0x0  }
0x33: {  	[sflag:s7] =	ssyncadd.s32 $0xFFFFC000  }
0x34: {  	[spmem:s2] =	stream.indirect.scatter.add.f32 [tilespmem:s13], [sflag:$0x2], $0x80, s12, s12, $0xb8;
	[tilespmem:$0xC100] =	vst v63  }
0x35: {  	_ =	swait.ge [sflag:s7], $0x4000  }
0x36: {  	[sflag:s7] =	ssyncset.done $0x0  }
.Ltmp1:
0x37: {  	[sflag:s7] =	ssyncadd.s32 $0xFFFFC000;
	(pc) =	sbr.rel @p0 .LBB2_1-.Ltmp1, $4  }
0x38: {  	[bflag:$0x0] =	sbarrier.arrive $0xFFFF  }
0x39: {  	[hbm:s14], [sflag:s15] =	dma.local [spmem:s8], $0x800  }
0x3a: {  	_ =	swait.ge [sflag:s7], $0x800  }
0x3b: {  	[sflag:s7] =	ssyncset.done $0x0  }
.LBB2_2:
0x3c: {  	[sflag:s7] =	ssyncadd.s32 $0xFFFFF800  }
0x3d: {  	_ =	sfence.sel $0x180000  }
0x3e: {  	[bflag:$0x0] =	sbarrier.arrive $0xFFFF  }
0x3f: {  	p0 =	sne.s32 s0, $0x0;
	_ =	strace $0x90000056  }
0x40: {  	s0 =	sadd.s32 @!p0 $0x100000, s1;
	[bflag:$0x2] =	sbarrier.arrive $0xFFFF  }
0x41: {  	[sflag:s0] =	ssyncadd.tile.s32 @!p0 $0x1;
	_ =	shalt  }
.Lfunc_end2:
_tile_overlayer_lowered:
.L_overlay_start_2:
0x42: {  	(tag) =	ssettag $0x2  }
0x43: {  	s0 =	rddreg [dreg:$0x0];
	s2 =	stileid.u32  }
0x44: {  	s1 =	rddreg [dreg:$0x1];
	p0 =	sne.s32 s2, $0x0  }
0x45: {  	s3 =	rddreg [dreg:$0x2];
	[bflag:$0x3] =	sbarrier.arrive $0xFFFF;
	s2 =	simm.s32 @!p0 $0x1C02  }
0x46: {  	[timem:s3], [sflag:s2] =	dma.local @!p0 [hbm:s0], s1  }
0x47: {  	s0 =	simm.s32 @!p0 $0x2  }
0x48: {  	_ =	swait.ge @!p0 [sflag:s0], s1  }
0x49: {  	s1 =	ssub.s32 @!p0 $0x0, s1;
	[sflag:s0] =	ssyncset.done @!p0 $0x0  }
0x4a: {  	[sflag:s0] =	ssyncadd.s32 @!p0 s1  }
0x4b: {  	[bflag:$0x3] =	sbarrier.arrive $0xFFFF  }
0x4c: {  	_ =	shalt  }

</sc_bundles>
